<compile_context>
chip_gen: v7x
topology: tpu7x:2x2x1
jax: 0.10.2.dev20260603
libtpu: 0.0.44.dev20260713+nightly
codegen_flags: <defaults>
</compile_context>

<pallas_src>
import functools

import jax
import jax.numpy as jnp
from jax import lax
from jax.experimental import pallas as pl
from jax.experimental.pallas import tpu as pltpu
from jax.experimental.pallas import tpu_sc as plsc

BATCH = 16384
FIELDS = 26
EMBED_DIM = 32
N_ROWS = BATCH * FIELDS

NUM_CORES = 2
NUM_SUBCORES = 16
NW = NUM_CORES * NUM_SUBCORES
G = 128
LB = BATCH // G
UNITS = FIELDS * LB
U_PER_W = UNITS // NW
NBUF = 4
NTIL = 2
T = U_PER_W // NBUF

_mesh = plsc.VectorSubcoreMesh(core_axis_name="c", subcore_axis_name="s")

N_CLS = 1000000
N_PAD = 1000064
BLK = 128
B_PER_W2 = 248
NB1 = 4
NF1 = 2
T2 = B_PER_W2 // NB1
_LAST_R0 = N_PAD - BLK


@functools.partial(
    pl.kernel,
    mesh=_mesh,
    compiler_params=pltpu.CompilerParams(
        needs_layout_passes=False, disable_bounds_checks=True),
    out_type=jax.ShapeDtypeStruct((N_PAD * EMBED_DIM,), jnp.float32),
    scratch_types=(
        [pltpu.VMEM((EMBED_DIM, BLK), jnp.float32)] * 4
        + [pltpu.VMEM((BLK * EMBED_DIM,), jnp.float32)] * 2
        + [pltpu.SemaphoreType.DMA] * 6
    ),
)
def _table_transpose(tab_t_hbm, out_hbm, *bufs):
    slabs = bufs[0:4]
    flats = bufs[4:6]
    gsems = bufs[6:10]
    ssems = bufs[10:12]
    wid = lax.axis_index("s") * NUM_CORES + lax.axis_index("c")
    blk0 = wid * B_PER_W2

    iota16 = lax.iota(jnp.int32, 16)
    row_ids = [iota16 + g * 16 for g in range(8)]
    row_ids5 = [r << 5 for r in row_ids]

    def r0_of(blk):
        return jnp.minimum(blk * BLK, _LAST_R0)

    for b in range(NB1):
        pltpu.async_copy(
            tab_t_hbm.at[:, pl.ds(r0_of(blk0 + b), BLK)],
            slabs[b], gsems[b])

    def outer(t, carry):
        for b in range(NB1):
            blk = blk0 + t * NB1 + b
            fs = b % NF1
            if b < NF1:
                @pl.when(t > 0)
                def _():
                    pltpu.make_async_copy(
                        flats[fs], out_hbm.at[pl.ds(0, BLK * EMBED_DIM)],
                        ssems[fs]).wait()
            else:
                pltpu.make_async_copy(
                    flats[fs], out_hbm.at[pl.ds(0, BLK * EMBED_DIM)],
                    ssems[fs]).wait()
            pltpu.make_async_copy(
                tab_t_hbm.at[:, pl.ds(0, BLK)], slabs[b],
                gsems[b]).wait()

            def transpose_d(d, carry2):
                q = (iota16 + d) & 31
                for g in range(8):
                    v = plsc.load_gather(slabs[b], [q, row_ids[g]])
                    plsc.store_scatter(flats[fs], [row_ids5[g] + q], v)
                return carry2

            lax.fori_loop(0, EMBED_DIM, transpose_d, 0, unroll=False)
            pltpu.async_copy(
                flats[fs],
                out_hbm.at[pl.ds(r0_of(blk) * EMBED_DIM, BLK * EMBED_DIM)],
                ssems[fs])
            @pl.when(t < T2 - 1)
            def _():
                pltpu.async_copy(
                    tab_t_hbm.at[:, pl.ds(r0_of(blk + NB1), BLK)],
                    slabs[b], gsems[b])
        return carry

    lax.fori_loop(0, T2, outer, 0, unroll=False)
    for fs in range(NF1):
        pltpu.make_async_copy(
            flats[fs], out_hbm.at[pl.ds(0, BLK * EMBED_DIM)],
            ssems[fs]).wait()


@functools.partial(
    pl.kernel,
    mesh=_mesh,
    compiler_params=pltpu.CompilerParams(
        use_tc_tiling_on_sc=False, needs_layout_passes=False,
        disable_bounds_checks=True),
    out_type=jax.ShapeDtypeStruct((FIELDS, 4, LB, 8, G), jnp.float32),
    scratch_types=[
        pltpu.VMEM((U_PER_W, G), jnp.int32),
        pltpu.VMEM((NBUF, G, EMBED_DIM), jnp.float32),
        pltpu.VMEM((NTIL, 4, 8, G), jnp.float32),
    ] + [pltpu.SemaphoreType.DMA] * 6,
)
def _emb_gather(idx_hbm, table_hbm, out_hbm, idx_v, rows_v, tile_v, *sems):
    gsems = sems[0:4]
    ssems = sems[4:6]
    wid = lax.axis_index("s") * NUM_CORES + lax.axis_index("c")
    u0 = wid * U_PER_W
    pltpu.sync_copy(idx_hbm.at[wid], idx_v)

    iota16 = lax.iota(jnp.int32, 16)
    row_ids = [iota16 + g * 16 for g in range(8)]

    for b in range(NBUF):
        pltpu.async_copy(table_hbm.at[idx_v.at[b]], rows_v.at[b], gsems[b])

    def outer(t, carry):
        for b in range(NBUF):
            u = u0 + t * NBUF + b
            f = u // LB
            lb = u % LB
            ts = b % NTIL
            if b < NTIL:
                @pl.when(t > 0)
                def _():
                    pltpu.make_async_copy(
                        tile_v.at[ts], out_hbm.at[f, :, lb], ssems[ts]).wait()
            else:
                pltpu.make_async_copy(
                    tile_v.at[ts], out_hbm.at[f, :, lb], ssems[ts]).wait()
            pltpu.make_async_copy(
                table_hbm.at[pl.ds(0, G)], rows_v.at[b], gsems[b]).wait()

            def transpose_d(d, carry2):
                q = (iota16 + d) & 31
                sg = q >> 3
                sr = q & 7
                for g in range(8):
                    v = plsc.load_gather(rows_v.at[b], [row_ids[g], q])
                    plsc.store_scatter(
                        tile_v.at[ts], [sg, sr, row_ids[g]], v)
                return carry2

            lax.fori_loop(0, EMBED_DIM, transpose_d, 0, unroll=False)
            pltpu.async_copy(tile_v.at[ts], out_hbm.at[f, :, lb], ssems[ts])
            @pl.when(t < T - 1)
            def _():
                pltpu.async_copy(
                    table_hbm.at[idx_v.at[t * NBUF + NBUF + b]],
                    rows_v.at[b], gsems[b])
        return carry

    lax.fori_loop(0, T, outer, 0, unroll=False)
    u_last = u0 + U_PER_W
    for ts in range(NTIL):
        u = u_last - NTIL + ts
        pltpu.make_async_copy(
            tile_v.at[ts], out_hbm.at[u // LB, :, u % LB], ssems[ts]).wait()


def kernel(x, table):
    idx = x.astype(jnp.int32).T.reshape(NW, U_PER_W, G)
    tflat = _table_transpose(table.T)
    tlin = tflat.reshape(N_PAD, EMBED_DIM)
    out = _emb_gather(idx, tlin)
    return out.transpose(2, 4, 0, 1, 3).reshape(BATCH, FIELDS, EMBED_DIM)

# --- scband reference (transcript-rebuilt; emitter-appended) ---
"""Pipeline reference for scband-cls-embedding-28501402976381 (READ-ONLY COPY).

The authoritative reference and input builder live on the scoring server;
editing this copy changes nothing except your own understanding.
"""

import jax, jax.numpy as jnp
import numpy as np

N_CLS = 1000000
EMBED_DIM = 32
BATCH = 16384
FIELDS = 26

def setup_inputs(seed: int = 0) -> dict:
    key = jax.random.key(seed)
    k_idx, k_tab = jax.random.split(key)
    x = jax.random.randint(k_idx, (BATCH, FIELDS), 0, N_CLS, dtype=jnp.int64 if jax.config.jax_enable_x64 else jnp.int32)
    table = jax.random.normal(k_tab, (N_CLS, EMBED_DIM), dtype=jnp.float32)
    return {"x": x, "table": table}

def reference(x, table):
    # nn.Embedding lookup; dropout with p=0.0 is identity
    out = jnp.take(table, x, axis=0)
    return out

if __name__ == "__main__":
    import jax
    _d = setup_inputs()
    print(jax.jit(kernel)(*tuple(_d.values())))

</pallas_src>

<mosaic_0001>
#map = affine_map<(d0, d1) -> (0, 0)>
#map1 = affine_map<(d0, d1) -> (0)>
module attributes {stable_mosaic.version = 14 : i64} {
  func.func @_table_transpose(%arg0: i32, %arg1: i32, %arg2: memref<32x1000000xf32, #tpu.memory_space<hbm>>, %arg3: memref<32002048xf32, #tpu.memory_space<hbm>>, %arg4: memref<32x128xf32, #tpu.memory_space<vmem>>, %arg5: memref<32x128xf32, #tpu.memory_space<vmem>>, %arg6: memref<32x128xf32, #tpu.memory_space<vmem>>, %arg7: memref<32x128xf32, #tpu.memory_space<vmem>>, %arg8: memref<4096xf32, #tpu.memory_space<vmem>>, %arg9: memref<4096xf32, #tpu.memory_space<vmem>>, %arg10: memref<!tpu.dma_semaphore, #tpu.memory_space<semaphore_mem>>, %arg11: memref<!tpu.dma_semaphore, #tpu.memory_space<semaphore_mem>>, %arg12: memref<!tpu.dma_semaphore, #tpu.memory_space<semaphore_mem>>, %arg13: memref<!tpu.dma_semaphore, #tpu.memory_space<semaphore_mem>>, %arg14: memref<!tpu.dma_semaphore, #tpu.memory_space<semaphore_mem>>, %arg15: memref<!tpu.dma_semaphore, #tpu.memory_space<semaphore_mem>>) attributes {dimension_semantics = [#tpu.dimension_semantics<core_parallel>, #tpu.dimension_semantics<subcore_parallel>], iteration_bounds = array<i64: 2, 16>, scalar_prefetch = 0 : i64, scratch_operands = 12 : i64, tpu.core_type = #tpu.core_type<sc_vector_subcore>, window_params = [{transform_indices = #map}, {transform_indices = #map1}]} {
    %mul3A = arith.constant 2 : i32
    %mul3A_0 = arith.muli %arg1, %mul3A : i32
    %add3A = arith.addi %mul3A_0, %arg0 : i32
    %mul3A_1 = arith.constant 248 : i32
    %mul3A_2 = arith.muli %add3A, %mul3A_1 : i32
    %iota3A = tpu.iota {dimensions = array<i32: 0>} : vector<16xi32>
    %add3A_3 = arith.constant 0 : i32
    %add3A_4 = vector.broadcast %add3A_3 : i32 to vector<16xi32>
    %add3A_5 = arith.addi %iota3A, %add3A_4 : vector<16xi32>
    %add3A_6 = arith.constant 16 : i32
    %add3A_7 = vector.broadcast %add3A_6 : i32 to vector<16xi32>
    %add3A_8 = arith.addi %iota3A, %add3A_7 : vector<16xi32>
    %add3A_9 = arith.constant 32 : i32
    %add3A_10 = vector.broadcast %add3A_9 : i32 to vector<16xi32>
    %add3A_11 = arith.addi %iota3A, %add3A_10 : vector<16xi32>
    %add3A_12 = arith.constant 48 : i32
    %add3A_13 = vector.broadcast %add3A_12 : i32 to vector<16xi32>
    %add3A_14 = arith.addi %iota3A, %add3A_13 : vector<16xi32>
    %add3A_15 = arith.constant 64 : i32
    %add3A_16 = vector.broadcast %add3A_15 : i32 to vector<16xi32>
    %add3A_17 = arith.addi %iota3A, %add3A_16 : vector<16xi32>
    %add3A_18 = arith.constant 80 : i32
    %add3A_19 = vector.broadcast %add3A_18 : i32 to vector<16xi32>
    %add3A_20 = arith.addi %iota3A, %add3A_19 : vector<16xi32>
    %add3A_21 = arith.constant 96 : i32
    %add3A_22 = vector.broadcast %add3A_21 : i32 to vector<16xi32>
    %add3A_23 = arith.addi %iota3A, %add3A_22 : vector<16xi32>
    %add3A_24 = arith.constant 112 : i32
    %add3A_25 = vector.broadcast %add3A_24 : i32 to vector<16xi32>
    %add3A_26 = arith.addi %iota3A, %add3A_25 : vector<16xi32>
    %shift_left3A = arith.constant 5 : i32
    %shift_left3A_27 = vector.broadcast %shift_left3A : i32 to vector<16xi32>
    %shift_left3A_28 = arith.shli %add3A_5, %shift_left3A_27 : vector<16xi32>
    %shift_left3A_29 = arith.constant 5 : i32
    %shift_left3A_30 = vector.broadcast %shift_left3A_29 : i32 to vector<16xi32>
    %shift_left3A_31 = arith.shli %add3A_8, %shift_left3A_30 : vector<16xi32>
    %shift_left3A_32 = arith.constant 5 : i32
    %shift_left3A_33 = vector.broadcast %shift_left3A_32 : i32 to vector<16xi32>
    %shift_left3A_34 = arith.shli %add3A_11, %shift_left3A_33 : vector<16xi32>
    %shift_left3A_35 = arith.constant 5 : i32
    %shift_left3A_36 = vector.broadcast %shift_left3A_35 : i32 to vector<16xi32>
    %shift_left3A_37 = arith.shli %add3A_14, %shift_left3A_36 : vector<16xi32>
    %shift_left3A_38 = arith.constant 5 : i32
    %shift_left3A_39 = vector.broadcast %shift_left3A_38 : i32 to vector<16xi32>
    %shift_left3A_40 = arith.shli %add3A_17, %shift_left3A_39 : vector<16xi32>
    %shift_left3A_41 = arith.constant 5 : i32
    %shift_left3A_42 = vector.broadcast %shift_left3A_41 : i32 to vector<16xi32>
    %shift_left3A_43 = arith.shli %add3A_20, %shift_left3A_42 : vector<16xi32>
    %shift_left3A_44 = arith.constant 5 : i32
    %shift_left3A_45 = vector.broadcast %shift_left3A_44 : i32 to vector<16xi32>
    %shift_left3A_46 = arith.shli %add3A_23, %shift_left3A_45 : vector<16xi32>
    %shift_left3A_47 = arith.constant 5 : i32
    %shift_left3A_48 = vector.broadcast %shift_left3A_47 : i32 to vector<16xi32>
    %shift_left3A_49 = arith.shli %add3A_26, %shift_left3A_48 : vector<16xi32>
    %add3A_50 = arith.constant 0 : i32
    %add3A_51 = arith.addi %mul3A_2, %add3A_50 : i32
    %mul3A_52 = arith.constant 128 : i32
    %mul3A_53 = arith.muli %add3A_51, %mul3A_52 : i32
    %min3A = arith.constant 999936 : i32
    %min3A_54 = arith.minsi %mul3A_53, %min3A : i32
    %dma_start3A = arith.constant 0 : i32
    %dma_start3A_55 = tpu.memref_slice %arg2[%dma_start3A, %min3A_54] : memref<32x1000000xf32, #tpu.memory_space<hbm>> -> memref<32x128xf32, #tpu.memory_space<hbm>>
    %dma_start3A_56 = arith.constant 0 : i32
    %dma_start3A_57 = tpu.memref_slice %arg2[%dma_start3A_56, %min3A_54] : memref<32x1000000xf32, #tpu.memory_space<hbm>> -> memref<32x128xf32, #tpu.memory_space<hbm>>
    tpu.enqueue_dma source(%dma_start3A_57 : memref<32x128xf32, #tpu.memory_space<hbm>>) target(%arg4 : memref<32x128xf32, #tpu.memory_space<vmem>>) target_semaphore(%arg10 : memref<!tpu.dma_semaphore, #tpu.memory_space<semaphore_mem>>)
    %add3A_58 = arith.constant 1 : i32
    %add3A_59 = arith.addi %mul3A_2, %add3A_58 : i32
    %mul3A_60 = arith.constant 128 : i32
    %mul3A_61 = arith.muli %add3A_59, %mul3A_60 : i32
    %min3A_62 = arith.constant 999936 : i32
    %min3A_63 = arith.minsi %mul3A_61, %min3A_62 : i32
    %dma_start3A_64 = arith.constant 0 : i32
    %dma_start3A_65 = tpu.memref_slice %arg2[%dma_start3A_64, %min3A_63] : memref<32x1000000xf32, #tpu.memory_space<hbm>> -> memref<32x128xf32, #tpu.memory_space<hbm>>
    %dma_start3A_66 = arith.constant 0 : i32
    %dma_start3A_67 = tpu.memref_slice %arg2[%dma_start3A_66, %min3A_63] : memref<32x1000000xf32, #tpu.memory_space<hbm>> -> memref<32x128xf32, #tpu.memory_space<hbm>>
    tpu.enqueue_dma source(%dma_start3A_67 : memref<32x128xf32, #tpu.memory_space<hbm>>) target(%arg5 : memref<32x128xf32, #tpu.memory_space<vmem>>) target_semaphore(%arg11 : memref<!tpu.dma_semaphore, #tpu.memory_space<semaphore_mem>>)
    %add3A_68 = arith.constant 2 : i32
    %add3A_69 = arith.addi %mul3A_2, %add3A_68 : i32
    %mul3A_70 = arith.constant 128 : i32
    %mul3A_71 = arith.muli %add3A_69, %mul3A_70 : i32
    %min3A_72 = arith.constant 999936 : i32
    %min3A_73 = arith.minsi %mul3A_71, %min3A_72 : i32
    %dma_start3A_74 = arith.constant 0 : i32
    %dma_start3A_75 = tpu.memref_slice %arg2[%dma_start3A_74, %min3A_73] : memref<32x1000000xf32, #tpu.memory_space<hbm>> -> memref<32x128xf32, #tpu.memory_space<hbm>>
    %dma_start3A_76 = arith.constant 0 : i32
    %dma_start3A_77 = tpu.memref_slice %arg2[%dma_start3A_76, %min3A_73] : memref<32x1000000xf32, #tpu.memory_space<hbm>> -> memref<32x128xf32, #tpu.memory_space<hbm>>
    tpu.enqueue_dma source(%dma_start3A_77 : memref<32x128xf32, #tpu.memory_space<hbm>>) target(%arg6 : memref<32x128xf32, #tpu.memory_space<vmem>>) target_semaphore(%arg12 : memref<!tpu.dma_semaphore, #tpu.memory_space<semaphore_mem>>)
    %add3A_78 = arith.constant 3 : i32
    %add3A_79 = arith.addi %mul3A_2, %add3A_78 : i32
    %mul3A_80 = arith.constant 128 : i32
    %mul3A_81 = arith.muli %add3A_79, %mul3A_80 : i32
    %min3A_82 = arith.constant 999936 : i32
    %min3A_83 = arith.minsi %mul3A_81, %min3A_82 : i32
    %dma_start3A_84 = arith.constant 0 : i32
    %dma_start3A_85 = tpu.memref_slice %arg2[%dma_start3A_84, %min3A_83] : memref<32x1000000xf32, #tpu.memory_space<hbm>> -> memref<32x128xf32, #tpu.memory_space<hbm>>
    %dma_start3A_86 = arith.constant 0 : i32
    %dma_start3A_87 = tpu.memref_slice %arg2[%dma_start3A_86, %min3A_83] : memref<32x1000000xf32, #tpu.memory_space<hbm>> -> memref<32x128xf32, #tpu.memory_space<hbm>>
    tpu.enqueue_dma source(%dma_start3A_87 : memref<32x128xf32, #tpu.memory_space<hbm>>) target(%arg7 : memref<32x128xf32, #tpu.memory_space<vmem>>) target_semaphore(%arg13 : memref<!tpu.dma_semaphore, #tpu.memory_space<semaphore_mem>>)
    %scan3A = arith.constant 0 : i32
    %scan3A_88 = arith.constant 0 : i32
    %scan3A_89 = arith.constant 62 : i32
    %scan3A_90 = arith.addi %scan3A_88, %scan3A_89 : i32
    %scan3A_91 = arith.constant 1 : i32
    scf.for %scan3A_100 = %scan3A_88 to %scan3A_90 step %scan3A_91  : i32 {
      %mul3A_101 = arith.constant 4 : i32
      %mul3A_102 = arith.muli %scan3A_100, %mul3A_101 : i32
      %add3A_103 = arith.addi %mul3A_2, %mul3A_102 : i32
      %add3A_104 = arith.constant 0 : i32
      %add3A_105 = arith.addi %add3A_103, %add3A_104 : i32
      %gt3A = arith.constant 0 : i32
      %gt3A_106 = arith.cmpi sgt, %scan3A_100, %gt3A : i32
      %convert_element_type3A = arith.extui %gt3A_106 : i1 to i32
      %cond3A = arith.constant 0 : i32
      %cond3A_107 = arith.cmpi ne, %convert_element_type3A, %cond3A : i32
      scf.if %cond3A_107 {
        %dma_wait3A_235 = arith.constant 0 : i32
        %dma_wait3A_236 = tpu.memref_slice %arg3[%dma_wait3A_235] : memref<32002048xf32, #tpu.memory_space<hbm>> -> memref<4096xf32, #tpu.memory_space<hbm>>
        %dma_wait3A_237 = arith.constant 0 : i32
        %dma_wait3A_238 = tpu.memref_slice %arg3[%dma_wait3A_237] : memref<32002048xf32, #tpu.memory_space<hbm>> -> memref<4096xf32, #tpu.memory_space<hbm>>
        tpu.wait_dma2 semaphore(%arg14 : memref<!tpu.dma_semaphore, #tpu.memory_space<semaphore_mem>>) src(%arg8 : memref<4096xf32, #tpu.memory_space<vmem>>) dst(%dma_wait3A_238 : memref<4096xf32, #tpu.memory_space<hbm>>)
      } else {
      }
      %dma_wait3A_108 = arith.constant 0 : i32
      %dma_wait3A_109 = arith.constant 0 : i32
      %dma_wait3A_110 = tpu.memref_slice %arg2[%dma_wait3A_108, %dma_wait3A_109] : memref<32x1000000xf32, #tpu.memory_space<hbm>> -> memref<32x128xf32, #tpu.memory_space<hbm>>
      %dma_wait3A_111 = arith.constant 0 : i32
      %dma_wait3A_112 = arith.constant 0 : i32
      %dma_wait3A_113 = tpu.memref_slice %arg2[%dma_wait3A_111, %dma_wait3A_112] : memref<32x1000000xf32, #tpu.memory_space<hbm>> -> memref<32x128xf32, #tpu.memory_space<hbm>>
      tpu.wait_dma2 semaphore(%arg10 : memref<!tpu.dma_semaphore, #tpu.memory_space<semaphore_mem>>) src(%dma_wait3A_113 : memref<32x128xf32, #tpu.memory_space<hbm>>) dst(%arg4 : memref<32x128xf32, #tpu.memory_space<vmem>>)
      %scan3A_114 = arith.constant 0 : i32
      %scan3A_115 = arith.constant 0 : i32
      %scan3A_116 = arith.constant 32 : i32
      %scan3A_117 = arith.addi %scan3A_115, %scan3A_116 : i32
      %scan3A_118 = arith.constant 1 : i32
      scf.for %scan3A_235 = %scan3A_115 to %scan3A_117 step %scan3A_118  : i32 {
        %add3A_236 = vector.broadcast %scan3A_235 : i32 to vector<16xi32>
        %add3A_237 = arith.addi %iota3A, %add3A_236 : vector<16xi32>
        %and3A = arith.constant 31 : i32
        %and3A_238 = vector.broadcast %and3A : i32 to vector<16xi32>
        %and3A_239 = arith.andi %add3A_237, %and3A_238 : vector<16xi32>
        %gather3A = tpu.vector_load_idx %arg4[%and3A_239, %add3A_5] : memref<32x128xf32, #tpu.memory_space<vmem>>[vector<16xi32>, vector<16xi32>], vector<16xf32>,
        %add3A_240 = arith.addi %shift_left3A_28, %and3A_239 : vector<16xi32>
        tpu.vector_store_idx %arg8[%add3A_240], %gather3A : memref<4096xf32, #tpu.memory_space<vmem>>[vector<16xi32>], vector<16xf32>,
        %gather3A_241 = tpu.vector_load_idx %arg4[%and3A_239, %add3A_8] : memref<32x128xf32, #tpu.memory_space<vmem>>[vector<16xi32>, vector<16xi32>], vector<16xf32>,
        %add3A_242 = arith.addi %shift_left3A_31, %and3A_239 : vector<16xi32>
        tpu.vector_store_idx %arg8[%add3A_242], %gather3A_241 : memref<4096xf32, #tpu.memory_space<vmem>>[vector<16xi32>], vector<16xf32>,
        %gather3A_243 = tpu.vector_load_idx %arg4[%and3A_239, %add3A_11] : memref<32x128xf32, #tpu.memory_space<vmem>>[vector<16xi32>, vector<16xi32>], vector<16xf32>,
        %add3A_244 = arith.addi %shift_left3A_34, %and3A_239 : vector<16xi32>
        tpu.vector_store_idx %arg8[%add3A_244], %gather3A_243 : memref<4096xf32, #tpu.memory_space<vmem>>[vector<16xi32>], vector<16xf32>,
        %gather3A_245 = tpu.vector_load_idx %arg4[%and3A_239, %add3A_14] : memref<32x128xf32, #tpu.memory_space<vmem>>[vector<16xi32>, vector<16xi32>], vector<16xf32>,
        %add3A_246 = arith.addi %shift_left3A_37, %and3A_239 : vector<16xi32>
        tpu.vector_store_idx %arg8[%add3A_246], %gather3A_245 : memref<4096xf32, #tpu.memory_space<vmem>>[vector<16xi32>], vector<16xf32>,
        %gather3A_247 = tpu.vector_load_idx %arg4[%and3A_239, %add3A_17] : memref<32x128xf32, #tpu.memory_space<vmem>>[vector<16xi32>, vector<16xi32>], vector<16xf32>,
        %add3A_248 = arith.addi %shift_left3A_40, %and3A_239 : vector<16xi32>
        tpu.vector_store_idx %arg8[%add3A_248], %gather3A_247 : memref<4096xf32, #tpu.memory_space<vmem>>[vector<16xi32>], vector<16xf32>,
        %gather3A_249 = tpu.vector_load_idx %arg4[%and3A_239, %add3A_20] : memref<32x128xf32, #tpu.memory_space<vmem>>[vector<16xi32>, vector<16xi32>], vector<16xf32>,
        %add3A_250 = arith.addi %shift_left3A_43, %and3A_239 : vector<16xi32>
        tpu.vector_store_idx %arg8[%add3A_250], %gather3A_249 : memref<4096xf32, #tpu.memory_space<vmem>>[vector<16xi32>], vector<16xf32>,
        %gather3A_251 = tpu.vector_load_idx %arg4[%and3A_239, %add3A_23] : memref<32x128xf32, #tpu.memory_space<vmem>>[vector<16xi32>, vector<16xi32>], vector<16xf32>,
        %add3A_252 = arith.addi %shift_left3A_46, %and3A_239 : vector<16xi32>
        tpu.vector_store_idx %arg8[%add3A_252], %gather3A_251 : memref<4096xf32, #tpu.memory_space<vmem>>[vector<16xi32>], vector<16xf32>,
        %gather3A_253 = tpu.vector_load_idx %arg4[%and3A_239, %add3A_26] : memref<32x128xf32, #tpu.memory_space<vmem>>[vector<16xi32>, vector<16xi32>], vector<16xf32>,
        %add3A_254 = arith.addi %shift_left3A_49, %and3A_239 : vector<16xi32>
        tpu.vector_store_idx %arg8[%add3A_254], %gather3A_253 : memref<4096xf32, #tpu.memory_space<vmem>>[vector<16xi32>], vector<16xf32>,
      }
      %scan3A_119 = arith.constant 32 : i32
      %mul3A_120 = arith.constant 128 : i32
      %mul3A_121 = arith.muli %add3A_105, %mul3A_120 : i32
      %min3A_122 = arith.constant 999936 : i32
      %min3A_123 = arith.minsi %mul3A_121, %min3A_122 : i32
      %mul3A_124 = arith.constant 32 : i32
      %mul3A_125 = arith.muli %min3A_123, %mul3A_124 : i32
      %dma_start3A_126 = tpu.memref_slice %arg3[%mul3A_125] : memref<32002048xf32, #tpu.memory_space<hbm>> -> memref<4096xf32, #tpu.memory_space<hbm>>
      %dma_start3A_127 = tpu.memref_slice %arg3[%mul3A_125] : memref<32002048xf32, #tpu.memory_space<hbm>> -> memref<4096xf32, #tpu.memory_space<hbm>>
      tpu.enqueue_dma source(%arg8 : memref<4096xf32, #tpu.memory_space<vmem>>) target(%dma_start3A_127 : memref<4096xf32, #tpu.memory_space<hbm>>) target_semaphore(%arg14 : memref<!tpu.dma_semaphore, #tpu.memory_space<semaphore_mem>>)
      %lt3A = arith.constant 61 : i32
      %lt3A_128 = arith.cmpi slt, %scan3A_100, %lt3A : i32
      %convert_element_type3A_129 = arith.extui %lt3A_128 : i1 to i32
      %cond3A_130 = arith.constant 0 : i32
      %cond3A_131 = arith.cmpi ne, %convert_element_type3A_129, %cond3A_130 : i32
      scf.if %cond3A_131 {
        %add3A_235 = arith.constant 4 : i32
        %add3A_236 = arith.addi %add3A_105, %add3A_235 : i32
        %mul3A_237 = arith.constant 128 : i32
        %mul3A_238 = arith.muli %add3A_236, %mul3A_237 : i32
        %min3A_239 = arith.constant 999936 : i32
        %min3A_240 = arith.minsi %mul3A_238, %min3A_239 : i32
        %dma_start3A_241 = arith.constant 0 : i32
        %dma_start3A_242 = tpu.memref_slice %arg2[%dma_start3A_241, %min3A_240] : memref<32x1000000xf32, #tpu.memory_space<hbm>> -> memref<32x128xf32, #tpu.memory_space<hbm>>
        %dma_start3A_243 = arith.constant 0 : i32
        %dma_start3A_244 = tpu.memref_slice %arg2[%dma_start3A_243, %min3A_240] : memref<32x1000000xf32, #tpu.memory_space<hbm>> -> memref<32x128xf32, #tpu.memory_space<hbm>>
        tpu.enqueue_dma source(%dma_start3A_244 : memref<32x128xf32, #tpu.memory_space<hbm>>) target(%arg4 : memref<32x128xf32, #tpu.memory_space<vmem>>) target_semaphore(%arg10 : memref<!tpu.dma_semaphore, #tpu.memory_space<semaphore_mem>>)
      } else {
      }
      %mul3A_132 = arith.constant 4 : i32
      %mul3A_133 = arith.muli %scan3A_100, %mul3A_132 : i32
      %add3A_134 = arith.addi %mul3A_2, %mul3A_133 : i32
      %add3A_135 = arith.constant 1 : i32
      %add3A_136 = arith.addi %add3A_134, %add3A_135 : i32
      %gt3A_137 = arith.constant 0 : i32
      %gt3A_138 = arith.cmpi sgt, %scan3A_100, %gt3A_137 : i32
      %convert_element_type3A_139 = arith.extui %gt3A_138 : i1 to i32
      %cond3A_140 = arith.constant 0 : i32
      %cond3A_141 = arith.cmpi ne, %convert_element_type3A_139, %cond3A_140 : i32
      scf.if %cond3A_141 {
        %dma_wait3A_235 = arith.constant 0 : i32
        %dma_wait3A_236 = tpu.memref_slice %arg3[%dma_wait3A_235] : memref<32002048xf32, #tpu.memory_space<hbm>> -> memref<4096xf32, #tpu.memory_space<hbm>>
        %dma_wait3A_237 = arith.constant 0 : i32
        %dma_wait3A_238 = tpu.memref_slice %arg3[%dma_wait3A_237] : memref<32002048xf32, #tpu.memory_space<hbm>> -> memref<4096xf32, #tpu.memory_space<hbm>>
        tpu.wait_dma2 semaphore(%arg15 : memref<!tpu.dma_semaphore, #tpu.memory_space<semaphore_mem>>) src(%arg9 : memref<4096xf32, #tpu.memory_space<vmem>>) dst(%dma_wait3A_238 : memref<4096xf32, #tpu.memory_space<hbm>>)
      } else {
      }
      %dma_wait3A_142 = arith.constant 0 : i32
      %dma_wait3A_143 = arith.constant 0 : i32
      %dma_wait3A_144 = tpu.memref_slice %arg2[%dma_wait3A_142, %dma_wait3A_143] : memref<32x1000000xf32, #tpu.memory_space<hbm>> -> memref<32x128xf32, #tpu.memory_space<hbm>>
      %dma_wait3A_145 = arith.constant 0 : i32
      %dma_wait3A_146 = arith.constant 0 : i32
      %dma_wait3A_147 = tpu.memref_slice %arg2[%dma_wait3A_145, %dma_wait3A_146] : memref<32x1000000xf32, #tpu.memory_space<hbm>> -> memref<32x128xf32, #tpu.memory_space<hbm>>
      tpu.wait_dma2 semaphore(%arg11 : memref<!tpu.dma_semaphore, #tpu.memory_space<semaphore_mem>>) src(%dma_wait3A_147 : memref<32x128xf32, #tpu.memory_space<hbm>>) dst(%arg5 : memref<32x128xf32, #tpu.memory_space<vmem>>)
      %scan3A_148 = arith.constant 0 : i32
      %scan3A_149 = arith.constant 0 : i32
      %scan3A_150 = arith.constant 32 : i32
      %scan3A_151 = arith.addi %scan3A_149, %scan3A_150 : i32
      %scan3A_152 = arith.constant 1 : i32
      scf.for %scan3A_235 = %scan3A_149 to %scan3A_151 step %scan3A_152  : i32 {
        %add3A_236 = vector.broadcast %scan3A_235 : i32 to vector<16xi32>
        %add3A_237 = arith.addi %iota3A, %add3A_236 : vector<16xi32>
        %and3A = arith.constant 31 : i32
        %and3A_238 = vector.broadcast %and3A : i32 to vector<16xi32>
        %and3A_239 = arith.andi %add3A_237, %and3A_238 : vector<16xi32>
        %gather3A = tpu.vector_load_idx %arg5[%and3A_239, %add3A_5] : memref<32x128xf32, #tpu.memory_space<vmem>>[vector<16xi32>, vector<16xi32>], vector<16xf32>,
        %add3A_240 = arith.addi %shift_left3A_28, %and3A_239 : vector<16xi32>
        tpu.vector_store_idx %arg9[%add3A_240], %gather3A : memref<4096xf32, #tpu.memory_space<vmem>>[vector<16xi32>], vector<16xf32>,
        %gather3A_241 = tpu.vector_load_idx %arg5[%and3A_239, %add3A_8] : memref<32x128xf32, #tpu.memory_space<vmem>>[vector<16xi32>, vector<16xi32>], vector<16xf32>,
        %add3A_242 = arith.addi %shift_left3A_31, %and3A_239 : vector<16xi32>
        tpu.vector_store_idx %arg9[%add3A_242], %gather3A_241 : memref<4096xf32, #tpu.memory_space<vmem>>[vector<16xi32>], vector<16xf32>,
        %gather3A_243 = tpu.vector_load_idx %arg5[%and3A_239, %add3A_11] : memref<32x128xf32, #tpu.memory_space<vmem>>[vector<16xi32>, vector<16xi32>], vector<16xf32>,
        %add3A_244 = arith.addi %shift_left3A_34, %and3A_239 : vector<16xi32>
        tpu.vector_store_idx %arg9[%add3A_244], %gather3A_243 : memref<4096xf32, #tpu.memory_space<vmem>>[vector<16xi32>], vector<16xf32>,
        %gather3A_245 = tpu.vector_load_idx %arg5[%and3A_239, %add3A_14] : memref<32x128xf32, #tpu.memory_space<vmem>>[vector<16xi32>, vector<16xi32>], vector<16xf32>,
        %add3A_246 = arith.addi %shift_left3A_37, %and3A_239 : vector<16xi32>
        tpu.vector_store_idx %arg9[%add3A_246], %gather3A_245 : memref<4096xf32, #tpu.memory_space<vmem>>[vector<16xi32>], vector<16xf32>,
        %gather3A_247 = tpu.vector_load_idx %arg5[%and3A_239, %add3A_17] : memref<32x128xf32, #tpu.memory_space<vmem>>[vector<16xi32>, vector<16xi32>], vector<16xf32>,
        %add3A_248 = arith.addi %shift_left3A_40, %and3A_239 : vector<16xi32>
        tpu.vector_store_idx %arg9[%add3A_248], %gather3A_247 : memref<4096xf32, #tpu.memory_space<vmem>>[vector<16xi32>], vector<16xf32>,
        %gather3A_249 = tpu.vector_load_idx %arg5[%and3A_239, %add3A_20] : memref<32x128xf32, #tpu.memory_space<vmem>>[vector<16xi32>, vector<16xi32>], vector<16xf32>,
        %add3A_250 = arith.addi %shift_left3A_43, %and3A_239 : vector<16xi32>
        tpu.vector_store_idx %arg9[%add3A_250], %gather3A_249 : memref<4096xf32, #tpu.memory_space<vmem>>[vector<16xi32>], vector<16xf32>,
        %gather3A_251 = tpu.vector_load_idx %arg5[%and3A_239, %add3A_23] : memref<32x128xf32, #tpu.memory_space<vmem>>[vector<16xi32>, vector<16xi32>], vector<16xf32>,
        %add3A_252 = arith.addi %shift_left3A_46, %and3A_239 : vector<16xi32>
        tpu.vector_store_idx %arg9[%add3A_252], %gather3A_251 : memref<4096xf32, #tpu.memory_space<vmem>>[vector<16xi32>], vector<16xf32>,
        %gather3A_253 = tpu.vector_load_idx %arg5[%and3A_239, %add3A_26] : memref<32x128xf32, #tpu.memory_space<vmem>>[vector<16xi32>, vector<16xi32>], vector<16xf32>,
        %add3A_254 = arith.addi %shift_left3A_49, %and3A_239 : vector<16xi32>
        tpu.vector_store_idx %arg9[%add3A_254], %gather3A_253 : memref<4096xf32, #tpu.memory_space<vmem>>[vector<16xi32>], vector<16xf32>,
      }
      %scan3A_153 = arith.constant 32 : i32
      %mul3A_154 = arith.constant 128 : i32
      %mul3A_155 = arith.muli %add3A_136, %mul3A_154 : i32
      %min3A_156 = arith.constant 999936 : i32
      %min3A_157 = arith.minsi %mul3A_155, %min3A_156 : i32
      %mul3A_158 = arith.constant 32 : i32
      %mul3A_159 = arith.muli %min3A_157, %mul3A_158 : i32
      %dma_start3A_160 = tpu.memref_slice %arg3[%mul3A_159] : memref<32002048xf32, #tpu.memory_space<hbm>> -> memref<4096xf32, #tpu.memory_space<hbm>>
      %dma_start3A_161 = tpu.memref_slice %arg3[%mul3A_159] : memref<32002048xf32, #tpu.memory_space<hbm>> -> memref<4096xf32, #tpu.memory_space<hbm>>
      tpu.enqueue_dma source(%arg9 : memref<4096xf32, #tpu.memory_space<vmem>>) target(%dma_start3A_161 : memref<4096xf32, #tpu.memory_space<hbm>>) target_semaphore(%arg15 : memref<!tpu.dma_semaphore, #tpu.memory_space<semaphore_mem>>)
      %lt3A_162 = arith.constant 61 : i32
      %lt3A_163 = arith.cmpi slt, %scan3A_100, %lt3A_162 : i32
      %convert_element_type3A_164 = arith.extui %lt3A_163 : i1 to i32
      %cond3A_165 = arith.constant 0 : i32
      %cond3A_166 = arith.cmpi ne, %convert_element_type3A_164, %cond3A_165 : i32
      scf.if %cond3A_166 {
        %add3A_235 = arith.constant 4 : i32
        %add3A_236 = arith.addi %add3A_136, %add3A_235 : i32
        %mul3A_237 = arith.constant 128 : i32
        %mul3A_238 = arith.muli %add3A_236, %mul3A_237 : i32
        %min3A_239 = arith.constant 999936 : i32
        %min3A_240 = arith.minsi %mul3A_238, %min3A_239 : i32
        %dma_start3A_241 = arith.constant 0 : i32
        %dma_start3A_242 = tpu.memref_slice %arg2[%dma_start3A_241, %min3A_240] : memref<32x1000000xf32, #tpu.memory_space<hbm>> -> memref<32x128xf32, #tpu.memory_space<hbm>>
        %dma_start3A_243 = arith.constant 0 : i32
        %dma_start3A_244 = tpu.memref_slice %arg2[%dma_start3A_243, %min3A_240] : memref<32x1000000xf32, #tpu.memory_space<hbm>> -> memref<32x128xf32, #tpu.memory_space<hbm>>
        tpu.enqueue_dma source(%dma_start3A_244 : memref<32x128xf32, #tpu.memory_space<hbm>>) target(%arg5 : memref<32x128xf32, #tpu.memory_space<vmem>>) target_semaphore(%arg11 : memref<!tpu.dma_semaphore, #tpu.memory_space<semaphore_mem>>)
      } else {
      }
      %mul3A_167 = arith.constant 4 : i32
      %mul3A_168 = arith.muli %scan3A_100, %mul3A_167 : i32
      %add3A_169 = arith.addi %mul3A_2, %mul3A_168 : i32
      %add3A_170 = arith.constant 2 : i32
      %add3A_171 = arith.addi %add3A_169, %add3A_170 : i32
      %dma_wait3A_172 = arith.constant 0 : i32
      %dma_wait3A_173 = tpu.memref_slice %arg3[%dma_wait3A_172] : memref<32002048xf32, #tpu.memory_space<hbm>> -> memref<4096xf32, #tpu.memory_space<hbm>>
      %dma_wait3A_174 = arith.constant 0 : i32
      %dma_wait3A_175 = tpu.memref_slice %arg3[%dma_wait3A_174] : memref<32002048xf32, #tpu.memory_space<hbm>> -> memref<4096xf32, #tpu.memory_space<hbm>>
      tpu.wait_dma2 semaphore(%arg14 : memref<!tpu.dma_semaphore, #tpu.memory_space<semaphore_mem>>) src(%arg8 : memref<4096xf32, #tpu.memory_space<vmem>>) dst(%dma_wait3A_175 : memref<4096xf32, #tpu.memory_space<hbm>>)
      %dma_wait3A_176 = arith.constant 0 : i32
      %dma_wait3A_177 = arith.constant 0 : i32
      %dma_wait3A_178 = tpu.memref_slice %arg2[%dma_wait3A_176, %dma_wait3A_177] : memref<32x1000000xf32, #tpu.memory_space<hbm>> -> memref<32x128xf32, #tpu.memory_space<hbm>>
      %dma_wait3A_179 = arith.constant 0 : i32
      %dma_wait3A_180 = arith.constant 0 : i32
      %dma_wait3A_181 = tpu.memref_slice %arg2[%dma_wait3A_179, %dma_wait3A_180] : memref<32x1000000xf32, #tpu.memory_space<hbm>> -> memref<32x128xf32, #tpu.memory_space<hbm>>
      tpu.wait_dma2 semaphore(%arg12 : memref<!tpu.dma_semaphore, #tpu.memory_space<semaphore_mem>>) src(%dma_wait3A_181 : memref<32x128xf32, #tpu.memory_space<hbm>>) dst(%arg6 : memref<32x128xf32, #tpu.memory_space<vmem>>)
      %scan3A_182 = arith.constant 0 : i32
      %scan3A_183 = arith.constant 0 : i32
      %scan3A_184 = arith.constant 32 : i32
      %scan3A_185 = arith.addi %scan3A_183, %scan3A_184 : i32
      %scan3A_186 = arith.constant 1 : i32
      scf.for %scan3A_235 = %scan3A_183 to %scan3A_185 step %scan3A_186  : i32 {
        %add3A_236 = vector.broadcast %scan3A_235 : i32 to vector<16xi32>
        %add3A_237 = arith.addi %iota3A, %add3A_236 : vector<16xi32>
        %and3A = arith.constant 31 : i32
        %and3A_238 = vector.broadcast %and3A : i32 to vector<16xi32>
        %and3A_239 = arith.andi %add3A_237, %and3A_238 : vector<16xi32>
        %gather3A = tpu.vector_load_idx %arg6[%and3A_239, %add3A_5] : memref<32x128xf32, #tpu.memory_space<vmem>>[vector<16xi32>, vector<16xi32>], vector<16xf32>,
        %add3A_240 = arith.addi %shift_left3A_28, %and3A_239 : vector<16xi32>
        tpu.vector_store_idx %arg8[%add3A_240], %gather3A : memref<4096xf32, #tpu.memory_space<vmem>>[vector<16xi32>], vector<16xf32>,
        %gather3A_241 = tpu.vector_load_idx %arg6[%and3A_239, %add3A_8] : memref<32x128xf32, #tpu.memory_space<vmem>>[vector<16xi32>, vector<16xi32>], vector<16xf32>,
        %add3A_242 = arith.addi %shift_left3A_31, %and3A_239 : vector<16xi32>
        tpu.vector_store_idx %arg8[%add3A_242], %gather3A_241 : memref<4096xf32, #tpu.memory_space<vmem>>[vector<16xi32>], vector<16xf32>,
        %gather3A_243 = tpu.vector_load_idx %arg6[%and3A_239, %add3A_11] : memref<32x128xf32, #tpu.memory_space<vmem>>[vector<16xi32>, vector<16xi32>], vector<16xf32>,
        %add3A_244 = arith.addi %shift_left3A_34, %and3A_239 : vector<16xi32>
        tpu.vector_store_idx %arg8[%add3A_244], %gather3A_243 : memref<4096xf32, #tpu.memory_space<vmem>>[vector<16xi32>], vector<16xf32>,
        %gather3A_245 = tpu.vector_load_idx %arg6[%and3A_239, %add3A_14] : memref<32x128xf32, #tpu.memory_space<vmem>>[vector<16xi32>, vector<16xi32>], vector<16xf32>,
        %add3A_246 = arith.addi %shift_left3A_37, %and3A_239 : vector<16xi32>
        tpu.vector_store_idx %arg8[%add3A_246], %gather3A_245 : memref<4096xf32, #tpu.memory_space<vmem>>[vector<16xi32>], vector<16xf32>,
        %gather3A_247 = tpu.vector_load_idx %arg6[%and3A_239, %add3A_17] : memref<32x128xf32, #tpu.memory_space<vmem>>[vector<16xi32>, vector<16xi32>], vector<16xf32>,
        %add3A_248 = arith.addi %shift_left3A_40, %and3A_239 : vector<16xi32>
        tpu.vector_store_idx %arg8[%add3A_248], %gather3A_247 : memref<4096xf32, #tpu.memory_space<vmem>>[vector<16xi32>], vector<16xf32>,
        %gather3A_249 = tpu.vector_load_idx %arg6[%and3A_239, %add3A_20] : memref<32x128xf32, #tpu.memory_space<vmem>>[vector<16xi32>, vector<16xi32>], vector<16xf32>,
        %add3A_250 = arith.addi %shift_left3A_43, %and3A_239 : vector<16xi32>
        tpu.vector_store_idx %arg8[%add3A_250], %gather3A_249 : memref<4096xf32, #tpu.memory_space<vmem>>[vector<16xi32>], vector<16xf32>,
        %gather3A_251 = tpu.vector_load_idx %arg6[%and3A_239, %add3A_23] : memref<32x128xf32, #tpu.memory_space<vmem>>[vector<16xi32>, vector<16xi32>], vector<16xf32>,
        %add3A_252 = arith.addi %shift_left3A_46, %and3A_239 : vector<16xi32>
        tpu.vector_store_idx %arg8[%add3A_252], %gather3A_251 : memref<4096xf32, #tpu.memory_space<vmem>>[vector<16xi32>], vector<16xf32>,
        %gather3A_253 = tpu.vector_load_idx %arg6[%and3A_239, %add3A_26] : memref<32x128xf32, #tpu.memory_space<vmem>>[vector<16xi32>, vector<16xi32>], vector<16xf32>,
        %add3A_254 = arith.addi %shift_left3A_49, %and3A_239 : vector<16xi32>
        tpu.vector_store_idx %arg8[%add3A_254], %gather3A_253 : memref<4096xf32, #tpu.memory_space<vmem>>[vector<16xi32>], vector<16xf32>,
      }
      %scan3A_187 = arith.constant 32 : i32
      %mul3A_188 = arith.constant 128 : i32
      %mul3A_189 = arith.muli %add3A_171, %mul3A_188 : i32
      %min3A_190 = arith.constant 999936 : i32
      %min3A_191 = arith.minsi %mul3A_189, %min3A_190 : i32
      %mul3A_192 = arith.constant 32 : i32
      %mul3A_193 = arith.muli %min3A_191, %mul3A_192 : i32
      %dma_start3A_194 = tpu.memref_slice %arg3[%mul3A_193] : memref<32002048xf32, #tpu.memory_space<hbm>> -> memref<4096xf32, #tpu.memory_space<hbm>>
      %dma_start3A_195 = tpu.memref_slice %arg3[%mul3A_193] : memref<32002048xf32, #tpu.memory_space<hbm>> -> memref<4096xf32, #tpu.memory_space<hbm>>
      tpu.enqueue_dma source(%arg8 : memref<4096xf32, #tpu.memory_space<vmem>>) target(%dma_start3A_195 : memref<4096xf32, #tpu.memory_space<hbm>>) target_semaphore(%arg14 : memref<!tpu.dma_semaphore, #tpu.memory_space<semaphore_mem>>)
      %lt3A_196 = arith.constant 61 : i32
      %lt3A_197 = arith.cmpi slt, %scan3A_100, %lt3A_196 : i32
      %convert_element_type3A_198 = arith.extui %lt3A_197 : i1 to i32
      %cond3A_199 = arith.constant 0 : i32
      %cond3A_200 = arith.cmpi ne, %convert_element_type3A_198, %cond3A_199 : i32
      scf.if %cond3A_200 {
        %add3A_235 = arith.constant 4 : i32
        %add3A_236 = arith.addi %add3A_171, %add3A_235 : i32
        %mul3A_237 = arith.constant 128 : i32
        %mul3A_238 = arith.muli %add3A_236, %mul3A_237 : i32
        %min3A_239 = arith.constant 999936 : i32
        %min3A_240 = arith.minsi %mul3A_238, %min3A_239 : i32
        %dma_start3A_241 = arith.constant 0 : i32
        %dma_start3A_242 = tpu.memref_slice %arg2[%dma_start3A_241, %min3A_240] : memref<32x1000000xf32, #tpu.memory_space<hbm>> -> memref<32x128xf32, #tpu.memory_space<hbm>>
        %dma_start3A_243 = arith.constant 0 : i32
        %dma_start3A_244 = tpu.memref_slice %arg2[%dma_start3A_243, %min3A_240] : memref<32x1000000xf32, #tpu.memory_space<hbm>> -> memref<32x128xf32, #tpu.memory_space<hbm>>
        tpu.enqueue_dma source(%dma_start3A_244 : memref<32x128xf32, #tpu.memory_space<hbm>>) target(%arg6 : memref<32x128xf32, #tpu.memory_space<vmem>>) target_semaphore(%arg12 : memref<!tpu.dma_semaphore, #tpu.memory_space<semaphore_mem>>)
      } else {
      }
      %mul3A_201 = arith.constant 4 : i32
      %mul3A_202 = arith.muli %scan3A_100, %mul3A_201 : i32
      %add3A_203 = arith.addi %mul3A_2, %mul3A_202 : i32
      %add3A_204 = arith.constant 3 : i32
      %add3A_205 = arith.addi %add3A_203, %add3A_204 : i32
      %dma_wait3A_206 = arith.constant 0 : i32
      %dma_wait3A_207 = tpu.memref_slice %arg3[%dma_wait3A_206] : memref<32002048xf32, #tpu.memory_space<hbm>> -> memref<4096xf32, #tpu.memory_space<hbm>>
      %dma_wait3A_208 = arith.constant 0 : i32
      %dma_wait3A_209 = tpu.memref_slice %arg3[%dma_wait3A_208] : memref<32002048xf32, #tpu.memory_space<hbm>> -> memref<4096xf32, #tpu.memory_space<hbm>>
      tpu.wait_dma2 semaphore(%arg15 : memref<!tpu.dma_semaphore, #tpu.memory_space<semaphore_mem>>) src(%arg9 : memref<4096xf32, #tpu.memory_space<vmem>>) dst(%dma_wait3A_209 : memref<4096xf32, #tpu.memory_space<hbm>>)
      %dma_wait3A_210 = arith.constant 0 : i32
      %dma_wait3A_211 = arith.constant 0 : i32
      %dma_wait3A_212 = tpu.memref_slice %arg2[%dma_wait3A_210, %dma_wait3A_211] : memref<32x1000000xf32, #tpu.memory_space<hbm>> -> memref<32x128xf32, #tpu.memory_space<hbm>>
      %dma_wait3A_213 = arith.constant 0 : i32
      %dma_wait3A_214 = arith.constant 0 : i32
      %dma_wait3A_215 = tpu.memref_slice %arg2[%dma_wait3A_213, %dma_wait3A_214] : memref<32x1000000xf32, #tpu.memory_space<hbm>> -> memref<32x128xf32, #tpu.memory_space<hbm>>
      tpu.wait_dma2 semaphore(%arg13 : memref<!tpu.dma_semaphore, #tpu.memory_space<semaphore_mem>>) src(%dma_wait3A_215 : memref<32x128xf32, #tpu.memory_space<hbm>>) dst(%arg7 : memref<32x128xf32, #tpu.memory_space<vmem>>)
      %scan3A_216 = arith.constant 0 : i32
      %scan3A_217 = arith.constant 0 : i32
      %scan3A_218 = arith.constant 32 : i32
      %scan3A_219 = arith.addi %scan3A_217, %scan3A_218 : i32
      %scan3A_220 = arith.constant 1 : i32
      scf.for %scan3A_235 = %scan3A_217 to %scan3A_219 step %scan3A_220  : i32 {
        %add3A_236 = vector.broadcast %scan3A_235 : i32 to vector<16xi32>
        %add3A_237 = arith.addi %iota3A, %add3A_236 : vector<16xi32>
        %and3A = arith.constant 31 : i32
        %and3A_238 = vector.broadcast %and3A : i32 to vector<16xi32>
        %and3A_239 = arith.andi %add3A_237, %and3A_238 : vector<16xi32>
        %gather3A = tpu.vector_load_idx %arg7[%and3A_239, %add3A_5] : memref<32x128xf32, #tpu.memory_space<vmem>>[vector<16xi32>, vector<16xi32>], vector<16xf32>,
        %add3A_240 = arith.addi %shift_left3A_28, %and3A_239 : vector<16xi32>
        tpu.vector_store_idx %arg9[%add3A_240], %gather3A : memref<4096xf32, #tpu.memory_space<vmem>>[vector<16xi32>], vector<16xf32>,
        %gather3A_241 = tpu.vector_load_idx %arg7[%and3A_239, %add3A_8] : memref<32x128xf32, #tpu.memory_space<vmem>>[vector<16xi32>, vector<16xi32>], vector<16xf32>,
        %add3A_242 = arith.addi %shift_left3A_31, %and3A_239 : vector<16xi32>
        tpu.vector_store_idx %arg9[%add3A_242], %gather3A_241 : memref<4096xf32, #tpu.memory_space<vmem>>[vector<16xi32>], vector<16xf32>,
        %gather3A_243 = tpu.vector_load_idx %arg7[%and3A_239, %add3A_11] : memref<32x128xf32, #tpu.memory_space<vmem>>[vector<16xi32>, vector<16xi32>], vector<16xf32>,
        %add3A_244 = arith.addi %shift_left3A_34, %and3A_239 : vector<16xi32>
        tpu.vector_store_idx %arg9[%add3A_244], %gather3A_243 : memref<4096xf32, #tpu.memory_space<vmem>>[vector<16xi32>], vector<16xf32>,
        %gather3A_245 = tpu.vector_load_idx %arg7[%and3A_239, %add3A_14] : memref<32x128xf32, #tpu.memory_space<vmem>>[vector<16xi32>, vector<16xi32>], vector<16xf32>,
        %add3A_246 = arith.addi %shift_left3A_37, %and3A_239 : vector<16xi32>
        tpu.vector_store_idx %arg9[%add3A_246], %gather3A_245 : memref<4096xf32, #tpu.memory_space<vmem>>[vector<16xi32>], vector<16xf32>,
        %gather3A_247 = tpu.vector_load_idx %arg7[%and3A_239, %add3A_17] : memref<32x128xf32, #tpu.memory_space<vmem>>[vector<16xi32>, vector<16xi32>], vector<16xf32>,
        %add3A_248 = arith.addi %shift_left3A_40, %and3A_239 : vector<16xi32>
        tpu.vector_store_idx %arg9[%add3A_248], %gather3A_247 : memref<4096xf32, #tpu.memory_space<vmem>>[vector<16xi32>], vector<16xf32>,
        %gather3A_249 = tpu.vector_load_idx %arg7[%and3A_239, %add3A_20] : memref<32x128xf32, #tpu.memory_space<vmem>>[vector<16xi32>, vector<16xi32>], vector<16xf32>,
        %add3A_250 = arith.addi %shift_left3A_43, %and3A_239 : vector<16xi32>
        tpu.vector_store_idx %arg9[%add3A_250], %gather3A_249 : memref<4096xf32, #tpu.memory_space<vmem>>[vector<16xi32>], vector<16xf32>,
        %gather3A_251 = tpu.vector_load_idx %arg7[%and3A_239, %add3A_23] : memref<32x128xf32, #tpu.memory_space<vmem>>[vector<16xi32>, vector<16xi32>], vector<16xf32>,
        %add3A_252 = arith.addi %shift_left3A_46, %and3A_239 : vector<16xi32>
        tpu.vector_store_idx %arg9[%add3A_252], %gather3A_251 : memref<4096xf32, #tpu.memory_space<vmem>>[vector<16xi32>], vector<16xf32>,
        %gather3A_253 = tpu.vector_load_idx %arg7[%and3A_239, %add3A_26] : memref<32x128xf32, #tpu.memory_space<vmem>>[vector<16xi32>, vector<16xi32>], vector<16xf32>,
        %add3A_254 = arith.addi %shift_left3A_49, %and3A_239 : vector<16xi32>
        tpu.vector_store_idx %arg9[%add3A_254], %gather3A_253 : memref<4096xf32, #tpu.memory_space<vmem>>[vector<16xi32>], vector<16xf32>,
      }
      %scan3A_221 = arith.constant 32 : i32
      %mul3A_222 = arith.constant 128 : i32
      %mul3A_223 = arith.muli %add3A_205, %mul3A_222 : i32
      %min3A_224 = arith.constant 999936 : i32
      %min3A_225 = arith.minsi %mul3A_223, %min3A_224 : i32
      %mul3A_226 = arith.constant 32 : i32
      %mul3A_227 = arith.muli %min3A_225, %mul3A_226 : i32
      %dma_start3A_228 = tpu.memref_slice %arg3[%mul3A_227] : memref<32002048xf32, #tpu.memory_space<hbm>> -> memref<4096xf32, #tpu.memory_space<hbm>>
      %dma_start3A_229 = tpu.memref_slice %arg3[%mul3A_227] : memref<32002048xf32, #tpu.memory_space<hbm>> -> memref<4096xf32, #tpu.memory_space<hbm>>
      tpu.enqueue_dma source(%arg9 : memref<4096xf32, #tpu.memory_space<vmem>>) target(%dma_start3A_229 : memref<4096xf32, #tpu.memory_space<hbm>>) target_semaphore(%arg15 : memref<!tpu.dma_semaphore, #tpu.memory_space<semaphore_mem>>)
      %lt3A_230 = arith.constant 61 : i32
      %lt3A_231 = arith.cmpi slt, %scan3A_100, %lt3A_230 : i32
      %convert_element_type3A_232 = arith.extui %lt3A_231 : i1 to i32
      %cond3A_233 = arith.constant 0 : i32
      %cond3A_234 = arith.cmpi ne, %convert_element_type3A_232, %cond3A_233 : i32
      scf.if %cond3A_234 {
        %add3A_235 = arith.constant 4 : i32
        %add3A_236 = arith.addi %add3A_205, %add3A_235 : i32
        %mul3A_237 = arith.constant 128 : i32
        %mul3A_238 = arith.muli %add3A_236, %mul3A_237 : i32
        %min3A_239 = arith.constant 999936 : i32
        %min3A_240 = arith.minsi %mul3A_238, %min3A_239 : i32
        %dma_start3A_241 = arith.constant 0 : i32
        %dma_start3A_242 = tpu.memref_slice %arg2[%dma_start3A_241, %min3A_240] : memref<32x1000000xf32, #tpu.memory_space<hbm>> -> memref<32x128xf32, #tpu.memory_space<hbm>>
        %dma_start3A_243 = arith.constant 0 : i32
        %dma_start3A_244 = tpu.memref_slice %arg2[%dma_start3A_243, %min3A_240] : memref<32x1000000xf32, #tpu.memory_space<hbm>> -> memref<32x128xf32, #tpu.memory_space<hbm>>
        tpu.enqueue_dma source(%dma_start3A_244 : memref<32x128xf32, #tpu.memory_space<hbm>>) target(%arg7 : memref<32x128xf32, #tpu.memory_space<vmem>>) target_semaphore(%arg13 : memref<!tpu.dma_semaphore, #tpu.memory_space<semaphore_mem>>)
      } else {
      }
    }
    %scan3A_92 = arith.constant 62 : i32
    %dma_wait3A = arith.constant 0 : i32
    %dma_wait3A_93 = tpu.memref_slice %arg3[%dma_wait3A] : memref<32002048xf32, #tpu.memory_space<hbm>> -> memref<4096xf32, #tpu.memory_space<hbm>>
    %dma_wait3A_94 = arith.constant 0 : i32
    %dma_wait3A_95 = tpu.memref_slice %arg3[%dma_wait3A_94] : memref<32002048xf32, #tpu.memory_space<hbm>> -> memref<4096xf32, #tpu.memory_space<hbm>>
    tpu.wait_dma2 semaphore(%arg14 : memref<!tpu.dma_semaphore, #tpu.memory_space<semaphore_mem>>) src(%arg8 : memref<4096xf32, #tpu.memory_space<vmem>>) dst(%dma_wait3A_95 : memref<4096xf32, #tpu.memory_space<hbm>>)
    %dma_wait3A_96 = arith.constant 0 : i32
    %dma_wait3A_97 = tpu.memref_slice %arg3[%dma_wait3A_96] : memref<32002048xf32, #tpu.memory_space<hbm>> -> memref<4096xf32, #tpu.memory_space<hbm>>
    %dma_wait3A_98 = arith.constant 0 : i32
    %dma_wait3A_99 = tpu.memref_slice %arg3[%dma_wait3A_98] : memref<32002048xf32, #tpu.memory_space<hbm>> -> memref<4096xf32, #tpu.memory_space<hbm>>
    tpu.wait_dma2 semaphore(%arg15 : memref<!tpu.dma_semaphore, #tpu.memory_space<semaphore_mem>>) src(%arg9 : memref<4096xf32, #tpu.memory_space<vmem>>) dst(%dma_wait3A_99 : memref<4096xf32, #tpu.memory_space<hbm>>)
    return
  }
}

#map = affine_map<(d0, d1) -> (0, 0, 0)>
#map1 = affine_map<(d0, d1) -> (0, 0)>
#map2 = affine_map<(d0, d1) -> (0, 0, 0, 0, 0)>
module attributes {stable_mosaic.version = 14 : i64} {
  func.func @_emb_gather(%arg0: i32, %arg1: i32, %arg2: memref<32x104x128xi32, #tpu.memory_space<hbm>>, %arg3: memref<1000064x32xf32, #tpu.memory_space<hbm>>, %arg4: memref<26x4x128x8x128xf32, #tpu.memory_space<hbm>>, %arg5: memref<104x128xi32, #tpu.memory_space<vmem>>, %arg6: memref<4x128x32xf32, #tpu.memory_space<vmem>>, %arg7: memref<2x4x8x128xf32, #tpu.memory_space<vmem>>, %arg8: memref<!tpu.dma_semaphore, #tpu.memory_space<semaphore_mem>>, %arg9: memref<!tpu.dma_semaphore, #tpu.memory_space<semaphore_mem>>, %arg10: memref<!tpu.dma_semaphore, #tpu.memory_space<semaphore_mem>>, %arg11: memref<!tpu.dma_semaphore, #tpu.memory_space<semaphore_mem>>, %arg12: memref<!tpu.dma_semaphore, #tpu.memory_space<semaphore_mem>>, %arg13: memref<!tpu.dma_semaphore, #tpu.memory_space<semaphore_mem>>) attributes {dimension_semantics = [#tpu.dimension_semantics<core_parallel>, #tpu.dimension_semantics<subcore_parallel>], iteration_bounds = array<i64: 2, 16>, scalar_prefetch = 0 : i64, scratch_operands = 9 : i64, tpu.core_type = #tpu.core_type<sc_vector_subcore>, window_params = [{transform_indices = #map}, {transform_indices = #map1}, {transform_indices = #map2}]} {
    %mul3A = arith.constant 2 : i32
    %mul3A_0 = arith.muli %arg1, %mul3A : i32
    %add3A = arith.addi %mul3A_0, %arg0 : i32
    %mul3A_1 = arith.constant 104 : i32
    %mul3A_2 = arith.muli %add3A, %mul3A_1 : i32
    "tpu.region"() ({
      %run_scoped3A = tpu.sem_alloc : memref<!tpu.dma_semaphore, #tpu.memory_space<semaphore_mem>>
      %dma_start3A_200 = arith.constant 0 : i32
      %dma_start3A_201 = arith.constant 0 : i32
      %dma_start3A_202 = tpu.memref_slice %arg2[%add3A, %dma_start3A_200, %dma_start3A_201] : memref<32x104x128xi32, #tpu.memory_space<hbm>> -> memref<1x104x128xi32, #tpu.memory_space<hbm>>
      %dma_start3A_203 = tpu.memref_squeeze %dma_start3A_202 : memref<1x104x128xi32, #tpu.memory_space<hbm>> -> memref<104x128xi32, #tpu.memory_space<hbm>>
      %dma_start3A_204 = arith.constant 0 : i32
      %dma_start3A_205 = arith.constant 0 : i32
      %dma_start3A_206 = tpu.memref_slice %arg2[%add3A, %dma_start3A_204, %dma_start3A_205] : memref<32x104x128xi32, #tpu.memory_space<hbm>> -> memref<1x104x128xi32, #tpu.memory_space<hbm>>
      %dma_start3A_207 = tpu.memref_squeeze %dma_start3A_206 : memref<1x104x128xi32, #tpu.memory_space<hbm>> -> memref<104x128xi32, #tpu.memory_space<hbm>>
      tpu.enqueue_dma source(%dma_start3A_207 : memref<104x128xi32, #tpu.memory_space<hbm>>) target(%arg5 : memref<104x128xi32, #tpu.memory_space<vmem>>) target_semaphore(%run_scoped3A : memref<!tpu.dma_semaphore, #tpu.memory_space<semaphore_mem>>)
      %dma_wait3A_208 = arith.constant 0 : i32
      %dma_wait3A_209 = arith.constant 0 : i32
      %dma_wait3A_210 = tpu.memref_slice %arg2[%add3A, %dma_wait3A_208, %dma_wait3A_209] : memref<32x104x128xi32, #tpu.memory_space<hbm>> -> memref<1x104x128xi32, #tpu.memory_space<hbm>>
      %dma_wait3A_211 = tpu.memref_squeeze %dma_wait3A_210 : memref<1x104x128xi32, #tpu.memory_space<hbm>> -> memref<104x128xi32, #tpu.memory_space<hbm>>
      %dma_wait3A_212 = arith.constant 0 : i32
      %dma_wait3A_213 = arith.constant 0 : i32
      %dma_wait3A_214 = tpu.memref_slice %arg2[%add3A, %dma_wait3A_212, %dma_wait3A_213] : memref<32x104x128xi32, #tpu.memory_space<hbm>> -> memref<1x104x128xi32, #tpu.memory_space<hbm>>
      %dma_wait3A_215 = tpu.memref_squeeze %dma_wait3A_214 : memref<1x104x128xi32, #tpu.memory_space<hbm>> -> memref<104x128xi32, #tpu.memory_space<hbm>>
      tpu.wait_dma2 semaphore(%run_scoped3A : memref<!tpu.dma_semaphore, #tpu.memory_space<semaphore_mem>>) src(%dma_wait3A_215 : memref<104x128xi32, #tpu.memory_space<hbm>>) dst(%arg5 : memref<104x128xi32, #tpu.memory_space<vmem>>)
      tpu.yield
    }) : () -> ()
    %iota3A = tpu.iota {dimensions = array<i32: 0>} : vector<16xi32>
    %add3A_3 = arith.constant 0 : i32
    %add3A_4 = vector.broadcast %add3A_3 : i32 to vector<16xi32>
    %add3A_5 = arith.addi %iota3A, %add3A_4 : vector<16xi32>
    %add3A_6 = arith.constant 16 : i32
    %add3A_7 = vector.broadcast %add3A_6 : i32 to vector<16xi32>
    %add3A_8 = arith.addi %iota3A, %add3A_7 : vector<16xi32>
    %add3A_9 = arith.constant 32 : i32
    %add3A_10 = vector.broadcast %add3A_9 : i32 to vector<16xi32>
    %add3A_11 = arith.addi %iota3A, %add3A_10 : vector<16xi32>
    %add3A_12 = arith.constant 48 : i32
    %add3A_13 = vector.broadcast %add3A_12 : i32 to vector<16xi32>
    %add3A_14 = arith.addi %iota3A, %add3A_13 : vector<16xi32>
    %add3A_15 = arith.constant 64 : i32
    %add3A_16 = vector.broadcast %add3A_15 : i32 to vector<16xi32>
    %add3A_17 = arith.addi %iota3A, %add3A_16 : vector<16xi32>
    %add3A_18 = arith.constant 80 : i32
    %add3A_19 = vector.broadcast %add3A_18 : i32 to vector<16xi32>
    %add3A_20 = arith.addi %iota3A, %add3A_19 : vector<16xi32>
    %add3A_21 = arith.constant 96 : i32
    %add3A_22 = vector.broadcast %add3A_21 : i32 to vector<16xi32>
    %add3A_23 = arith.addi %iota3A, %add3A_22 : vector<16xi32>
    %add3A_24 = arith.constant 112 : i32
    %add3A_25 = vector.broadcast %add3A_24 : i32 to vector<16xi32>
    %add3A_26 = arith.addi %iota3A, %add3A_25 : vector<16xi32>
    %dma_start3A = arith.constant 0 : i32
    %dma_start3A_27 = arith.constant 0 : i32
    %dma_start3A_28 = arith.constant 0 : i32
    %dma_start3A_29 = arith.constant 0 : i32
    %dma_start3A_30 = tpu.memref_slice %arg6[%dma_start3A_27, %dma_start3A_28, %dma_start3A_29] : memref<4x128x32xf32, #tpu.memory_space<vmem>> -> memref<1x128x32xf32, #tpu.memory_space<vmem>>
    %dma_start3A_31 = tpu.memref_squeeze %dma_start3A_30 : memref<1x128x32xf32, #tpu.memory_space<vmem>> -> memref<128x32xf32, #tpu.memory_space<vmem>>
    %dma_start3A_32 = arith.constant 0 : i32
    %dma_start3A_33 = tpu.memref_slice %arg5[%dma_start3A, %dma_start3A_32] : memref<104x128xi32, #tpu.memory_space<vmem>> -> memref<1x128xi32, #tpu.memory_space<vmem>>
    %dma_start3A_34 = tpu.memref_squeeze %dma_start3A_33 : memref<1x128xi32, #tpu.memory_space<vmem>> -> memref<128xi32, #tpu.memory_space<vmem>>
    %dma_start3A_35 = arith.constant 0 : i32
    %dma_start3A_36 = arith.constant 0 : i32
    %dma_start3A_37 = tpu.memref_slice %arg3[%dma_start3A_35, %dma_start3A_36] : memref<1000064x32xf32, #tpu.memory_space<hbm>> -> memref<1000064x32xf32, #tpu.memory_space<hbm>>
    tpu.enqueue_indirect_dma source(%dma_start3A_37 : memref<1000064x32xf32, #tpu.memory_space<hbm>>) target(%dma_start3A_31 : memref<128x32xf32, #tpu.memory_space<vmem>>) offsets(%dma_start3A_34 : memref<128xi32, #tpu.memory_space<vmem>>) semaphore(%arg8 : memref<!tpu.dma_semaphore, #tpu.memory_space<semaphore_mem>>)
    %dma_start3A_38 = arith.constant 1 : i32
    %dma_start3A_39 = arith.constant 1 : i32
    %dma_start3A_40 = arith.constant 0 : i32
    %dma_start3A_41 = arith.constant 0 : i32
    %dma_start3A_42 = tpu.memref_slice %arg6[%dma_start3A_39, %dma_start3A_40, %dma_start3A_41] : memref<4x128x32xf32, #tpu.memory_space<vmem>> -> memref<1x128x32xf32, #tpu.memory_space<vmem>>
    %dma_start3A_43 = tpu.memref_squeeze %dma_start3A_42 : memref<1x128x32xf32, #tpu.memory_space<vmem>> -> memref<128x32xf32, #tpu.memory_space<vmem>>
    %dma_start3A_44 = arith.constant 0 : i32
    %dma_start3A_45 = tpu.memref_slice %arg5[%dma_start3A_38, %dma_start3A_44] : memref<104x128xi32, #tpu.memory_space<vmem>> -> memref<1x128xi32, #tpu.memory_space<vmem>>
    %dma_start3A_46 = tpu.memref_squeeze %dma_start3A_45 : memref<1x128xi32, #tpu.memory_space<vmem>> -> memref<128xi32, #tpu.memory_space<vmem>>
    %dma_start3A_47 = arith.constant 0 : i32
    %dma_start3A_48 = arith.constant 0 : i32
    %dma_start3A_49 = tpu.memref_slice %arg3[%dma_start3A_47, %dma_start3A_48] : memref<1000064x32xf32, #tpu.memory_space<hbm>> -> memref<1000064x32xf32, #tpu.memory_space<hbm>>
    tpu.enqueue_indirect_dma source(%dma_start3A_49 : memref<1000064x32xf32, #tpu.memory_space<hbm>>) target(%dma_start3A_43 : memref<128x32xf32, #tpu.memory_space<vmem>>) offsets(%dma_start3A_46 : memref<128xi32, #tpu.memory_space<vmem>>) semaphore(%arg9 : memref<!tpu.dma_semaphore, #tpu.memory_space<semaphore_mem>>)
    %dma_start3A_50 = arith.constant 2 : i32
    %dma_start3A_51 = arith.constant 2 : i32
    %dma_start3A_52 = arith.constant 0 : i32
    %dma_start3A_53 = arith.constant 0 : i32
    %dma_start3A_54 = tpu.memref_slice %arg6[%dma_start3A_51, %dma_start3A_52, %dma_start3A_53] : memref<4x128x32xf32, #tpu.memory_space<vmem>> -> memref<1x128x32xf32, #tpu.memory_space<vmem>>
    %dma_start3A_55 = tpu.memref_squeeze %dma_start3A_54 : memref<1x128x32xf32, #tpu.memory_space<vmem>> -> memref<128x32xf32, #tpu.memory_space<vmem>>
    %dma_start3A_56 = arith.constant 0 : i32
    %dma_start3A_57 = tpu.memref_slice %arg5[%dma_start3A_50, %dma_start3A_56] : memref<104x128xi32, #tpu.memory_space<vmem>> -> memref<1x128xi32, #tpu.memory_space<vmem>>
    %dma_start3A_58 = tpu.memref_squeeze %dma_start3A_57 : memref<1x128xi32, #tpu.memory_space<vmem>> -> memref<128xi32, #tpu.memory_space<vmem>>
    %dma_start3A_59 = arith.constant 0 : i32
    %dma_start3A_60 = arith.constant 0 : i32
    %dma_start3A_61 = tpu.memref_slice %arg3[%dma_start3A_59, %dma_start3A_60] : memref<1000064x32xf32, #tpu.memory_space<hbm>> -> memref<1000064x32xf32, #tpu.memory_space<hbm>>
    tpu.enqueue_indirect_dma source(%dma_start3A_61 : memref<1000064x32xf32, #tpu.memory_space<hbm>>) target(%dma_start3A_55 : memref<128x32xf32, #tpu.memory_space<vmem>>) offsets(%dma_start3A_58 : memref<128xi32, #tpu.memory_space<vmem>>) semaphore(%arg10 : memref<!tpu.dma_semaphore, #tpu.memory_space<semaphore_mem>>)
    %dma_start3A_62 = arith.constant 3 : i32
    %dma_start3A_63 = arith.constant 3 : i32
    %dma_start3A_64 = arith.constant 0 : i32
    %dma_start3A_65 = arith.constant 0 : i32
    %dma_start3A_66 = tpu.memref_slice %arg6[%dma_start3A_63, %dma_start3A_64, %dma_start3A_65] : memref<4x128x32xf32, #tpu.memory_space<vmem>> -> memref<1x128x32xf32, #tpu.memory_space<vmem>>
    %dma_start3A_67 = tpu.memref_squeeze %dma_start3A_66 : memref<1x128x32xf32, #tpu.memory_space<vmem>> -> memref<128x32xf32, #tpu.memory_space<vmem>>
    %dma_start3A_68 = arith.constant 0 : i32
    %dma_start3A_69 = tpu.memref_slice %arg5[%dma_start3A_62, %dma_start3A_68] : memref<104x128xi32, #tpu.memory_space<vmem>> -> memref<1x128xi32, #tpu.memory_space<vmem>>
    %dma_start3A_70 = tpu.memref_squeeze %dma_start3A_69 : memref<1x128xi32, #tpu.memory_space<vmem>> -> memref<128xi32, #tpu.memory_space<vmem>>
    %dma_start3A_71 = arith.constant 0 : i32
    %dma_start3A_72 = arith.constant 0 : i32
    %dma_start3A_73 = tpu.memref_slice %arg3[%dma_start3A_71, %dma_start3A_72] : memref<1000064x32xf32, #tpu.memory_space<hbm>> -> memref<1000064x32xf32, #tpu.memory_space<hbm>>
    tpu.enqueue_indirect_dma source(%dma_start3A_73 : memref<1000064x32xf32, #tpu.memory_space<hbm>>) target(%dma_start3A_67 : memref<128x32xf32, #tpu.memory_space<vmem>>) offsets(%dma_start3A_70 : memref<128xi32, #tpu.memory_space<vmem>>) semaphore(%arg11 : memref<!tpu.dma_semaphore, #tpu.memory_space<semaphore_mem>>)
    %scan3A = arith.constant 0 : i32
    %scan3A_74 = arith.constant 0 : i32
    %scan3A_75 = arith.constant 26 : i32
    %scan3A_76 = arith.addi %scan3A_74, %scan3A_75 : i32
    %scan3A_77 = arith.constant 1 : i32
    scf.for %scan3A_200 = %scan3A_74 to %scan3A_76 step %scan3A_77  : i32 {
      %mul3A_201 = arith.constant 4 : i32
      %mul3A_202 = arith.muli %scan3A_200, %mul3A_201 : i32
      %add3A_203 = arith.addi %mul3A_2, %mul3A_202 : i32
      %add3A_204 = arith.constant 0 : i32
      %add3A_205 = arith.addi %add3A_203, %add3A_204 : i32
      %jit3A_206 = arith.constant 128 : i32
      %div3A_207 = arith.divsi %add3A_205, %jit3A_206 : i32
      %sign3A_208 = arith.constant 0 : i32
      %sign3A_209 = arith.cmpi sgt, %add3A_205, %sign3A_208 : i32
      %sign3A_210 = arith.extui %sign3A_209 : i1 to i32
      %sign3A_211 = arith.constant 0 : i32
      %sign3A_212 = arith.cmpi slt, %add3A_205, %sign3A_211 : i32
      %sign3A_213 = arith.extui %sign3A_212 : i1 to i32
      %sign3A_214 = arith.subi %sign3A_210, %sign3A_213 : i32
      %sign3A_215 = arith.constant 0 : i32
      %sign3A_216 = arith.cmpi sgt, %jit3A_206, %sign3A_215 : i32
      %sign3A_217 = arith.extui %sign3A_216 : i1 to i32
      %sign3A_218 = arith.constant 0 : i32
      %sign3A_219 = arith.cmpi slt, %jit3A_206, %sign3A_218 : i32
      %sign3A_220 = arith.extui %sign3A_219 : i1 to i32
      %sign3A_221 = arith.subi %sign3A_217, %sign3A_220 : i32
      %ne3A_222 = arith.cmpi ne, %sign3A_214, %sign3A_221 : i32
      %rem3A_223 = arith.remsi %add3A_205, %jit3A_206 : i32
      %ne3A_224 = arith.constant 0 : i32
      %ne3A_225 = arith.cmpi ne, %rem3A_223, %ne3A_224 : i32
      %and3A_226 = arith.andi %ne3A_222, %ne3A_225 : i1
      %sub3A_227 = arith.constant 1 : i32
      %sub3A_228 = arith.subi %div3A_207, %sub3A_227 : i32
      %select_n3A_229 = arith.select %and3A_226, %sub3A_228, %div3A_207 : i32
      %jit3A_230 = arith.constant 128 : i32
      %eq3A_231 = arith.constant 0 : i32
      %eq3A_232 = arith.cmpi eq, %jit3A_230, %eq3A_231 : i32
      %jit3A_233 = arith.constant 1 : i32
      %select_n3A_234 = arith.select %eq3A_232, %jit3A_233, %jit3A_230 : i32
      %rem3A_235 = arith.remsi %add3A_205, %select_n3A_234 : i32
      %ne3A_236 = arith.constant 0 : i32
      %ne3A_237 = arith.cmpi ne, %rem3A_235, %ne3A_236 : i32
      %lt3A_238 = arith.constant 0 : i32
      %lt3A_239 = arith.cmpi slt, %rem3A_235, %lt3A_238 : i32
      %lt3A_240 = arith.constant 0 : i32
      %lt3A_241 = arith.cmpi slt, %select_n3A_234, %lt3A_240 : i32
      %ne3A_242 = arith.xori %lt3A_239, %lt3A_241 : i1
      %and3A_243 = arith.andi %ne3A_242, %ne3A_237 : i1
      %add3A_244 = arith.addi %rem3A_235, %select_n3A_234 : i32
      %select_n3A_245 = arith.select %and3A_243, %add3A_244, %rem3A_235 : i32
      %gt3A = arith.constant 0 : i32
      %gt3A_246 = arith.cmpi sgt, %scan3A_200, %gt3A : i32
      %convert_element_type3A = arith.extui %gt3A_246 : i1 to i32
      %cond3A = arith.constant 0 : i32
      %cond3A_247 = arith.cmpi ne, %convert_element_type3A, %cond3A : i32
      scf.if %cond3A_247 {
        %dma_wait3A_618 = arith.constant 0 : i32
        %dma_wait3A_619 = arith.constant 0 : i32
        %dma_wait3A_620 = arith.constant 0 : i32
        %dma_wait3A_621 = arith.constant 0 : i32
        %dma_wait3A_622 = tpu.memref_slice %arg7[%dma_wait3A_618, %dma_wait3A_619, %dma_wait3A_620, %dma_wait3A_621] : memref<2x4x8x128xf32, #tpu.memory_space<vmem>> -> memref<1x4x8x128xf32, #tpu.memory_space<vmem>>
        %dma_wait3A_623 = tpu.memref_squeeze %dma_wait3A_622 : memref<1x4x8x128xf32, #tpu.memory_space<vmem>> -> memref<4x8x128xf32, #tpu.memory_space<vmem>>
        %dma_wait3A_624 = arith.constant 0 : i32
        %dma_wait3A_625 = arith.constant 0 : i32
        %dma_wait3A_626 = arith.constant 0 : i32
        %dma_wait3A_627 = tpu.memref_slice %arg4[%select_n3A_229, %dma_wait3A_624, %select_n3A_245, %dma_wait3A_625, %dma_wait3A_626] : memref<26x4x128x8x128xf32, #tpu.memory_space<hbm>> -> memref<1x4x1x8x128xf32, #tpu.memory_space<hbm>>
        %dma_wait3A_628 = tpu.memref_squeeze %dma_wait3A_627 : memref<1x4x1x8x128xf32, #tpu.memory_space<hbm>> -> memref<4x8x128xf32, #tpu.memory_space<hbm>>
        %dma_wait3A_629 = arith.constant 0 : i32
        %dma_wait3A_630 = arith.constant 0 : i32
        %dma_wait3A_631 = arith.constant 0 : i32
        %dma_wait3A_632 = tpu.memref_slice %arg4[%select_n3A_229, %dma_wait3A_629, %select_n3A_245, %dma_wait3A_630, %dma_wait3A_631] : memref<26x4x128x8x128xf32, #tpu.memory_space<hbm>> -> memref<1x4x1x8x128xf32, #tpu.memory_space<hbm>>
        %dma_wait3A_633 = tpu.memref_squeeze %dma_wait3A_632 : memref<1x4x1x8x128xf32, #tpu.memory_space<hbm>> -> memref<4x8x128xf32, #tpu.memory_space<hbm>>
        %dma_wait3A_634 = arith.constant 0 : i32
        %dma_wait3A_635 = arith.constant 0 : i32
        %dma_wait3A_636 = arith.constant 0 : i32
        %dma_wait3A_637 = tpu.memref_slice %arg7[%dma_wait3A_618, %dma_wait3A_634, %dma_wait3A_635, %dma_wait3A_636] : memref<2x4x8x128xf32, #tpu.memory_space<vmem>> -> memref<1x4x8x128xf32, #tpu.memory_space<vmem>>
        %dma_wait3A_638 = tpu.memref_squeeze %dma_wait3A_637 : memref<1x4x8x128xf32, #tpu.memory_space<vmem>> -> memref<4x8x128xf32, #tpu.memory_space<vmem>>
        tpu.wait_dma2 semaphore(%arg12 : memref<!tpu.dma_semaphore, #tpu.memory_space<semaphore_mem>>) src(%dma_wait3A_638 : memref<4x8x128xf32, #tpu.memory_space<vmem>>) dst(%dma_wait3A_633 : memref<4x8x128xf32, #tpu.memory_space<hbm>>)
      } else {
      }
      %dma_wait3A_248 = arith.constant 0 : i32
      %dma_wait3A_249 = arith.constant 0 : i32
      %dma_wait3A_250 = arith.constant 0 : i32
      %dma_wait3A_251 = tpu.memref_slice %arg6[%dma_wait3A_248, %dma_wait3A_249, %dma_wait3A_250] : memref<4x128x32xf32, #tpu.memory_space<vmem>> -> memref<1x128x32xf32, #tpu.memory_space<vmem>>
      %dma_wait3A_252 = tpu.memref_squeeze %dma_wait3A_251 : memref<1x128x32xf32, #tpu.memory_space<vmem>> -> memref<128x32xf32, #tpu.memory_space<vmem>>
      %dma_wait3A_253 = arith.constant 0 : i32
      %dma_wait3A_254 = arith.constant 0 : i32
      %dma_wait3A_255 = tpu.memref_slice %arg3[%dma_wait3A_253, %dma_wait3A_254] : memref<1000064x32xf32, #tpu.memory_space<hbm>> -> memref<128x32xf32, #tpu.memory_space<hbm>>
      %dma_wait3A_256 = arith.constant 0 : i32
      %dma_wait3A_257 = arith.constant 0 : i32
      %dma_wait3A_258 = tpu.memref_slice %arg6[%dma_wait3A_248, %dma_wait3A_256, %dma_wait3A_257] : memref<4x128x32xf32, #tpu.memory_space<vmem>> -> memref<1x128x32xf32, #tpu.memory_space<vmem>>
      %dma_wait3A_259 = tpu.memref_squeeze %dma_wait3A_258 : memref<1x128x32xf32, #tpu.memory_space<vmem>> -> memref<128x32xf32, #tpu.memory_space<vmem>>
      %dma_wait3A_260 = arith.constant 0 : i32
      %dma_wait3A_261 = arith.constant 0 : i32
      %dma_wait3A_262 = tpu.memref_slice %arg3[%dma_wait3A_260, %dma_wait3A_261] : memref<1000064x32xf32, #tpu.memory_space<hbm>> -> memref<128x32xf32, #tpu.memory_space<hbm>>
      tpu.wait_dma2 semaphore(%arg8 : memref<!tpu.dma_semaphore, #tpu.memory_space<semaphore_mem>>) src(%dma_wait3A_262 : memref<128x32xf32, #tpu.memory_space<hbm>>) dst(%dma_wait3A_259 : memref<128x32xf32, #tpu.memory_space<vmem>>)
      %scan3A_263 = arith.constant 0 : i32
      %scan3A_264 = arith.constant 0 : i32
      %scan3A_265 = arith.constant 32 : i32
      %scan3A_266 = arith.addi %scan3A_264, %scan3A_265 : i32
      %scan3A_267 = arith.constant 1 : i32
      scf.for %scan3A_618 = %scan3A_264 to %scan3A_266 step %scan3A_267  : i32 {
        %add3A_619 = vector.broadcast %scan3A_618 : i32 to vector<16xi32>
        %add3A_620 = arith.addi %iota3A, %add3A_619 : vector<16xi32>
        %and3A_621 = arith.constant 31 : i32
        %and3A_622 = vector.broadcast %and3A_621 : i32 to vector<16xi32>
        %and3A_623 = arith.andi %add3A_620, %and3A_622 : vector<16xi32>
        %shift_right_arithmetic3A = arith.constant 3 : i32
        %shift_right_arithmetic3A_624 = vector.broadcast %shift_right_arithmetic3A : i32 to vector<16xi32>
        %shift_right_arithmetic3A_625 = arith.shrsi %and3A_623, %shift_right_arithmetic3A_624 : vector<16xi32>
        %and3A_626 = arith.constant 7 : i32
        %and3A_627 = vector.broadcast %and3A_626 : i32 to vector<16xi32>
        %and3A_628 = arith.andi %and3A_623, %and3A_627 : vector<16xi32>
        %gather3A = arith.constant 0 : i32
        %gather3A_629 = arith.constant 0 : i32
        %gather3A_630 = arith.constant 0 : i32
        %gather3A_631 = tpu.memref_slice %arg6[%gather3A, %gather3A_629, %gather3A_630] : memref<4x128x32xf32, #tpu.memory_space<vmem>> -> memref<1x128x32xf32, #tpu.memory_space<vmem>>
        %gather3A_632 = tpu.memref_squeeze %gather3A_631 : memref<1x128x32xf32, #tpu.memory_space<vmem>> -> memref<128x32xf32, #tpu.memory_space<vmem>>
        %gather3A_633 = tpu.vector_load_idx %gather3A_632[%add3A_5, %and3A_623] : memref<128x32xf32, #tpu.memory_space<vmem>>[vector<16xi32>, vector<16xi32>], vector<16xf32>,
        %scatter3A = arith.constant 0 : i32
        %scatter3A_634 = arith.constant 0 : i32
        %scatter3A_635 = arith.constant 0 : i32
        %scatter3A_636 = arith.constant 0 : i32
        %scatter3A_637 = tpu.memref_slice %arg7[%scatter3A, %scatter3A_634, %scatter3A_635, %scatter3A_636] : memref<2x4x8x128xf32, #tpu.memory_space<vmem>> -> memref<1x4x8x128xf32, #tpu.memory_space<vmem>>
        %scatter3A_638 = tpu.memref_squeeze %scatter3A_637 : memref<1x4x8x128xf32, #tpu.memory_space<vmem>> -> memref<4x8x128xf32, #tpu.memory_space<vmem>>
        tpu.vector_store_idx %scatter3A_638[%shift_right_arithmetic3A_625, %and3A_628, %add3A_5], %gather3A_633 : memref<4x8x128xf32, #tpu.memory_space<vmem>>[vector<16xi32>, vector<16xi32>, vector<16xi32>], vector<16xf32>,
        %gather3A_639 = arith.constant 0 : i32
        %gather3A_640 = arith.constant 0 : i32
        %gather3A_641 = arith.constant 0 : i32
        %gather3A_642 = tpu.memref_slice %arg6[%gather3A_639, %gather3A_640, %gather3A_641] : memref<4x128x32xf32, #tpu.memory_space<vmem>> -> memref<1x128x32xf32, #tpu.memory_space<vmem>>
        %gather3A_643 = tpu.memref_squeeze %gather3A_642 : memref<1x128x32xf32, #tpu.memory_space<vmem>> -> memref<128x32xf32, #tpu.memory_space<vmem>>
        %gather3A_644 = tpu.vector_load_idx %gather3A_643[%add3A_8, %and3A_623] : memref<128x32xf32, #tpu.memory_space<vmem>>[vector<16xi32>, vector<16xi32>], vector<16xf32>,
        %scatter3A_645 = arith.constant 0 : i32
        %scatter3A_646 = arith.constant 0 : i32
        %scatter3A_647 = arith.constant 0 : i32
        %scatter3A_648 = arith.constant 0 : i32
        %scatter3A_649 = tpu.memref_slice %arg7[%scatter3A_645, %scatter3A_646, %scatter3A_647, %scatter3A_648] : memref<2x4x8x128xf32, #tpu.memory_space<vmem>> -> memref<1x4x8x128xf32, #tpu.memory_space<vmem>>
        %scatter3A_650 = tpu.memref_squeeze %scatter3A_649 : memref<1x4x8x128xf32, #tpu.memory_space<vmem>> -> memref<4x8x128xf32, #tpu.memory_space<vmem>>
        tpu.vector_store_idx %scatter3A_650[%shift_right_arithmetic3A_625, %and3A_628, %add3A_8], %gather3A_644 : memref<4x8x128xf32, #tpu.memory_space<vmem>>[vector<16xi32>, vector<16xi32>, vector<16xi32>], vector<16xf32>,
        %gather3A_651 = arith.constant 0 : i32
        %gather3A_652 = arith.constant 0 : i32
        %gather3A_653 = arith.constant 0 : i32
        %gather3A_654 = tpu.memref_slice %arg6[%gather3A_651, %gather3A_652, %gather3A_653] : memref<4x128x32xf32, #tpu.memory_space<vmem>> -> memref<1x128x32xf32, #tpu.memory_space<vmem>>
        %gather3A_655 = tpu.memref_squeeze %gather3A_654 : memref<1x128x32xf32, #tpu.memory_space<vmem>> -> memref<128x32xf32, #tpu.memory_space<vmem>>
        %gather3A_656 = tpu.vector_load_idx %gather3A_655[%add3A_11, %and3A_623] : memref<128x32xf32, #tpu.memory_space<vmem>>[vector<16xi32>, vector<16xi32>], vector<16xf32>,
        %scatter3A_657 = arith.constant 0 : i32
        %scatter3A_658 = arith.constant 0 : i32
        %scatter3A_659 = arith.constant 0 : i32
        %scatter3A_660 = arith.constant 0 : i32
        %scatter3A_661 = tpu.memref_slice %arg7[%scatter3A_657, %scatter3A_658, %scatter3A_659, %scatter3A_660] : memref<2x4x8x128xf32, #tpu.memory_space<vmem>> -> memref<1x4x8x128xf32, #tpu.memory_space<vmem>>
        %scatter3A_662 = tpu.memref_squeeze %scatter3A_661 : memref<1x4x8x128xf32, #tpu.memory_space<vmem>> -> memref<4x8x128xf32, #tpu.memory_space<vmem>>
        tpu.vector_store_idx %scatter3A_662[%shift_right_arithmetic3A_625, %and3A_628, %add3A_11], %gather3A_656 : memref<4x8x128xf32, #tpu.memory_space<vmem>>[vector<16xi32>, vector<16xi32>, vector<16xi32>], vector<16xf32>,
        %gather3A_663 = arith.constant 0 : i32
        %gather3A_664 = arith.constant 0 : i32
        %gather3A_665 = arith.constant 0 : i32
        %gather3A_666 = tpu.memref_slice %arg6[%gather3A_663, %gather3A_664, %gather3A_665] : memref<4x128x32xf32, #tpu.memory_space<vmem>> -> memref<1x128x32xf32, #tpu.memory_space<vmem>>
        %gather3A_667 = tpu.memref_squeeze %gather3A_666 : memref<1x128x32xf32, #tpu.memory_space<vmem>> -> memref<128x32xf32, #tpu.memory_space<vmem>>
        %gather3A_668 = tpu.vector_load_idx %gather3A_667[%add3A_14, %and3A_623] : memref<128x32xf32, #tpu.memory_space<vmem>>[vector<16xi32>, vector<16xi32>], vector<16xf32>,
        %scatter3A_669 = arith.constant 0 : i32
        %scatter3A_670 = arith.constant 0 : i32
        %scatter3A_671 = arith.constant 0 : i32
        %scatter3A_672 = arith.constant 0 : i32
        %scatter3A_673 = tpu.memref_slice %arg7[%scatter3A_669, %scatter3A_670, %scatter3A_671, %scatter3A_672] : memref<2x4x8x128xf32, #tpu.memory_space<vmem>> -> memref<1x4x8x128xf32, #tpu.memory_space<vmem>>
        %scatter3A_674 = tpu.memref_squeeze %scatter3A_673 : memref<1x4x8x128xf32, #tpu.memory_space<vmem>> -> memref<4x8x128xf32, #tpu.memory_space<vmem>>
        tpu.vector_store_idx %scatter3A_674[%shift_right_arithmetic3A_625, %and3A_628, %add3A_14], %gather3A_668 : memref<4x8x128xf32, #tpu.memory_space<vmem>>[vector<16xi32>, vector<16xi32>, vector<16xi32>], vector<16xf32>,
        %gather3A_675 = arith.constant 0 : i32
        %gather3A_676 = arith.constant 0 : i32
        %gather3A_677 = arith.constant 0 : i32
        %gather3A_678 = tpu.memref_slice %arg6[%gather3A_675, %gather3A_676, %gather3A_677] : memref<4x128x32xf32, #tpu.memory_space<vmem>> -> memref<1x128x32xf32, #tpu.memory_space<vmem>>
        %gather3A_679 = tpu.memref_squeeze %gather3A_678 : memref<1x128x32xf32, #tpu.memory_space<vmem>> -> memref<128x32xf32, #tpu.memory_space<vmem>>
        %gather3A_680 = tpu.vector_load_idx %gather3A_679[%add3A_17, %and3A_623] : memref<128x32xf32, #tpu.memory_space<vmem>>[vector<16xi32>, vector<16xi32>], vector<16xf32>,
        %scatter3A_681 = arith.constant 0 : i32
        %scatter3A_682 = arith.constant 0 : i32
        %scatter3A_683 = arith.constant 0 : i32
        %scatter3A_684 = arith.constant 0 : i32
        %scatter3A_685 = tpu.memref_slice %arg7[%scatter3A_681, %scatter3A_682, %scatter3A_683, %scatter3A_684] : memref<2x4x8x128xf32, #tpu.memory_space<vmem>> -> memref<1x4x8x128xf32, #tpu.memory_space<vmem>>
        %scatter3A_686 = tpu.memref_squeeze %scatter3A_685 : memref<1x4x8x128xf32, #tpu.memory_space<vmem>> -> memref<4x8x128xf32, #tpu.memory_space<vmem>>
        tpu.vector_store_idx %scatter3A_686[%shift_right_arithmetic3A_625, %and3A_628, %add3A_17], %gather3A_680 : memref<4x8x128xf32, #tpu.memory_space<vmem>>[vector<16xi32>, vector<16xi32>, vector<16xi32>], vector<16xf32>,
        %gather3A_687 = arith.constant 0 : i32
        %gather3A_688 = arith.constant 0 : i32
        %gather3A_689 = arith.constant 0 : i32
        %gather3A_690 = tpu.memref_slice %arg6[%gather3A_687, %gather3A_688, %gather3A_689] : memref<4x128x32xf32, #tpu.memory_space<vmem>> -> memref<1x128x32xf32, #tpu.memory_space<vmem>>
        %gather3A_691 = tpu.memref_squeeze %gather3A_690 : memref<1x128x32xf32, #tpu.memory_space<vmem>> -> memref<128x32xf32, #tpu.memory_space<vmem>>
        %gather3A_692 = tpu.vector_load_idx %gather3A_691[%add3A_20, %and3A_623] : memref<128x32xf32, #tpu.memory_space<vmem>>[vector<16xi32>, vector<16xi32>], vector<16xf32>,
        %scatter3A_693 = arith.constant 0 : i32
        %scatter3A_694 = arith.constant 0 : i32
        %scatter3A_695 = arith.constant 0 : i32
        %scatter3A_696 = arith.constant 0 : i32
        %scatter3A_697 = tpu.memref_slice %arg7[%scatter3A_693, %scatter3A_694, %scatter3A_695, %scatter3A_696] : memref<2x4x8x128xf32, #tpu.memory_space<vmem>> -> memref<1x4x8x128xf32, #tpu.memory_space<vmem>>
        %scatter3A_698 = tpu.memref_squeeze %scatter3A_697 : memref<1x4x8x128xf32, #tpu.memory_space<vmem>> -> memref<4x8x128xf32, #tpu.memory_space<vmem>>
        tpu.vector_store_idx %scatter3A_698[%shift_right_arithmetic3A_625, %and3A_628, %add3A_20], %gather3A_692 : memref<4x8x128xf32, #tpu.memory_space<vmem>>[vector<16xi32>, vector<16xi32>, vector<16xi32>], vector<16xf32>,
        %gather3A_699 = arith.constant 0 : i32
        %gather3A_700 = arith.constant 0 : i32
        %gather3A_701 = arith.constant 0 : i32
        %gather3A_702 = tpu.memref_slice %arg6[%gather3A_699, %gather3A_700, %gather3A_701] : memref<4x128x32xf32, #tpu.memory_space<vmem>> -> memref<1x128x32xf32, #tpu.memory_space<vmem>>
        %gather3A_703 = tpu.memref_squeeze %gather3A_702 : memref<1x128x32xf32, #tpu.memory_space<vmem>> -> memref<128x32xf32, #tpu.memory_space<vmem>>
        %gather3A_704 = tpu.vector_load_idx %gather3A_703[%add3A_23, %and3A_623] : memref<128x32xf32, #tpu.memory_space<vmem>>[vector<16xi32>, vector<16xi32>], vector<16xf32>,
        %scatter3A_705 = arith.constant 0 : i32
        %scatter3A_706 = arith.constant 0 : i32
        %scatter3A_707 = arith.constant 0 : i32
        %scatter3A_708 = arith.constant 0 : i32
        %scatter3A_709 = tpu.memref_slice %arg7[%scatter3A_705, %scatter3A_706, %scatter3A_707, %scatter3A_708] : memref<2x4x8x128xf32, #tpu.memory_space<vmem>> -> memref<1x4x8x128xf32, #tpu.memory_space<vmem>>
        %scatter3A_710 = tpu.memref_squeeze %scatter3A_709 : memref<1x4x8x128xf32, #tpu.memory_space<vmem>> -> memref<4x8x128xf32, #tpu.memory_space<vmem>>
        tpu.vector_store_idx %scatter3A_710[%shift_right_arithmetic3A_625, %and3A_628, %add3A_23], %gather3A_704 : memref<4x8x128xf32, #tpu.memory_space<vmem>>[vector<16xi32>, vector<16xi32>, vector<16xi32>], vector<16xf32>,
        %gather3A_711 = arith.constant 0 : i32
        %gather3A_712 = arith.constant 0 : i32
        %gather3A_713 = arith.constant 0 : i32
        %gather3A_714 = tpu.memref_slice %arg6[%gather3A_711, %gather3A_712, %gather3A_713] : memref<4x128x32xf32, #tpu.memory_space<vmem>> -> memref<1x128x32xf32, #tpu.memory_space<vmem>>
        %gather3A_715 = tpu.memref_squeeze %gather3A_714 : memref<1x128x32xf32, #tpu.memory_space<vmem>> -> memref<128x32xf32, #tpu.memory_space<vmem>>
        %gather3A_716 = tpu.vector_load_idx %gather3A_715[%add3A_26, %and3A_623] : memref<128x32xf32, #tpu.memory_space<vmem>>[vector<16xi32>, vector<16xi32>], vector<16xf32>,
        %scatter3A_717 = arith.constant 0 : i32
        %scatter3A_718 = arith.constant 0 : i32
        %scatter3A_719 = arith.constant 0 : i32
        %scatter3A_720 = arith.constant 0 : i32
        %scatter3A_721 = tpu.memref_slice %arg7[%scatter3A_717, %scatter3A_718, %scatter3A_719, %scatter3A_720] : memref<2x4x8x128xf32, #tpu.memory_space<vmem>> -> memref<1x4x8x128xf32, #tpu.memory_space<vmem>>
        %scatter3A_722 = tpu.memref_squeeze %scatter3A_721 : memref<1x4x8x128xf32, #tpu.memory_space<vmem>> -> memref<4x8x128xf32, #tpu.memory_space<vmem>>
        tpu.vector_store_idx %scatter3A_722[%shift_right_arithmetic3A_625, %and3A_628, %add3A_26], %gather3A_716 : memref<4x8x128xf32, #tpu.memory_space<vmem>>[vector<16xi32>, vector<16xi32>, vector<16xi32>], vector<16xf32>,
      }
      %scan3A_268 = arith.constant 32 : i32
      %dma_start3A_269 = arith.constant 0 : i32
      %dma_start3A_270 = arith.constant 0 : i32
      %dma_start3A_271 = arith.constant 0 : i32
      %dma_start3A_272 = arith.constant 0 : i32
      %dma_start3A_273 = tpu.memref_slice %arg7[%dma_start3A_269, %dma_start3A_270, %dma_start3A_271, %dma_start3A_272] : memref<2x4x8x128xf32, #tpu.memory_space<vmem>> -> memref<1x4x8x128xf32, #tpu.memory_space<vmem>>
      %dma_start3A_274 = tpu.memref_squeeze %dma_start3A_273 : memref<1x4x8x128xf32, #tpu.memory_space<vmem>> -> memref<4x8x128xf32, #tpu.memory_space<vmem>>
      %dma_start3A_275 = arith.constant 0 : i32
      %dma_start3A_276 = arith.constant 0 : i32
      %dma_start3A_277 = arith.constant 0 : i32
      %dma_start3A_278 = tpu.memref_slice %arg4[%select_n3A_229, %dma_start3A_275, %select_n3A_245, %dma_start3A_276, %dma_start3A_277] : memref<26x4x128x8x128xf32, #tpu.memory_space<hbm>> -> memref<1x4x1x8x128xf32, #tpu.memory_space<hbm>>
      %dma_start3A_279 = tpu.memref_squeeze %dma_start3A_278 : memref<1x4x1x8x128xf32, #tpu.memory_space<hbm>> -> memref<4x8x128xf32, #tpu.memory_space<hbm>>
      %dma_start3A_280 = arith.constant 0 : i32
      %dma_start3A_281 = arith.constant 0 : i32
      %dma_start3A_282 = arith.constant 0 : i32
      %dma_start3A_283 = tpu.memref_slice %arg4[%select_n3A_229, %dma_start3A_280, %select_n3A_245, %dma_start3A_281, %dma_start3A_282] : memref<26x4x128x8x128xf32, #tpu.memory_space<hbm>> -> memref<1x4x1x8x128xf32, #tpu.memory_space<hbm>>
      %dma_start3A_284 = tpu.memref_squeeze %dma_start3A_283 : memref<1x4x1x8x128xf32, #tpu.memory_space<hbm>> -> memref<4x8x128xf32, #tpu.memory_space<hbm>>
      %dma_start3A_285 = arith.constant 0 : i32
      %dma_start3A_286 = arith.constant 0 : i32
      %dma_start3A_287 = arith.constant 0 : i32
      %dma_start3A_288 = tpu.memref_slice %arg7[%dma_start3A_269, %dma_start3A_285, %dma_start3A_286, %dma_start3A_287] : memref<2x4x8x128xf32, #tpu.memory_space<vmem>> -> memref<1x4x8x128xf32, #tpu.memory_space<vmem>>
      %dma_start3A_289 = tpu.memref_squeeze %dma_start3A_288 : memref<1x4x8x128xf32, #tpu.memory_space<vmem>> -> memref<4x8x128xf32, #tpu.memory_space<vmem>>
      tpu.enqueue_dma source(%dma_start3A_289 : memref<4x8x128xf32, #tpu.memory_space<vmem>>) target(%dma_start3A_284 : memref<4x8x128xf32, #tpu.memory_space<hbm>>) target_semaphore(%arg12 : memref<!tpu.dma_semaphore, #tpu.memory_space<semaphore_mem>>)
      %lt3A_290 = arith.constant 25 : i32
      %lt3A_291 = arith.cmpi slt, %scan3A_200, %lt3A_290 : i32
      %convert_element_type3A_292 = arith.extui %lt3A_291 : i1 to i32
      %cond3A_293 = arith.constant 0 : i32
      %cond3A_294 = arith.cmpi ne, %convert_element_type3A_292, %cond3A_293 : i32
      scf.if %cond3A_294 {
        %mul3A_618 = arith.constant 4 : i32
        %mul3A_619 = arith.muli %scan3A_200, %mul3A_618 : i32
        %add3A_620 = arith.constant 4 : i32
        %add3A_621 = arith.addi %mul3A_619, %add3A_620 : i32
        %add3A_622 = arith.constant 0 : i32
        %add3A_623 = arith.addi %add3A_621, %add3A_622 : i32
        %dma_start3A_624 = arith.constant 0 : i32
        %dma_start3A_625 = arith.constant 0 : i32
        %dma_start3A_626 = arith.constant 0 : i32
        %dma_start3A_627 = tpu.memref_slice %arg6[%dma_start3A_624, %dma_start3A_625, %dma_start3A_626] : memref<4x128x32xf32, #tpu.memory_space<vmem>> -> memref<1x128x32xf32, #tpu.memory_space<vmem>>
        %dma_start3A_628 = tpu.memref_squeeze %dma_start3A_627 : memref<1x128x32xf32, #tpu.memory_space<vmem>> -> memref<128x32xf32, #tpu.memory_space<vmem>>
        %dma_start3A_629 = arith.constant 0 : i32
        %dma_start3A_630 = tpu.memref_slice %arg5[%add3A_623, %dma_start3A_629] : memref<104x128xi32, #tpu.memory_space<vmem>> -> memref<1x128xi32, #tpu.memory_space<vmem>>
        %dma_start3A_631 = tpu.memref_squeeze %dma_start3A_630 : memref<1x128xi32, #tpu.memory_space<vmem>> -> memref<128xi32, #tpu.memory_space<vmem>>
        %dma_start3A_632 = arith.constant 0 : i32
        %dma_start3A_633 = arith.constant 0 : i32
        %dma_start3A_634 = tpu.memref_slice %arg3[%dma_start3A_632, %dma_start3A_633] : memref<1000064x32xf32, #tpu.memory_space<hbm>> -> memref<1000064x32xf32, #tpu.memory_space<hbm>>
        tpu.enqueue_indirect_dma source(%dma_start3A_634 : memref<1000064x32xf32, #tpu.memory_space<hbm>>) target(%dma_start3A_628 : memref<128x32xf32, #tpu.memory_space<vmem>>) offsets(%dma_start3A_631 : memref<128xi32, #tpu.memory_space<vmem>>) semaphore(%arg8 : memref<!tpu.dma_semaphore, #tpu.memory_space<semaphore_mem>>)
      } else {
      }
      %mul3A_295 = arith.constant 4 : i32
      %mul3A_296 = arith.muli %scan3A_200, %mul3A_295 : i32
      %add3A_297 = arith.addi %mul3A_2, %mul3A_296 : i32
      %add3A_298 = arith.constant 1 : i32
      %add3A_299 = arith.addi %add3A_297, %add3A_298 : i32
      %jit3A_300 = arith.constant 128 : i32
      %div3A_301 = arith.divsi %add3A_299, %jit3A_300 : i32
      %sign3A_302 = arith.constant 0 : i32
      %sign3A_303 = arith.cmpi sgt, %add3A_299, %sign3A_302 : i32
      %sign3A_304 = arith.extui %sign3A_303 : i1 to i32
      %sign3A_305 = arith.constant 0 : i32
      %sign3A_306 = arith.cmpi slt, %add3A_299, %sign3A_305 : i32
      %sign3A_307 = arith.extui %sign3A_306 : i1 to i32
      %sign3A_308 = arith.subi %sign3A_304, %sign3A_307 : i32
      %sign3A_309 = arith.constant 0 : i32
      %sign3A_310 = arith.cmpi sgt, %jit3A_300, %sign3A_309 : i32
      %sign3A_311 = arith.extui %sign3A_310 : i1 to i32
      %sign3A_312 = arith.constant 0 : i32
      %sign3A_313 = arith.cmpi slt, %jit3A_300, %sign3A_312 : i32
      %sign3A_314 = arith.extui %sign3A_313 : i1 to i32
      %sign3A_315 = arith.subi %sign3A_311, %sign3A_314 : i32
      %ne3A_316 = arith.cmpi ne, %sign3A_308, %sign3A_315 : i32
      %rem3A_317 = arith.remsi %add3A_299, %jit3A_300 : i32
      %ne3A_318 = arith.constant 0 : i32
      %ne3A_319 = arith.cmpi ne, %rem3A_317, %ne3A_318 : i32
      %and3A_320 = arith.andi %ne3A_316, %ne3A_319 : i1
      %sub3A_321 = arith.constant 1 : i32
      %sub3A_322 = arith.subi %div3A_301, %sub3A_321 : i32
      %select_n3A_323 = arith.select %and3A_320, %sub3A_322, %div3A_301 : i32
      %jit3A_324 = arith.constant 128 : i32
      %eq3A_325 = arith.constant 0 : i32
      %eq3A_326 = arith.cmpi eq, %jit3A_324, %eq3A_325 : i32
      %jit3A_327 = arith.constant 1 : i32
      %select_n3A_328 = arith.select %eq3A_326, %jit3A_327, %jit3A_324 : i32
      %rem3A_329 = arith.remsi %add3A_299, %select_n3A_328 : i32
      %ne3A_330 = arith.constant 0 : i32
      %ne3A_331 = arith.cmpi ne, %rem3A_329, %ne3A_330 : i32
      %lt3A_332 = arith.constant 0 : i32
      %lt3A_333 = arith.cmpi slt, %rem3A_329, %lt3A_332 : i32
      %lt3A_334 = arith.constant 0 : i32
      %lt3A_335 = arith.cmpi slt, %select_n3A_328, %lt3A_334 : i32
      %ne3A_336 = arith.xori %lt3A_333, %lt3A_335 : i1
      %and3A_337 = arith.andi %ne3A_336, %ne3A_331 : i1
      %add3A_338 = arith.addi %rem3A_329, %select_n3A_328 : i32
      %select_n3A_339 = arith.select %and3A_337, %add3A_338, %rem3A_329 : i32
      %gt3A_340 = arith.constant 0 : i32
      %gt3A_341 = arith.cmpi sgt, %scan3A_200, %gt3A_340 : i32
      %convert_element_type3A_342 = arith.extui %gt3A_341 : i1 to i32
      %cond3A_343 = arith.constant 0 : i32
      %cond3A_344 = arith.cmpi ne, %convert_element_type3A_342, %cond3A_343 : i32
      scf.if %cond3A_344 {
        %dma_wait3A_618 = arith.constant 1 : i32
        %dma_wait3A_619 = arith.constant 0 : i32
        %dma_wait3A_620 = arith.constant 0 : i32
        %dma_wait3A_621 = arith.constant 0 : i32
        %dma_wait3A_622 = tpu.memref_slice %arg7[%dma_wait3A_618, %dma_wait3A_619, %dma_wait3A_620, %dma_wait3A_621] : memref<2x4x8x128xf32, #tpu.memory_space<vmem>> -> memref<1x4x8x128xf32, #tpu.memory_space<vmem>>
        %dma_wait3A_623 = tpu.memref_squeeze %dma_wait3A_622 : memref<1x4x8x128xf32, #tpu.memory_space<vmem>> -> memref<4x8x128xf32, #tpu.memory_space<vmem>>
        %dma_wait3A_624 = arith.constant 0 : i32
        %dma_wait3A_625 = arith.constant 0 : i32
        %dma_wait3A_626 = arith.constant 0 : i32
        %dma_wait3A_627 = tpu.memref_slice %arg4[%select_n3A_323, %dma_wait3A_624, %select_n3A_339, %dma_wait3A_625, %dma_wait3A_626] : memref<26x4x128x8x128xf32, #tpu.memory_space<hbm>> -> memref<1x4x1x8x128xf32, #tpu.memory_space<hbm>>
        %dma_wait3A_628 = tpu.memref_squeeze %dma_wait3A_627 : memref<1x4x1x8x128xf32, #tpu.memory_space<hbm>> -> memref<4x8x128xf32, #tpu.memory_space<hbm>>
        %dma_wait3A_629 = arith.constant 0 : i32
        %dma_wait3A_630 = arith.constant 0 : i32
        %dma_wait3A_631 = arith.constant 0 : i32
        %dma_wait3A_632 = tpu.memref_slice %arg4[%select_n3A_323, %dma_wait3A_629, %select_n3A_339, %dma_wait3A_630, %dma_wait3A_631] : memref<26x4x128x8x128xf32, #tpu.memory_space<hbm>> -> memref<1x4x1x8x128xf32, #tpu.memory_space<hbm>>
        %dma_wait3A_633 = tpu.memref_squeeze %dma_wait3A_632 : memref<1x4x1x8x128xf32, #tpu.memory_space<hbm>> -> memref<4x8x128xf32, #tpu.memory_space<hbm>>
        %dma_wait3A_634 = arith.constant 0 : i32
        %dma_wait3A_635 = arith.constant 0 : i32
        %dma_wait3A_636 = arith.constant 0 : i32
        %dma_wait3A_637 = tpu.memref_slice %arg7[%dma_wait3A_618, %dma_wait3A_634, %dma_wait3A_635, %dma_wait3A_636] : memref<2x4x8x128xf32, #tpu.memory_space<vmem>> -> memref<1x4x8x128xf32, #tpu.memory_space<vmem>>
        %dma_wait3A_638 = tpu.memref_squeeze %dma_wait3A_637 : memref<1x4x8x128xf32, #tpu.memory_space<vmem>> -> memref<4x8x128xf32, #tpu.memory_space<vmem>>
        tpu.wait_dma2 semaphore(%arg13 : memref<!tpu.dma_semaphore, #tpu.memory_space<semaphore_mem>>) src(%dma_wait3A_638 : memref<4x8x128xf32, #tpu.memory_space<vmem>>) dst(%dma_wait3A_633 : memref<4x8x128xf32, #tpu.memory_space<hbm>>)
      } else {
      }
      %dma_wait3A_345 = arith.constant 1 : i32
      %dma_wait3A_346 = arith.constant 0 : i32
      %dma_wait3A_347 = arith.constant 0 : i32
      %dma_wait3A_348 = tpu.memref_slice %arg6[%dma_wait3A_345, %dma_wait3A_346, %dma_wait3A_347] : memref<4x128x32xf32, #tpu.memory_space<vmem>> -> memref<1x128x32xf32, #tpu.memory_space<vmem>>
      %dma_wait3A_349 = tpu.memref_squeeze %dma_wait3A_348 : memref<1x128x32xf32, #tpu.memory_space<vmem>> -> memref<128x32xf32, #tpu.memory_space<vmem>>
      %dma_wait3A_350 = arith.constant 0 : i32
      %dma_wait3A_351 = arith.constant 0 : i32
      %dma_wait3A_352 = tpu.memref_slice %arg3[%dma_wait3A_350, %dma_wait3A_351] : memref<1000064x32xf32, #tpu.memory_space<hbm>> -> memref<128x32xf32, #tpu.memory_space<hbm>>
      %dma_wait3A_353 = arith.constant 0 : i32
      %dma_wait3A_354 = arith.constant 0 : i32
      %dma_wait3A_355 = tpu.memref_slice %arg6[%dma_wait3A_345, %dma_wait3A_353, %dma_wait3A_354] : memref<4x128x32xf32, #tpu.memory_space<vmem>> -> memref<1x128x32xf32, #tpu.memory_space<vmem>>
      %dma_wait3A_356 = tpu.memref_squeeze %dma_wait3A_355 : memref<1x128x32xf32, #tpu.memory_space<vmem>> -> memref<128x32xf32, #tpu.memory_space<vmem>>
      %dma_wait3A_357 = arith.constant 0 : i32
      %dma_wait3A_358 = arith.constant 0 : i32
      %dma_wait3A_359 = tpu.memref_slice %arg3[%dma_wait3A_357, %dma_wait3A_358] : memref<1000064x32xf32, #tpu.memory_space<hbm>> -> memref<128x32xf32, #tpu.memory_space<hbm>>
      tpu.wait_dma2 semaphore(%arg9 : memref<!tpu.dma_semaphore, #tpu.memory_space<semaphore_mem>>) src(%dma_wait3A_359 : memref<128x32xf32, #tpu.memory_space<hbm>>) dst(%dma_wait3A_356 : memref<128x32xf32, #tpu.memory_space<vmem>>)
      %scan3A_360 = arith.constant 0 : i32
      %scan3A_361 = arith.constant 0 : i32
      %scan3A_362 = arith.constant 32 : i32
      %scan3A_363 = arith.addi %scan3A_361, %scan3A_362 : i32
      %scan3A_364 = arith.constant 1 : i32
      scf.for %scan3A_618 = %scan3A_361 to %scan3A_363 step %scan3A_364  : i32 {
        %add3A_619 = vector.broadcast %scan3A_618 : i32 to vector<16xi32>
        %add3A_620 = arith.addi %iota3A, %add3A_619 : vector<16xi32>
        %and3A_621 = arith.constant 31 : i32
        %and3A_622 = vector.broadcast %and3A_621 : i32 to vector<16xi32>
        %and3A_623 = arith.andi %add3A_620, %and3A_622 : vector<16xi32>
        %shift_right_arithmetic3A = arith.constant 3 : i32
        %shift_right_arithmetic3A_624 = vector.broadcast %shift_right_arithmetic3A : i32 to vector<16xi32>
        %shift_right_arithmetic3A_625 = arith.shrsi %and3A_623, %shift_right_arithmetic3A_624 : vector<16xi32>
        %and3A_626 = arith.constant 7 : i32
        %and3A_627 = vector.broadcast %and3A_626 : i32 to vector<16xi32>
        %and3A_628 = arith.andi %and3A_623, %and3A_627 : vector<16xi32>
        %gather3A = arith.constant 1 : i32
        %gather3A_629 = arith.constant 0 : i32
        %gather3A_630 = arith.constant 0 : i32
        %gather3A_631 = tpu.memref_slice %arg6[%gather3A, %gather3A_629, %gather3A_630] : memref<4x128x32xf32, #tpu.memory_space<vmem>> -> memref<1x128x32xf32, #tpu.memory_space<vmem>>
        %gather3A_632 = tpu.memref_squeeze %gather3A_631 : memref<1x128x32xf32, #tpu.memory_space<vmem>> -> memref<128x32xf32, #tpu.memory_space<vmem>>
        %gather3A_633 = tpu.vector_load_idx %gather3A_632[%add3A_5, %and3A_623] : memref<128x32xf32, #tpu.memory_space<vmem>>[vector<16xi32>, vector<16xi32>], vector<16xf32>,
        %scatter3A = arith.constant 1 : i32
        %scatter3A_634 = arith.constant 0 : i32
        %scatter3A_635 = arith.constant 0 : i32
        %scatter3A_636 = arith.constant 0 : i32
        %scatter3A_637 = tpu.memref_slice %arg7[%scatter3A, %scatter3A_634, %scatter3A_635, %scatter3A_636] : memref<2x4x8x128xf32, #tpu.memory_space<vmem>> -> memref<1x4x8x128xf32, #tpu.memory_space<vmem>>
        %scatter3A_638 = tpu.memref_squeeze %scatter3A_637 : memref<1x4x8x128xf32, #tpu.memory_space<vmem>> -> memref<4x8x128xf32, #tpu.memory_space<vmem>>
        tpu.vector_store_idx %scatter3A_638[%shift_right_arithmetic3A_625, %and3A_628, %add3A_5], %gather3A_633 : memref<4x8x128xf32, #tpu.memory_space<vmem>>[vector<16xi32>, vector<16xi32>, vector<16xi32>], vector<16xf32>,
        %gather3A_639 = arith.constant 1 : i32
        %gather3A_640 = arith.constant 0 : i32
        %gather3A_641 = arith.constant 0 : i32
        %gather3A_642 = tpu.memref_slice %arg6[%gather3A_639, %gather3A_640, %gather3A_641] : memref<4x128x32xf32, #tpu.memory_space<vmem>> -> memref<1x128x32xf32, #tpu.memory_space<vmem>>
        %gather3A_643 = tpu.memref_squeeze %gather3A_642 : memref<1x128x32xf32, #tpu.memory_space<vmem>> -> memref<128x32xf32, #tpu.memory_space<vmem>>
        %gather3A_644 = tpu.vector_load_idx %gather3A_643[%add3A_8, %and3A_623] : memref<128x32xf32, #tpu.memory_space<vmem>>[vector<16xi32>, vector<16xi32>], vector<16xf32>,
        %scatter3A_645 = arith.constant 1 : i32
        %scatter3A_646 = arith.constant 0 : i32
        %scatter3A_647 = arith.constant 0 : i32
        %scatter3A_648 = arith.constant 0 : i32
        %scatter3A_649 = tpu.memref_slice %arg7[%scatter3A_645, %scatter3A_646, %scatter3A_647, %scatter3A_648] : memref<2x4x8x128xf32, #tpu.memory_space<vmem>> -> memref<1x4x8x128xf32, #tpu.memory_space<vmem>>
        %scatter3A_650 = tpu.memref_squeeze %scatter3A_649 : memref<1x4x8x128xf32, #tpu.memory_space<vmem>> -> memref<4x8x128xf32, #tpu.memory_space<vmem>>
        tpu.vector_store_idx %scatter3A_650[%shift_right_arithmetic3A_625, %and3A_628, %add3A_8], %gather3A_644 : memref<4x8x128xf32, #tpu.memory_space<vmem>>[vector<16xi32>, vector<16xi32>, vector<16xi32>], vector<16xf32>,
        %gather3A_651 = arith.constant 1 : i32
        %gather3A_652 = arith.constant 0 : i32
        %gather3A_653 = arith.constant 0 : i32
        %gather3A_654 = tpu.memref_slice %arg6[%gather3A_651, %gather3A_652, %gather3A_653] : memref<4x128x32xf32, #tpu.memory_space<vmem>> -> memref<1x128x32xf32, #tpu.memory_space<vmem>>
        %gather3A_655 = tpu.memref_squeeze %gather3A_654 : memref<1x128x32xf32, #tpu.memory_space<vmem>> -> memref<128x32xf32, #tpu.memory_space<vmem>>
        %gather3A_656 = tpu.vector_load_idx %gather3A_655[%add3A_11, %and3A_623] : memref<128x32xf32, #tpu.memory_space<vmem>>[vector<16xi32>, vector<16xi32>], vector<16xf32>,
        %scatter3A_657 = arith.constant 1 : i32
        %scatter3A_658 = arith.constant 0 : i32
        %scatter3A_659 = arith.constant 0 : i32
        %scatter3A_660 = arith.constant 0 : i32
        %scatter3A_661 = tpu.memref_slice %arg7[%scatter3A_657, %scatter3A_658, %scatter3A_659, %scatter3A_660] : memref<2x4x8x128xf32, #tpu.memory_space<vmem>> -> memref<1x4x8x128xf32, #tpu.memory_space<vmem>>
        %scatter3A_662 = tpu.memref_squeeze %scatter3A_661 : memref<1x4x8x128xf32, #tpu.memory_space<vmem>> -> memref<4x8x128xf32, #tpu.memory_space<vmem>>
        tpu.vector_store_idx %scatter3A_662[%shift_right_arithmetic3A_625, %and3A_628, %add3A_11], %gather3A_656 : memref<4x8x128xf32, #tpu.memory_space<vmem>>[vector<16xi32>, vector<16xi32>, vector<16xi32>], vector<16xf32>,
        %gather3A_663 = arith.constant 1 : i32
        %gather3A_664 = arith.constant 0 : i32
        %gather3A_665 = arith.constant 0 : i32
        %gather3A_666 = tpu.memref_slice %arg6[%gather3A_663, %gather3A_664, %gather3A_665] : memref<4x128x32xf32, #tpu.memory_space<vmem>> -> memref<1x128x32xf32, #tpu.memory_space<vmem>>
        %gather3A_667 = tpu.memref_squeeze %gather3A_666 : memref<1x128x32xf32, #tpu.memory_space<vmem>> -> memref<128x32xf32, #tpu.memory_space<vmem>>
        %gather3A_668 = tpu.vector_load_idx %gather3A_667[%add3A_14, %and3A_623] : memref<128x32xf32, #tpu.memory_space<vmem>>[vector<16xi32>, vector<16xi32>], vector<16xf32>,
        %scatter3A_669 = arith.constant 1 : i32
        %scatter3A_670 = arith.constant 0 : i32
        %scatter3A_671 = arith.constant 0 : i32
        %scatter3A_672 = arith.constant 0 : i32
        %scatter3A_673 = tpu.memref_slice %arg7[%scatter3A_669, %scatter3A_670, %scatter3A_671, %scatter3A_672] : memref<2x4x8x128xf32, #tpu.memory_space<vmem>> -> memref<1x4x8x128xf32, #tpu.memory_space<vmem>>
        %scatter3A_674 = tpu.memref_squeeze %scatter3A_673 : memref<1x4x8x128xf32, #tpu.memory_space<vmem>> -> memref<4x8x128xf32, #tpu.memory_space<vmem>>
        tpu.vector_store_idx %scatter3A_674[%shift_right_arithmetic3A_625, %and3A_628, %add3A_14], %gather3A_668 : memref<4x8x128xf32, #tpu.memory_space<vmem>>[vector<16xi32>, vector<16xi32>, vector<16xi32>], vector<16xf32>,
        %gather3A_675 = arith.constant 1 : i32
        %gather3A_676 = arith.constant 0 : i32
        %gather3A_677 = arith.constant 0 : i32
        %gather3A_678 = tpu.memref_slice %arg6[%gather3A_675, %gather3A_676, %gather3A_677] : memref<4x128x32xf32, #tpu.memory_space<vmem>> -> memref<1x128x32xf32, #tpu.memory_space<vmem>>
        %gather3A_679 = tpu.memref_squeeze %gather3A_678 : memref<1x128x32xf32, #tpu.memory_space<vmem>> -> memref<128x32xf32, #tpu.memory_space<vmem>>
        %gather3A_680 = tpu.vector_load_idx %gather3A_679[%add3A_17, %and3A_623] : memref<128x32xf32, #tpu.memory_space<vmem>>[vector<16xi32>, vector<16xi32>], vector<16xf32>,
        %scatter3A_681 = arith.constant 1 : i32
        %scatter3A_682 = arith.constant 0 : i32
        %scatter3A_683 = arith.constant 0 : i32
        %scatter3A_684 = arith.constant 0 : i32
        %scatter3A_685 = tpu.memref_slice %arg7[%scatter3A_681, %scatter3A_682, %scatter3A_683, %scatter3A_684] : memref<2x4x8x128xf32, #tpu.memory_space<vmem>> -> memref<1x4x8x128xf32, #tpu.memory_space<vmem>>
        %scatter3A_686 = tpu.memref_squeeze %scatter3A_685 : memref<1x4x8x128xf32, #tpu.memory_space<vmem>> -> memref<4x8x128xf32, #tpu.memory_space<vmem>>
        tpu.vector_store_idx %scatter3A_686[%shift_right_arithmetic3A_625, %and3A_628, %add3A_17], %gather3A_680 : memref<4x8x128xf32, #tpu.memory_space<vmem>>[vector<16xi32>, vector<16xi32>, vector<16xi32>], vector<16xf32>,
        %gather3A_687 = arith.constant 1 : i32
        %gather3A_688 = arith.constant 0 : i32
        %gather3A_689 = arith.constant 0 : i32
        %gather3A_690 = tpu.memref_slice %arg6[%gather3A_687, %gather3A_688, %gather3A_689] : memref<4x128x32xf32, #tpu.memory_space<vmem>> -> memref<1x128x32xf32, #tpu.memory_space<vmem>>
        %gather3A_691 = tpu.memref_squeeze %gather3A_690 : memref<1x128x32xf32, #tpu.memory_space<vmem>> -> memref<128x32xf32, #tpu.memory_space<vmem>>
        %gather3A_692 = tpu.vector_load_idx %gather3A_691[%add3A_20, %and3A_623] : memref<128x32xf32, #tpu.memory_space<vmem>>[vector<16xi32>, vector<16xi32>], vector<16xf32>,
        %scatter3A_693 = arith.constant 1 : i32
        %scatter3A_694 = arith.constant 0 : i32
        %scatter3A_695 = arith.constant 0 : i32
        %scatter3A_696 = arith.constant 0 : i32
        %scatter3A_697 = tpu.memref_slice %arg7[%scatter3A_693, %scatter3A_694, %scatter3A_695, %scatter3A_696] : memref<2x4x8x128xf32, #tpu.memory_space<vmem>> -> memref<1x4x8x128xf32, #tpu.memory_space<vmem>>
        %scatter3A_698 = tpu.memref_squeeze %scatter3A_697 : memref<1x4x8x128xf32, #tpu.memory_space<vmem>> -> memref<4x8x128xf32, #tpu.memory_space<vmem>>
        tpu.vector_store_idx %scatter3A_698[%shift_right_arithmetic3A_625, %and3A_628, %add3A_20], %gather3A_692 : memref<4x8x128xf32, #tpu.memory_space<vmem>>[vector<16xi32>, vector<16xi32>, vector<16xi32>], vector<16xf32>,
        %gather3A_699 = arith.constant 1 : i32
        %gather3A_700 = arith.constant 0 : i32
        %gather3A_701 = arith.constant 0 : i32
        %gather3A_702 = tpu.memref_slice %arg6[%gather3A_699, %gather3A_700, %gather3A_701] : memref<4x128x32xf32, #tpu.memory_space<vmem>> -> memref<1x128x32xf32, #tpu.memory_space<vmem>>
        %gather3A_703 = tpu.memref_squeeze %gather3A_702 : memref<1x128x32xf32, #tpu.memory_space<vmem>> -> memref<128x32xf32, #tpu.memory_space<vmem>>
        %gather3A_704 = tpu.vector_load_idx %gather3A_703[%add3A_23, %and3A_623] : memref<128x32xf32, #tpu.memory_space<vmem>>[vector<16xi32>, vector<16xi32>], vector<16xf32>,
        %scatter3A_705 = arith.constant 1 : i32
        %scatter3A_706 = arith.constant 0 : i32
        %scatter3A_707 = arith.constant 0 : i32
        %scatter3A_708 = arith.constant 0 : i32
        %scatter3A_709 = tpu.memref_slice %arg7[%scatter3A_705, %scatter3A_706, %scatter3A_707, %scatter3A_708] : memref<2x4x8x128xf32, #tpu.memory_space<vmem>> -> memref<1x4x8x128xf32, #tpu.memory_space<vmem>>
        %scatter3A_710 = tpu.memref_squeeze %scatter3A_709 : memref<1x4x8x128xf32, #tpu.memory_space<vmem>> -> memref<4x8x128xf32, #tpu.memory_space<vmem>>
        tpu.vector_store_idx %scatter3A_710[%shift_right_arithmetic3A_625, %and3A_628, %add3A_23], %gather3A_704 : memref<4x8x128xf32, #tpu.memory_space<vmem>>[vector<16xi32>, vector<16xi32>, vector<16xi32>], vector<16xf32>,
        %gather3A_711 = arith.constant 1 : i32
        %gather3A_712 = arith.constant 0 : i32
        %gather3A_713 = arith.constant 0 : i32
        %gather3A_714 = tpu.memref_slice %arg6[%gather3A_711, %gather3A_712, %gather3A_713] : memref<4x128x32xf32, #tpu.memory_space<vmem>> -> memref<1x128x32xf32, #tpu.memory_space<vmem>>
        %gather3A_715 = tpu.memref_squeeze %gather3A_714 : memref<1x128x32xf32, #tpu.memory_space<vmem>> -> memref<128x32xf32, #tpu.memory_space<vmem>>
        %gather3A_716 = tpu.vector_load_idx %gather3A_715[%add3A_26, %and3A_623] : memref<128x32xf32, #tpu.memory_space<vmem>>[vector<16xi32>, vector<16xi32>], vector<16xf32>,
        %scatter3A_717 = arith.constant 1 : i32
        %scatter3A_718 = arith.constant 0 : i32
        %scatter3A_719 = arith.constant 0 : i32
        %scatter3A_720 = arith.constant 0 : i32
        %scatter3A_721 = tpu.memref_slice %arg7[%scatter3A_717, %scatter3A_718, %scatter3A_719, %scatter3A_720] : memref<2x4x8x128xf32, #tpu.memory_space<vmem>> -> memref<1x4x8x128xf32, #tpu.memory_space<vmem>>
        %scatter3A_722 = tpu.memref_squeeze %scatter3A_721 : memref<1x4x8x128xf32, #tpu.memory_space<vmem>> -> memref<4x8x128xf32, #tpu.memory_space<vmem>>
        tpu.vector_store_idx %scatter3A_722[%shift_right_arithmetic3A_625, %and3A_628, %add3A_26], %gather3A_716 : memref<4x8x128xf32, #tpu.memory_space<vmem>>[vector<16xi32>, vector<16xi32>, vector<16xi32>], vector<16xf32>,
      }
      %scan3A_365 = arith.constant 32 : i32
      %dma_start3A_366 = arith.constant 1 : i32
      %dma_start3A_367 = arith.constant 0 : i32
      %dma_start3A_368 = arith.constant 0 : i32
      %dma_start3A_369 = arith.constant 0 : i32
      %dma_start3A_370 = tpu.memref_slice %arg7[%dma_start3A_366, %dma_start3A_367, %dma_start3A_368, %dma_start3A_369] : memref<2x4x8x128xf32, #tpu.memory_space<vmem>> -> memref<1x4x8x128xf32, #tpu.memory_space<vmem>>
      %dma_start3A_371 = tpu.memref_squeeze %dma_start3A_370 : memref<1x4x8x128xf32, #tpu.memory_space<vmem>> -> memref<4x8x128xf32, #tpu.memory_space<vmem>>
      %dma_start3A_372 = arith.constant 0 : i32
      %dma_start3A_373 = arith.constant 0 : i32
      %dma_start3A_374 = arith.constant 0 : i32
      %dma_start3A_375 = tpu.memref_slice %arg4[%select_n3A_323, %dma_start3A_372, %select_n3A_339, %dma_start3A_373, %dma_start3A_374] : memref<26x4x128x8x128xf32, #tpu.memory_space<hbm>> -> memref<1x4x1x8x128xf32, #tpu.memory_space<hbm>>
      %dma_start3A_376 = tpu.memref_squeeze %dma_start3A_375 : memref<1x4x1x8x128xf32, #tpu.memory_space<hbm>> -> memref<4x8x128xf32, #tpu.memory_space<hbm>>
      %dma_start3A_377 = arith.constant 0 : i32
      %dma_start3A_378 = arith.constant 0 : i32
      %dma_start3A_379 = arith.constant 0 : i32
      %dma_start3A_380 = tpu.memref_slice %arg4[%select_n3A_323, %dma_start3A_377, %select_n3A_339, %dma_start3A_378, %dma_start3A_379] : memref<26x4x128x8x128xf32, #tpu.memory_space<hbm>> -> memref<1x4x1x8x128xf32, #tpu.memory_space<hbm>>
      %dma_start3A_381 = tpu.memref_squeeze %dma_start3A_380 : memref<1x4x1x8x128xf32, #tpu.memory_space<hbm>> -> memref<4x8x128xf32, #tpu.memory_space<hbm>>
      %dma_start3A_382 = arith.constant 0 : i32
      %dma_start3A_383 = arith.constant 0 : i32
      %dma_start3A_384 = arith.constant 0 : i32
      %dma_start3A_385 = tpu.memref_slice %arg7[%dma_start3A_366, %dma_start3A_382, %dma_start3A_383, %dma_start3A_384] : memref<2x4x8x128xf32, #tpu.memory_space<vmem>> -> memref<1x4x8x128xf32, #tpu.memory_space<vmem>>
      %dma_start3A_386 = tpu.memref_squeeze %dma_start3A_385 : memref<1x4x8x128xf32, #tpu.memory_space<vmem>> -> memref<4x8x128xf32, #tpu.memory_space<vmem>>
      tpu.enqueue_dma source(%dma_start3A_386 : memref<4x8x128xf32, #tpu.memory_space<vmem>>) target(%dma_start3A_381 : memref<4x8x128xf32, #tpu.memory_space<hbm>>) target_semaphore(%arg13 : memref<!tpu.dma_semaphore, #tpu.memory_space<semaphore_mem>>)
      %lt3A_387 = arith.constant 25 : i32
      %lt3A_388 = arith.cmpi slt, %scan3A_200, %lt3A_387 : i32
      %convert_element_type3A_389 = arith.extui %lt3A_388 : i1 to i32
      %cond3A_390 = arith.constant 0 : i32
      %cond3A_391 = arith.cmpi ne, %convert_element_type3A_389, %cond3A_390 : i32
      scf.if %cond3A_391 {
        %mul3A_618 = arith.constant 4 : i32
        %mul3A_619 = arith.muli %scan3A_200, %mul3A_618 : i32
        %add3A_620 = arith.constant 4 : i32
        %add3A_621 = arith.addi %mul3A_619, %add3A_620 : i32
        %add3A_622 = arith.constant 1 : i32
        %add3A_623 = arith.addi %add3A_621, %add3A_622 : i32
        %dma_start3A_624 = arith.constant 1 : i32
        %dma_start3A_625 = arith.constant 0 : i32
        %dma_start3A_626 = arith.constant 0 : i32
        %dma_start3A_627 = tpu.memref_slice %arg6[%dma_start3A_624, %dma_start3A_625, %dma_start3A_626] : memref<4x128x32xf32, #tpu.memory_space<vmem>> -> memref<1x128x32xf32, #tpu.memory_space<vmem>>
        %dma_start3A_628 = tpu.memref_squeeze %dma_start3A_627 : memref<1x128x32xf32, #tpu.memory_space<vmem>> -> memref<128x32xf32, #tpu.memory_space<vmem>>
        %dma_start3A_629 = arith.constant 0 : i32
        %dma_start3A_630 = tpu.memref_slice %arg5[%add3A_623, %dma_start3A_629] : memref<104x128xi32, #tpu.memory_space<vmem>> -> memref<1x128xi32, #tpu.memory_space<vmem>>
        %dma_start3A_631 = tpu.memref_squeeze %dma_start3A_630 : memref<1x128xi32, #tpu.memory_space<vmem>> -> memref<128xi32, #tpu.memory_space<vmem>>
        %dma_start3A_632 = arith.constant 0 : i32
        %dma_start3A_633 = arith.constant 0 : i32
        %dma_start3A_634 = tpu.memref_slice %arg3[%dma_start3A_632, %dma_start3A_633] : memref<1000064x32xf32, #tpu.memory_space<hbm>> -> memref<1000064x32xf32, #tpu.memory_space<hbm>>
        tpu.enqueue_indirect_dma source(%dma_start3A_634 : memref<1000064x32xf32, #tpu.memory_space<hbm>>) target(%dma_start3A_628 : memref<128x32xf32, #tpu.memory_space<vmem>>) offsets(%dma_start3A_631 : memref<128xi32, #tpu.memory_space<vmem>>) semaphore(%arg9 : memref<!tpu.dma_semaphore, #tpu.memory_space<semaphore_mem>>)
      } else {
      }
      %mul3A_392 = arith.constant 4 : i32
      %mul3A_393 = arith.muli %scan3A_200, %mul3A_392 : i32
      %add3A_394 = arith.addi %mul3A_2, %mul3A_393 : i32
      %add3A_395 = arith.constant 2 : i32
      %add3A_396 = arith.addi %add3A_394, %add3A_395 : i32
      %jit3A_397 = arith.constant 128 : i32
      %div3A_398 = arith.divsi %add3A_396, %jit3A_397 : i32
      %sign3A_399 = arith.constant 0 : i32
      %sign3A_400 = arith.cmpi sgt, %add3A_396, %sign3A_399 : i32
      %sign3A_401 = arith.extui %sign3A_400 : i1 to i32
      %sign3A_402 = arith.constant 0 : i32
      %sign3A_403 = arith.cmpi slt, %add3A_396, %sign3A_402 : i32
      %sign3A_404 = arith.extui %sign3A_403 : i1 to i32
      %sign3A_405 = arith.subi %sign3A_401, %sign3A_404 : i32
      %sign3A_406 = arith.constant 0 : i32
      %sign3A_407 = arith.cmpi sgt, %jit3A_397, %sign3A_406 : i32
      %sign3A_408 = arith.extui %sign3A_407 : i1 to i32
      %sign3A_409 = arith.constant 0 : i32
      %sign3A_410 = arith.cmpi slt, %jit3A_397, %sign3A_409 : i32
      %sign3A_411 = arith.extui %sign3A_410 : i1 to i32
      %sign3A_412 = arith.subi %sign3A_408, %sign3A_411 : i32
      %ne3A_413 = arith.cmpi ne, %sign3A_405, %sign3A_412 : i32
      %rem3A_414 = arith.remsi %add3A_396, %jit3A_397 : i32
      %ne3A_415 = arith.constant 0 : i32
      %ne3A_416 = arith.cmpi ne, %rem3A_414, %ne3A_415 : i32
      %and3A_417 = arith.andi %ne3A_413, %ne3A_416 : i1
      %sub3A_418 = arith.constant 1 : i32
      %sub3A_419 = arith.subi %div3A_398, %sub3A_418 : i32
      %select_n3A_420 = arith.select %and3A_417, %sub3A_419, %div3A_398 : i32
      %jit3A_421 = arith.constant 128 : i32
      %eq3A_422 = arith.constant 0 : i32
      %eq3A_423 = arith.cmpi eq, %jit3A_421, %eq3A_422 : i32
      %jit3A_424 = arith.constant 1 : i32
      %select_n3A_425 = arith.select %eq3A_423, %jit3A_424, %jit3A_421 : i32
      %rem3A_426 = arith.remsi %add3A_396, %select_n3A_425 : i32
      %ne3A_427 = arith.constant 0 : i32
      %ne3A_428 = arith.cmpi ne, %rem3A_426, %ne3A_427 : i32
      %lt3A_429 = arith.constant 0 : i32
      %lt3A_430 = arith.cmpi slt, %rem3A_426, %lt3A_429 : i32
      %lt3A_431 = arith.constant 0 : i32
      %lt3A_432 = arith.cmpi slt, %select_n3A_425, %lt3A_431 : i32
      %ne3A_433 = arith.xori %lt3A_430, %lt3A_432 : i1
      %and3A_434 = arith.andi %ne3A_433, %ne3A_428 : i1
      %add3A_435 = arith.addi %rem3A_426, %select_n3A_425 : i32
      %select_n3A_436 = arith.select %and3A_434, %add3A_435, %rem3A_426 : i32
      %dma_wait3A_437 = arith.constant 0 : i32
      %dma_wait3A_438 = arith.constant 0 : i32
      %dma_wait3A_439 = arith.constant 0 : i32
      %dma_wait3A_440 = arith.constant 0 : i32
      %dma_wait3A_441 = tpu.memref_slice %arg7[%dma_wait3A_437, %dma_wait3A_438, %dma_wait3A_439, %dma_wait3A_440] : memref<2x4x8x128xf32, #tpu.memory_space<vmem>> -> memref<1x4x8x128xf32, #tpu.memory_space<vmem>>
      %dma_wait3A_442 = tpu.memref_squeeze %dma_wait3A_441 : memref<1x4x8x128xf32, #tpu.memory_space<vmem>> -> memref<4x8x128xf32, #tpu.memory_space<vmem>>
      %dma_wait3A_443 = arith.constant 0 : i32
      %dma_wait3A_444 = arith.constant 0 : i32
      %dma_wait3A_445 = arith.constant 0 : i32
      %dma_wait3A_446 = tpu.memref_slice %arg4[%select_n3A_420, %dma_wait3A_443, %select_n3A_436, %dma_wait3A_444, %dma_wait3A_445] : memref<26x4x128x8x128xf32, #tpu.memory_space<hbm>> -> memref<1x4x1x8x128xf32, #tpu.memory_space<hbm>>
      %dma_wait3A_447 = tpu.memref_squeeze %dma_wait3A_446 : memref<1x4x1x8x128xf32, #tpu.memory_space<hbm>> -> memref<4x8x128xf32, #tpu.memory_space<hbm>>
      %dma_wait3A_448 = arith.constant 0 : i32
      %dma_wait3A_449 = arith.constant 0 : i32
      %dma_wait3A_450 = arith.constant 0 : i32
      %dma_wait3A_451 = tpu.memref_slice %arg4[%select_n3A_420, %dma_wait3A_448, %select_n3A_436, %dma_wait3A_449, %dma_wait3A_450] : memref<26x4x128x8x128xf32, #tpu.memory_space<hbm>> -> memref<1x4x1x8x128xf32, #tpu.memory_space<hbm>>
      %dma_wait3A_452 = tpu.memref_squeeze %dma_wait3A_451 : memref<1x4x1x8x128xf32, #tpu.memory_space<hbm>> -> memref<4x8x128xf32, #tpu.memory_space<hbm>>
      %dma_wait3A_453 = arith.constant 0 : i32
      %dma_wait3A_454 = arith.constant 0 : i32
      %dma_wait3A_455 = arith.constant 0 : i32
      %dma_wait3A_456 = tpu.memref_slice %arg7[%dma_wait3A_437, %dma_wait3A_453, %dma_wait3A_454, %dma_wait3A_455] : memref<2x4x8x128xf32, #tpu.memory_space<vmem>> -> memref<1x4x8x128xf32, #tpu.memory_space<vmem>>
      %dma_wait3A_457 = tpu.memref_squeeze %dma_wait3A_456 : memref<1x4x8x128xf32, #tpu.memory_space<vmem>> -> memref<4x8x128xf32, #tpu.memory_space<vmem>>
      tpu.wait_dma2 semaphore(%arg12 : memref<!tpu.dma_semaphore, #tpu.memory_space<semaphore_mem>>) src(%dma_wait3A_457 : memref<4x8x128xf32, #tpu.memory_space<vmem>>) dst(%dma_wait3A_452 : memref<4x8x128xf32, #tpu.memory_space<hbm>>)
      %dma_wait3A_458 = arith.constant 2 : i32
      %dma_wait3A_459 = arith.constant 0 : i32
      %dma_wait3A_460 = arith.constant 0 : i32
      %dma_wait3A_461 = tpu.memref_slice %arg6[%dma_wait3A_458, %dma_wait3A_459, %dma_wait3A_460] : memref<4x128x32xf32, #tpu.memory_space<vmem>> -> memref<1x128x32xf32, #tpu.memory_space<vmem>>
      %dma_wait3A_462 = tpu.memref_squeeze %dma_wait3A_461 : memref<1x128x32xf32, #tpu.memory_space<vmem>> -> memref<128x32xf32, #tpu.memory_space<vmem>>
      %dma_wait3A_463 = arith.constant 0 : i32
      %dma_wait3A_464 = arith.constant 0 : i32
      %dma_wait3A_465 = tpu.memref_slice %arg3[%dma_wait3A_463, %dma_wait3A_464] : memref<1000064x32xf32, #tpu.memory_space<hbm>> -> memref<128x32xf32, #tpu.memory_space<hbm>>
      %dma_wait3A_466 = arith.constant 0 : i32
      %dma_wait3A_467 = arith.constant 0 : i32
      %dma_wait3A_468 = tpu.memref_slice %arg6[%dma_wait3A_458, %dma_wait3A_466, %dma_wait3A_467] : memref<4x128x32xf32, #tpu.memory_space<vmem>> -> memref<1x128x32xf32, #tpu.memory_space<vmem>>
      %dma_wait3A_469 = tpu.memref_squeeze %dma_wait3A_468 : memref<1x128x32xf32, #tpu.memory_space<vmem>> -> memref<128x32xf32, #tpu.memory_space<vmem>>
      %dma_wait3A_470 = arith.constant 0 : i32
      %dma_wait3A_471 = arith.constant 0 : i32
      %dma_wait3A_472 = tpu.memref_slice %arg3[%dma_wait3A_470, %dma_wait3A_471] : memref<1000064x32xf32, #tpu.memory_space<hbm>> -> memref<128x32xf32, #tpu.memory_space<hbm>>
      tpu.wait_dma2 semaphore(%arg10 : memref<!tpu.dma_semaphore, #tpu.memory_space<semaphore_mem>>) src(%dma_wait3A_472 : memref<128x32xf32, #tpu.memory_space<hbm>>) dst(%dma_wait3A_469 : memref<128x32xf32, #tpu.memory_space<vmem>>)
      %scan3A_473 = arith.constant 0 : i32
      %scan3A_474 = arith.constant 0 : i32
      %scan3A_475 = arith.constant 32 : i32
      %scan3A_476 = arith.addi %scan3A_474, %scan3A_475 : i32
      %scan3A_477 = arith.constant 1 : i32
      scf.for %scan3A_618 = %scan3A_474 to %scan3A_476 step %scan3A_477  : i32 {
        %add3A_619 = vector.broadcast %scan3A_618 : i32 to vector<16xi32>
        %add3A_620 = arith.addi %iota3A, %add3A_619 : vector<16xi32>
        %and3A_621 = arith.constant 31 : i32
        %and3A_622 = vector.broadcast %and3A_621 : i32 to vector<16xi32>
        %and3A_623 = arith.andi %add3A_620, %and3A_622 : vector<16xi32>
        %shift_right_arithmetic3A = arith.constant 3 : i32
        %shift_right_arithmetic3A_624 = vector.broadcast %shift_right_arithmetic3A : i32 to vector<16xi32>
        %shift_right_arithmetic3A_625 = arith.shrsi %and3A_623, %shift_right_arithmetic3A_624 : vector<16xi32>
        %and3A_626 = arith.constant 7 : i32
        %and3A_627 = vector.broadcast %and3A_626 : i32 to vector<16xi32>
        %and3A_628 = arith.andi %and3A_623, %and3A_627 : vector<16xi32>
        %gather3A = arith.constant 2 : i32
        %gather3A_629 = arith.constant 0 : i32
        %gather3A_630 = arith.constant 0 : i32
        %gather3A_631 = tpu.memref_slice %arg6[%gather3A, %gather3A_629, %gather3A_630] : memref<4x128x32xf32, #tpu.memory_space<vmem>> -> memref<1x128x32xf32, #tpu.memory_space<vmem>>
        %gather3A_632 = tpu.memref_squeeze %gather3A_631 : memref<1x128x32xf32, #tpu.memory_space<vmem>> -> memref<128x32xf32, #tpu.memory_space<vmem>>
        %gather3A_633 = tpu.vector_load_idx %gather3A_632[%add3A_5, %and3A_623] : memref<128x32xf32, #tpu.memory_space<vmem>>[vector<16xi32>, vector<16xi32>], vector<16xf32>,
        %scatter3A = arith.constant 0 : i32
        %scatter3A_634 = arith.constant 0 : i32
        %scatter3A_635 = arith.constant 0 : i32
        %scatter3A_636 = arith.constant 0 : i32
        %scatter3A_637 = tpu.memref_slice %arg7[%scatter3A, %scatter3A_634, %scatter3A_635, %scatter3A_636] : memref<2x4x8x128xf32, #tpu.memory_space<vmem>> -> memref<1x4x8x128xf32, #tpu.memory_space<vmem>>
        %scatter3A_638 = tpu.memref_squeeze %scatter3A_637 : memref<1x4x8x128xf32, #tpu.memory_space<vmem>> -> memref<4x8x128xf32, #tpu.memory_space<vmem>>
        tpu.vector_store_idx %scatter3A_638[%shift_right_arithmetic3A_625, %and3A_628, %add3A_5], %gather3A_633 : memref<4x8x128xf32, #tpu.memory_space<vmem>>[vector<16xi32>, vector<16xi32>, vector<16xi32>], vector<16xf32>,
        %gather3A_639 = arith.constant 2 : i32
        %gather3A_640 = arith.constant 0 : i32
        %gather3A_641 = arith.constant 0 : i32
        %gather3A_642 = tpu.memref_slice %arg6[%gather3A_639, %gather3A_640, %gather3A_641] : memref<4x128x32xf32, #tpu.memory_space<vmem>> -> memref<1x128x32xf32, #tpu.memory_space<vmem>>
        %gather3A_643 = tpu.memref_squeeze %gather3A_642 : memref<1x128x32xf32, #tpu.memory_space<vmem>> -> memref<128x32xf32, #tpu.memory_space<vmem>>
        %gather3A_644 = tpu.vector_load_idx %gather3A_643[%add3A_8, %and3A_623] : memref<128x32xf32, #tpu.memory_space<vmem>>[vector<16xi32>, vector<16xi32>], vector<16xf32>,
        %scatter3A_645 = arith.constant 0 : i32
        %scatter3A_646 = arith.constant 0 : i32
        %scatter3A_647 = arith.constant 0 : i32
        %scatter3A_648 = arith.constant 0 : i32
        %scatter3A_649 = tpu.memref_slice %arg7[%scatter3A_645, %scatter3A_646, %scatter3A_647, %scatter3A_648] : memref<2x4x8x128xf32, #tpu.memory_space<vmem>> -> memref<1x4x8x128xf32, #tpu.memory_space<vmem>>
        %scatter3A_650 = tpu.memref_squeeze %scatter3A_649 : memref<1x4x8x128xf32, #tpu.memory_space<vmem>> -> memref<4x8x128xf32, #tpu.memory_space<vmem>>
        tpu.vector_store_idx %scatter3A_650[%shift_right_arithmetic3A_625, %and3A_628, %add3A_8], %gather3A_644 : memref<4x8x128xf32, #tpu.memory_space<vmem>>[vector<16xi32>, vector<16xi32>, vector<16xi32>], vector<16xf32>,
        %gather3A_651 = arith.constant 2 : i32
        %gather3A_652 = arith.constant 0 : i32
        %gather3A_653 = arith.constant 0 : i32
        %gather3A_654 = tpu.memref_slice %arg6[%gather3A_651, %gather3A_652, %gather3A_653] : memref<4x128x32xf32, #tpu.memory_space<vmem>> -> memref<1x128x32xf32, #tpu.memory_space<vmem>>
        %gather3A_655 = tpu.memref_squeeze %gather3A_654 : memref<1x128x32xf32, #tpu.memory_space<vmem>> -> memref<128x32xf32, #tpu.memory_space<vmem>>
        %gather3A_656 = tpu.vector_load_idx %gather3A_655[%add3A_11, %and3A_623] : memref<128x32xf32, #tpu.memory_space<vmem>>[vector<16xi32>, vector<16xi32>], vector<16xf32>,
        %scatter3A_657 = arith.constant 0 : i32
        %scatter3A_658 = arith.constant 0 : i32
        %scatter3A_659 = arith.constant 0 : i32
        %scatter3A_660 = arith.constant 0 : i32
        %scatter3A_661 = tpu.memref_slice %arg7[%scatter3A_657, %scatter3A_658, %scatter3A_659, %scatter3A_660] : memref<2x4x8x128xf32, #tpu.memory_space<vmem>> -> memref<1x4x8x128xf32, #tpu.memory_space<vmem>>
        %scatter3A_662 = tpu.memref_squeeze %scatter3A_661 : memref<1x4x8x128xf32, #tpu.memory_space<vmem>> -> memref<4x8x128xf32, #tpu.memory_space<vmem>>
        tpu.vector_store_idx %scatter3A_662[%shift_right_arithmetic3A_625, %and3A_628, %add3A_11], %gather3A_656 : memref<4x8x128xf32, #tpu.memory_space<vmem>>[vector<16xi32>, vector<16xi32>, vector<16xi32>], vector<16xf32>,
        %gather3A_663 = arith.constant 2 : i32
        %gather3A_664 = arith.constant 0 : i32
        %gather3A_665 = arith.constant 0 : i32
        %gather3A_666 = tpu.memref_slice %arg6[%gather3A_663, %gather3A_664, %gather3A_665] : memref<4x128x32xf32, #tpu.memory_space<vmem>> -> memref<1x128x32xf32, #tpu.memory_space<vmem>>
        %gather3A_667 = tpu.memref_squeeze %gather3A_666 : memref<1x128x32xf32, #tpu.memory_space<vmem>> -> memref<128x32xf32, #tpu.memory_space<vmem>>
        %gather3A_668 = tpu.vector_load_idx %gather3A_667[%add3A_14, %and3A_623] : memref<128x32xf32, #tpu.memory_space<vmem>>[vector<16xi32>, vector<16xi32>], vector<16xf32>,
        %scatter3A_669 = arith.constant 0 : i32
        %scatter3A_670 = arith.constant 0 : i32
        %scatter3A_671 = arith.constant 0 : i32
        %scatter3A_672 = arith.constant 0 : i32
        %scatter3A_673 = tpu.memref_slice %arg7[%scatter3A_669, %scatter3A_670, %scatter3A_671, %scatter3A_672] : memref<2x4x8x128xf32, #tpu.memory_space<vmem>> -> memref<1x4x8x128xf32, #tpu.memory_space<vmem>>
        %scatter3A_674 = tpu.memref_squeeze %scatter3A_673 : memref<1x4x8x128xf32, #tpu.memory_space<vmem>> -> memref<4x8x128xf32, #tpu.memory_space<vmem>>
        tpu.vector_store_idx %scatter3A_674[%shift_right_arithmetic3A_625, %and3A_628, %add3A_14], %gather3A_668 : memref<4x8x128xf32, #tpu.memory_space<vmem>>[vector<16xi32>, vector<16xi32>, vector<16xi32>], vector<16xf32>,
        %gather3A_675 = arith.constant 2 : i32
        %gather3A_676 = arith.constant 0 : i32
        %gather3A_677 = arith.constant 0 : i32
        %gather3A_678 = tpu.memref_slice %arg6[%gather3A_675, %gather3A_676, %gather3A_677] : memref<4x128x32xf32, #tpu.memory_space<vmem>> -> memref<1x128x32xf32, #tpu.memory_space<vmem>>
        %gather3A_679 = tpu.memref_squeeze %gather3A_678 : memref<1x128x32xf32, #tpu.memory_space<vmem>> -> memref<128x32xf32, #tpu.memory_space<vmem>>
        %gather3A_680 = tpu.vector_load_idx %gather3A_679[%add3A_17, %and3A_623] : memref<128x32xf32, #tpu.memory_space<vmem>>[vector<16xi32>, vector<16xi32>], vector<16xf32>,
        %scatter3A_681 = arith.constant 0 : i32
        %scatter3A_682 = arith.constant 0 : i32
        %scatter3A_683 = arith.constant 0 : i32
        %scatter3A_684 = arith.constant 0 : i32
        %scatter3A_685 = tpu.memref_slice %arg7[%scatter3A_681, %scatter3A_682, %scatter3A_683, %scatter3A_684] : memref<2x4x8x128xf32, #tpu.memory_space<vmem>> -> memref<1x4x8x128xf32, #tpu.memory_space<vmem>>
        %scatter3A_686 = tpu.memref_squeeze %scatter3A_685 : memref<1x4x8x128xf32, #tpu.memory_space<vmem>> -> memref<4x8x128xf32, #tpu.memory_space<vmem>>
        tpu.vector_store_idx %scatter3A_686[%shift_right_arithmetic3A_625, %and3A_628, %add3A_17], %gather3A_680 : memref<4x8x128xf32, #tpu.memory_space<vmem>>[vector<16xi32>, vector<16xi32>, vector<16xi32>], vector<16xf32>,
        %gather3A_687 = arith.constant 2 : i32
        %gather3A_688 = arith.constant 0 : i32
        %gather3A_689 = arith.constant 0 : i32
        %gather3A_690 = tpu.memref_slice %arg6[%gather3A_687, %gather3A_688, %gather3A_689] : memref<4x128x32xf32, #tpu.memory_space<vmem>> -> memref<1x128x32xf32, #tpu.memory_space<vmem>>
        %gather3A_691 = tpu.memref_squeeze %gather3A_690 : memref<1x128x32xf32, #tpu.memory_space<vmem>> -> memref<128x32xf32, #tpu.memory_space<vmem>>
        %gather3A_692 = tpu.vector_load_idx %gather3A_691[%add3A_20, %and3A_623] : memref<128x32xf32, #tpu.memory_space<vmem>>[vector<16xi32>, vector<16xi32>], vector<16xf32>,
        %scatter3A_693 = arith.constant 0 : i32
        %scatter3A_694 = arith.constant 0 : i32
        %scatter3A_695 = arith.constant 0 : i32
        %scatter3A_696 = arith.constant 0 : i32
        %scatter3A_697 = tpu.memref_slice %arg7[%scatter3A_693, %scatter3A_694, %scatter3A_695, %scatter3A_696] : memref<2x4x8x128xf32, #tpu.memory_space<vmem>> -> memref<1x4x8x128xf32, #tpu.memory_space<vmem>>
        %scatter3A_698 = tpu.memref_squeeze %scatter3A_697 : memref<1x4x8x128xf32, #tpu.memory_space<vmem>> -> memref<4x8x128xf32, #tpu.memory_space<vmem>>
        tpu.vector_store_idx %scatter3A_698[%shift_right_arithmetic3A_625, %and3A_628, %add3A_20], %gather3A_692 : memref<4x8x128xf32, #tpu.memory_space<vmem>>[vector<16xi32>, vector<16xi32>, vector<16xi32>], vector<16xf32>,
        %gather3A_699 = arith.constant 2 : i32
        %gather3A_700 = arith.constant 0 : i32
        %gather3A_701 = arith.constant 0 : i32
        %gather3A_702 = tpu.memref_slice %arg6[%gather3A_699, %gather3A_700, %gather3A_701] : memref<4x128x32xf32, #tpu.memory_space<vmem>> -> memref<1x128x32xf32, #tpu.memory_space<vmem>>
        %gather3A_703 = tpu.memref_squeeze %gather3A_702 : memref<1x128x32xf32, #tpu.memory_space<vmem>> -> memref<128x32xf32, #tpu.memory_space<vmem>>
        %gather3A_704 = tpu.vector_load_idx %gather3A_703[%add3A_23, %and3A_623] : memref<128x32xf32, #tpu.memory_space<vmem>>[vector<16xi32>, vector<16xi32>], vector<16xf32>,
        %scatter3A_705 = arith.constant 0 : i32
        %scatter3A_706 = arith.constant 0 : i32
        %scatter3A_707 = arith.constant 0 : i32
        %scatter3A_708 = arith.constant 0 : i32
        %scatter3A_709 = tpu.memref_slice %arg7[%scatter3A_705, %scatter3A_706, %scatter3A_707, %scatter3A_708] : memref<2x4x8x128xf32, #tpu.memory_space<vmem>> -> memref<1x4x8x128xf32, #tpu.memory_space<vmem>>
        %scatter3A_710 = tpu.memref_squeeze %scatter3A_709 : memref<1x4x8x128xf32, #tpu.memory_space<vmem>> -> memref<4x8x128xf32, #tpu.memory_space<vmem>>
        tpu.vector_store_idx %scatter3A_710[%shift_right_arithmetic3A_625, %and3A_628, %add3A_23], %gather3A_704 : memref<4x8x128xf32, #tpu.memory_space<vmem>>[vector<16xi32>, vector<16xi32>, vector<16xi32>], vector<16xf32>,
        %gather3A_711 = arith.constant 2 : i32
        %gather3A_712 = arith.constant 0 : i32
        %gather3A_713 = arith.constant 0 : i32
        %gather3A_714 = tpu.memref_slice %arg6[%gather3A_711, %gather3A_712, %gather3A_713] : memref<4x128x32xf32, #tpu.memory_space<vmem>> -> memref<1x128x32xf32, #tpu.memory_space<vmem>>
        %gather3A_715 = tpu.memref_squeeze %gather3A_714 : memref<1x128x32xf32, #tpu.memory_space<vmem>> -> memref<128x32xf32, #tpu.memory_space<vmem>>
        %gather3A_716 = tpu.vector_load_idx %gather3A_715[%add3A_26, %and3A_623] : memref<128x32xf32, #tpu.memory_space<vmem>>[vector<16xi32>, vector<16xi32>], vector<16xf32>,
        %scatter3A_717 = arith.constant 0 : i32
        %scatter3A_718 = arith.constant 0 : i32
        %scatter3A_719 = arith.constant 0 : i32
        %scatter3A_720 = arith.constant 0 : i32
        %scatter3A_721 = tpu.memref_slice %arg7[%scatter3A_717, %scatter3A_718, %scatter3A_719, %scatter3A_720] : memref<2x4x8x128xf32, #tpu.memory_space<vmem>> -> memref<1x4x8x128xf32, #tpu.memory_space<vmem>>
        %scatter3A_722 = tpu.memref_squeeze %scatter3A_721 : memref<1x4x8x128xf32, #tpu.memory_space<vmem>> -> memref<4x8x128xf32, #tpu.memory_space<vmem>>
        tpu.vector_store_idx %scatter3A_722[%shift_right_arithmetic3A_625, %and3A_628, %add3A_26], %gather3A_716 : memref<4x8x128xf32, #tpu.memory_space<vmem>>[vector<16xi32>, vector<16xi32>, vector<16xi32>], vector<16xf32>,
      }
      %scan3A_478 = arith.constant 32 : i32
      %dma_start3A_479 = arith.constant 0 : i32
      %dma_start3A_480 = arith.constant 0 : i32
      %dma_start3A_481 = arith.constant 0 : i32
      %dma_start3A_482 = arith.constant 0 : i32
      %dma_start3A_483 = tpu.memref_slice %arg7[%dma_start3A_479, %dma_start3A_480, %dma_start3A_481, %dma_start3A_482] : memref<2x4x8x128xf32, #tpu.memory_space<vmem>> -> memref<1x4x8x128xf32, #tpu.memory_space<vmem>>
      %dma_start3A_484 = tpu.memref_squeeze %dma_start3A_483 : memref<1x4x8x128xf32, #tpu.memory_space<vmem>> -> memref<4x8x128xf32, #tpu.memory_space<vmem>>
      %dma_start3A_485 = arith.constant 0 : i32
      %dma_start3A_486 = arith.constant 0 : i32
      %dma_start3A_487 = arith.constant 0 : i32
      %dma_start3A_488 = tpu.memref_slice %arg4[%select_n3A_420, %dma_start3A_485, %select_n3A_436, %dma_start3A_486, %dma_start3A_487] : memref<26x4x128x8x128xf32, #tpu.memory_space<hbm>> -> memref<1x4x1x8x128xf32, #tpu.memory_space<hbm>>
      %dma_start3A_489 = tpu.memref_squeeze %dma_start3A_488 : memref<1x4x1x8x128xf32, #tpu.memory_space<hbm>> -> memref<4x8x128xf32, #tpu.memory_space<hbm>>
      %dma_start3A_490 = arith.constant 0 : i32
      %dma_start3A_491 = arith.constant 0 : i32
      %dma_start3A_492 = arith.constant 0 : i32
      %dma_start3A_493 = tpu.memref_slice %arg4[%select_n3A_420, %dma_start3A_490, %select_n3A_436, %dma_start3A_491, %dma_start3A_492] : memref<26x4x128x8x128xf32, #tpu.memory_space<hbm>> -> memref<1x4x1x8x128xf32, #tpu.memory_space<hbm>>
      %dma_start3A_494 = tpu.memref_squeeze %dma_start3A_493 : memref<1x4x1x8x128xf32, #tpu.memory_space<hbm>> -> memref<4x8x128xf32, #tpu.memory_space<hbm>>
      %dma_start3A_495 = arith.constant 0 : i32
      %dma_start3A_496 = arith.constant 0 : i32
      %dma_start3A_497 = arith.constant 0 : i32
      %dma_start3A_498 = tpu.memref_slice %arg7[%dma_start3A_479, %dma_start3A_495, %dma_start3A_496, %dma_start3A_497] : memref<2x4x8x128xf32, #tpu.memory_space<vmem>> -> memref<1x4x8x128xf32, #tpu.memory_space<vmem>>
      %dma_start3A_499 = tpu.memref_squeeze %dma_start3A_498 : memref<1x4x8x128xf32, #tpu.memory_space<vmem>> -> memref<4x8x128xf32, #tpu.memory_space<vmem>>
      tpu.enqueue_dma source(%dma_start3A_499 : memref<4x8x128xf32, #tpu.memory_space<vmem>>) target(%dma_start3A_494 : memref<4x8x128xf32, #tpu.memory_space<hbm>>) target_semaphore(%arg12 : memref<!tpu.dma_semaphore, #tpu.memory_space<semaphore_mem>>)
      %lt3A_500 = arith.constant 25 : i32
      %lt3A_501 = arith.cmpi slt, %scan3A_200, %lt3A_500 : i32
      %convert_element_type3A_502 = arith.extui %lt3A_501 : i1 to i32
      %cond3A_503 = arith.constant 0 : i32
      %cond3A_504 = arith.cmpi ne, %convert_element_type3A_502, %cond3A_503 : i32
      scf.if %cond3A_504 {
        %mul3A_618 = arith.constant 4 : i32
        %mul3A_619 = arith.muli %scan3A_200, %mul3A_618 : i32
        %add3A_620 = arith.constant 4 : i32
        %add3A_621 = arith.addi %mul3A_619, %add3A_620 : i32
        %add3A_622 = arith.constant 2 : i32
        %add3A_623 = arith.addi %add3A_621, %add3A_622 : i32
        %dma_start3A_624 = arith.constant 2 : i32
        %dma_start3A_625 = arith.constant 0 : i32
        %dma_start3A_626 = arith.constant 0 : i32
        %dma_start3A_627 = tpu.memref_slice %arg6[%dma_start3A_624, %dma_start3A_625, %dma_start3A_626] : memref<4x128x32xf32, #tpu.memory_space<vmem>> -> memref<1x128x32xf32, #tpu.memory_space<vmem>>
        %dma_start3A_628 = tpu.memref_squeeze %dma_start3A_627 : memref<1x128x32xf32, #tpu.memory_space<vmem>> -> memref<128x32xf32, #tpu.memory_space<vmem>>
        %dma_start3A_629 = arith.constant 0 : i32
        %dma_start3A_630 = tpu.memref_slice %arg5[%add3A_623, %dma_start3A_629] : memref<104x128xi32, #tpu.memory_space<vmem>> -> memref<1x128xi32, #tpu.memory_space<vmem>>
        %dma_start3A_631 = tpu.memref_squeeze %dma_start3A_630 : memref<1x128xi32, #tpu.memory_space<vmem>> -> memref<128xi32, #tpu.memory_space<vmem>>
        %dma_start3A_632 = arith.constant 0 : i32
        %dma_start3A_633 = arith.constant 0 : i32
        %dma_start3A_634 = tpu.memref_slice %arg3[%dma_start3A_632, %dma_start3A_633] : memref<1000064x32xf32, #tpu.memory_space<hbm>> -> memref<1000064x32xf32, #tpu.memory_space<hbm>>
        tpu.enqueue_indirect_dma source(%dma_start3A_634 : memref<1000064x32xf32, #tpu.memory_space<hbm>>) target(%dma_start3A_628 : memref<128x32xf32, #tpu.memory_space<vmem>>) offsets(%dma_start3A_631 : memref<128xi32, #tpu.memory_space<vmem>>) semaphore(%arg10 : memref<!tpu.dma_semaphore, #tpu.memory_space<semaphore_mem>>)
      } else {
      }
      %mul3A_505 = arith.constant 4 : i32
      %mul3A_506 = arith.muli %scan3A_200, %mul3A_505 : i32
      %add3A_507 = arith.addi %mul3A_2, %mul3A_506 : i32
      %add3A_508 = arith.constant 3 : i32
      %add3A_509 = arith.addi %add3A_507, %add3A_508 : i32
      %jit3A_510 = arith.constant 128 : i32
      %div3A_511 = arith.divsi %add3A_509, %jit3A_510 : i32
      %sign3A_512 = arith.constant 0 : i32
      %sign3A_513 = arith.cmpi sgt, %add3A_509, %sign3A_512 : i32
      %sign3A_514 = arith.extui %sign3A_513 : i1 to i32
      %sign3A_515 = arith.constant 0 : i32
      %sign3A_516 = arith.cmpi slt, %add3A_509, %sign3A_515 : i32
      %sign3A_517 = arith.extui %sign3A_516 : i1 to i32
      %sign3A_518 = arith.subi %sign3A_514, %sign3A_517 : i32
      %sign3A_519 = arith.constant 0 : i32
      %sign3A_520 = arith.cmpi sgt, %jit3A_510, %sign3A_519 : i32
      %sign3A_521 = arith.extui %sign3A_520 : i1 to i32
      %sign3A_522 = arith.constant 0 : i32
      %sign3A_523 = arith.cmpi slt, %jit3A_510, %sign3A_522 : i32
      %sign3A_524 = arith.extui %sign3A_523 : i1 to i32
      %sign3A_525 = arith.subi %sign3A_521, %sign3A_524 : i32
      %ne3A_526 = arith.cmpi ne, %sign3A_518, %sign3A_525 : i32
      %rem3A_527 = arith.remsi %add3A_509, %jit3A_510 : i32
      %ne3A_528 = arith.constant 0 : i32
      %ne3A_529 = arith.cmpi ne, %rem3A_527, %ne3A_528 : i32
      %and3A_530 = arith.andi %ne3A_526, %ne3A_529 : i1
      %sub3A_531 = arith.constant 1 : i32
      %sub3A_532 = arith.subi %div3A_511, %sub3A_531 : i32
      %select_n3A_533 = arith.select %and3A_530, %sub3A_532, %div3A_511 : i32
      %jit3A_534 = arith.constant 128 : i32
      %eq3A_535 = arith.constant 0 : i32
      %eq3A_536 = arith.cmpi eq, %jit3A_534, %eq3A_535 : i32
      %jit3A_537 = arith.constant 1 : i32
      %select_n3A_538 = arith.select %eq3A_536, %jit3A_537, %jit3A_534 : i32
      %rem3A_539 = arith.remsi %add3A_509, %select_n3A_538 : i32
      %ne3A_540 = arith.constant 0 : i32
      %ne3A_541 = arith.cmpi ne, %rem3A_539, %ne3A_540 : i32
      %lt3A_542 = arith.constant 0 : i32
      %lt3A_543 = arith.cmpi slt, %rem3A_539, %lt3A_542 : i32
      %lt3A_544 = arith.constant 0 : i32
      %lt3A_545 = arith.cmpi slt, %select_n3A_538, %lt3A_544 : i32
      %ne3A_546 = arith.xori %lt3A_543, %lt3A_545 : i1
      %and3A_547 = arith.andi %ne3A_546, %ne3A_541 : i1
      %add3A_548 = arith.addi %rem3A_539, %select_n3A_538 : i32
      %select_n3A_549 = arith.select %and3A_547, %add3A_548, %rem3A_539 : i32
      %dma_wait3A_550 = arith.constant 1 : i32
      %dma_wait3A_551 = arith.constant 0 : i32
      %dma_wait3A_552 = arith.constant 0 : i32
      %dma_wait3A_553 = arith.constant 0 : i32
      %dma_wait3A_554 = tpu.memref_slice %arg7[%dma_wait3A_550, %dma_wait3A_551, %dma_wait3A_552, %dma_wait3A_553] : memref<2x4x8x128xf32, #tpu.memory_space<vmem>> -> memref<1x4x8x128xf32, #tpu.memory_space<vmem>>
      %dma_wait3A_555 = tpu.memref_squeeze %dma_wait3A_554 : memref<1x4x8x128xf32, #tpu.memory_space<vmem>> -> memref<4x8x128xf32, #tpu.memory_space<vmem>>
      %dma_wait3A_556 = arith.constant 0 : i32
      %dma_wait3A_557 = arith.constant 0 : i32
      %dma_wait3A_558 = arith.constant 0 : i32
      %dma_wait3A_559 = tpu.memref_slice %arg4[%select_n3A_533, %dma_wait3A_556, %select_n3A_549, %dma_wait3A_557, %dma_wait3A_558] : memref<26x4x128x8x128xf32, #tpu.memory_space<hbm>> -> memref<1x4x1x8x128xf32, #tpu.memory_space<hbm>>
      %dma_wait3A_560 = tpu.memref_squeeze %dma_wait3A_559 : memref<1x4x1x8x128xf32, #tpu.memory_space<hbm>> -> memref<4x8x128xf32, #tpu.memory_space<hbm>>
      %dma_wait3A_561 = arith.constant 0 : i32
      %dma_wait3A_562 = arith.constant 0 : i32
      %dma_wait3A_563 = arith.constant 0 : i32
      %dma_wait3A_564 = tpu.memref_slice %arg4[%select_n3A_533, %dma_wait3A_561, %select_n3A_549, %dma_wait3A_562, %dma_wait3A_563] : memref<26x4x128x8x128xf32, #tpu.memory_space<hbm>> -> memref<1x4x1x8x128xf32, #tpu.memory_space<hbm>>
      %dma_wait3A_565 = tpu.memref_squeeze %dma_wait3A_564 : memref<1x4x1x8x128xf32, #tpu.memory_space<hbm>> -> memref<4x8x128xf32, #tpu.memory_space<hbm>>
      %dma_wait3A_566 = arith.constant 0 : i32
      %dma_wait3A_567 = arith.constant 0 : i32
      %dma_wait3A_568 = arith.constant 0 : i32
      %dma_wait3A_569 = tpu.memref_slice %arg7[%dma_wait3A_550, %dma_wait3A_566, %dma_wait3A_567, %dma_wait3A_568] : memref<2x4x8x128xf32, #tpu.memory_space<vmem>> -> memref<1x4x8x128xf32, #tpu.memory_space<vmem>>
      %dma_wait3A_570 = tpu.memref_squeeze %dma_wait3A_569 : memref<1x4x8x128xf32, #tpu.memory_space<vmem>> -> memref<4x8x128xf32, #tpu.memory_space<vmem>>
      tpu.wait_dma2 semaphore(%arg13 : memref<!tpu.dma_semaphore, #tpu.memory_space<semaphore_mem>>) src(%dma_wait3A_570 : memref<4x8x128xf32, #tpu.memory_space<vmem>>) dst(%dma_wait3A_565 : memref<4x8x128xf32, #tpu.memory_space<hbm>>)
      %dma_wait3A_571 = arith.constant 3 : i32
      %dma_wait3A_572 = arith.constant 0 : i32
      %dma_wait3A_573 = arith.constant 0 : i32
      %dma_wait3A_574 = tpu.memref_slice %arg6[%dma_wait3A_571, %dma_wait3A_572, %dma_wait3A_573] : memref<4x128x32xf32, #tpu.memory_space<vmem>> -> memref<1x128x32xf32, #tpu.memory_space<vmem>>
      %dma_wait3A_575 = tpu.memref_squeeze %dma_wait3A_574 : memref<1x128x32xf32, #tpu.memory_space<vmem>> -> memref<128x32xf32, #tpu.memory_space<vmem>>
      %dma_wait3A_576 = arith.constant 0 : i32
      %dma_wait3A_577 = arith.constant 0 : i32
      %dma_wait3A_578 = tpu.memref_slice %arg3[%dma_wait3A_576, %dma_wait3A_577] : memref<1000064x32xf32, #tpu.memory_space<hbm>> -> memref<128x32xf32, #tpu.memory_space<hbm>>
      %dma_wait3A_579 = arith.constant 0 : i32
      %dma_wait3A_580 = arith.constant 0 : i32
      %dma_wait3A_581 = tpu.memref_slice %arg6[%dma_wait3A_571, %dma_wait3A_579, %dma_wait3A_580] : memref<4x128x32xf32, #tpu.memory_space<vmem>> -> memref<1x128x32xf32, #tpu.memory_space<vmem>>
      %dma_wait3A_582 = tpu.memref_squeeze %dma_wait3A_581 : memref<1x128x32xf32, #tpu.memory_space<vmem>> -> memref<128x32xf32, #tpu.memory_space<vmem>>
      %dma_wait3A_583 = arith.constant 0 : i32
      %dma_wait3A_584 = arith.constant 0 : i32
      %dma_wait3A_585 = tpu.memref_slice %arg3[%dma_wait3A_583, %dma_wait3A_584] : memref<1000064x32xf32, #tpu.memory_space<hbm>> -> memref<128x32xf32, #tpu.memory_space<hbm>>
      tpu.wait_dma2 semaphore(%arg11 : memref<!tpu.dma_semaphore, #tpu.memory_space<semaphore_mem>>) src(%dma_wait3A_585 : memref<128x32xf32, #tpu.memory_space<hbm>>) dst(%dma_wait3A_582 : memref<128x32xf32, #tpu.memory_space<vmem>>)
      %scan3A_586 = arith.constant 0 : i32
      %scan3A_587 = arith.constant 0 : i32
      %scan3A_588 = arith.constant 32 : i32
      %scan3A_589 = arith.addi %scan3A_587, %scan3A_588 : i32
      %scan3A_590 = arith.constant 1 : i32
      scf.for %scan3A_618 = %scan3A_587 to %scan3A_589 step %scan3A_590  : i32 {
        %add3A_619 = vector.broadcast %scan3A_618 : i32 to vector<16xi32>
        %add3A_620 = arith.addi %iota3A, %add3A_619 : vector<16xi32>
        %and3A_621 = arith.constant 31 : i32
        %and3A_622 = vector.broadcast %and3A_621 : i32 to vector<16xi32>
        %and3A_623 = arith.andi %add3A_620, %and3A_622 : vector<16xi32>
        %shift_right_arithmetic3A = arith.constant 3 : i32
        %shift_right_arithmetic3A_624 = vector.broadcast %shift_right_arithmetic3A : i32 to vector<16xi32>
        %shift_right_arithmetic3A_625 = arith.shrsi %and3A_623, %shift_right_arithmetic3A_624 : vector<16xi32>
        %and3A_626 = arith.constant 7 : i32
        %and3A_627 = vector.broadcast %and3A_626 : i32 to vector<16xi32>
        %and3A_628 = arith.andi %and3A_623, %and3A_627 : vector<16xi32>
        %gather3A = arith.constant 3 : i32
        %gather3A_629 = arith.constant 0 : i32
        %gather3A_630 = arith.constant 0 : i32
        %gather3A_631 = tpu.memref_slice %arg6[%gather3A, %gather3A_629, %gather3A_630] : memref<4x128x32xf32, #tpu.memory_space<vmem>> -> memref<1x128x32xf32, #tpu.memory_space<vmem>>
        %gather3A_632 = tpu.memref_squeeze %gather3A_631 : memref<1x128x32xf32, #tpu.memory_space<vmem>> -> memref<128x32xf32, #tpu.memory_space<vmem>>
        %gather3A_633 = tpu.vector_load_idx %gather3A_632[%add3A_5, %and3A_623] : memref<128x32xf32, #tpu.memory_space<vmem>>[vector<16xi32>, vector<16xi32>], vector<16xf32>,
        %scatter3A = arith.constant 1 : i32
        %scatter3A_634 = arith.constant 0 : i32
        %scatter3A_635 = arith.constant 0 : i32
        %scatter3A_636 = arith.constant 0 : i32
        %scatter3A_637 = tpu.memref_slice %arg7[%scatter3A, %scatter3A_634, %scatter3A_635, %scatter3A_636] : memref<2x4x8x128xf32, #tpu.memory_space<vmem>> -> memref<1x4x8x128xf32, #tpu.memory_space<vmem>>
        %scatter3A_638 = tpu.memref_squeeze %scatter3A_637 : memref<1x4x8x128xf32, #tpu.memory_space<vmem>> -> memref<4x8x128xf32, #tpu.memory_space<vmem>>
        tpu.vector_store_idx %scatter3A_638[%shift_right_arithmetic3A_625, %and3A_628, %add3A_5], %gather3A_633 : memref<4x8x128xf32, #tpu.memory_space<vmem>>[vector<16xi32>, vector<16xi32>, vector<16xi32>], vector<16xf32>,
        %gather3A_639 = arith.constant 3 : i32
        %gather3A_640 = arith.constant 0 : i32
        %gather3A_641 = arith.constant 0 : i32
        %gather3A_642 = tpu.memref_slice %arg6[%gather3A_639, %gather3A_640, %gather3A_641] : memref<4x128x32xf32, #tpu.memory_space<vmem>> -> memref<1x128x32xf32, #tpu.memory_space<vmem>>
        %gather3A_643 = tpu.memref_squeeze %gather3A_642 : memref<1x128x32xf32, #tpu.memory_space<vmem>> -> memref<128x32xf32, #tpu.memory_space<vmem>>
        %gather3A_644 = tpu.vector_load_idx %gather3A_643[%add3A_8, %and3A_623] : memref<128x32xf32, #tpu.memory_space<vmem>>[vector<16xi32>, vector<16xi32>], vector<16xf32>,
        %scatter3A_645 = arith.constant 1 : i32
        %scatter3A_646 = arith.constant 0 : i32
        %scatter3A_647 = arith.constant 0 : i32
        %scatter3A_648 = arith.constant 0 : i32
        %scatter3A_649 = tpu.memref_slice %arg7[%scatter3A_645, %scatter3A_646, %scatter3A_647, %scatter3A_648] : memref<2x4x8x128xf32, #tpu.memory_space<vmem>> -> memref<1x4x8x128xf32, #tpu.memory_space<vmem>>
        %scatter3A_650 = tpu.memref_squeeze %scatter3A_649 : memref<1x4x8x128xf32, #tpu.memory_space<vmem>> -> memref<4x8x128xf32, #tpu.memory_space<vmem>>
        tpu.vector_store_idx %scatter3A_650[%shift_right_arithmetic3A_625, %and3A_628, %add3A_8], %gather3A_644 : memref<4x8x128xf32, #tpu.memory_space<vmem>>[vector<16xi32>, vector<16xi32>, vector<16xi32>], vector<16xf32>,
        %gather3A_651 = arith.constant 3 : i32
        %gather3A_652 = arith.constant 0 : i32
        %gather3A_653 = arith.constant 0 : i32
        %gather3A_654 = tpu.memref_slice %arg6[%gather3A_651, %gather3A_652, %gather3A_653] : memref<4x128x32xf32, #tpu.memory_space<vmem>> -> memref<1x128x32xf32, #tpu.memory_space<vmem>>
        %gather3A_655 = tpu.memref_squeeze %gather3A_654 : memref<1x128x32xf32, #tpu.memory_space<vmem>> -> memref<128x32xf32, #tpu.memory_space<vmem>>
        %gather3A_656 = tpu.vector_load_idx %gather3A_655[%add3A_11, %and3A_623] : memref<128x32xf32, #tpu.memory_space<vmem>>[vector<16xi32>, vector<16xi32>], vector<16xf32>,
        %scatter3A_657 = arith.constant 1 : i32
        %scatter3A_658 = arith.constant 0 : i32
        %scatter3A_659 = arith.constant 0 : i32
        %scatter3A_660 = arith.constant 0 : i32
        %scatter3A_661 = tpu.memref_slice %arg7[%scatter3A_657, %scatter3A_658, %scatter3A_659, %scatter3A_660] : memref<2x4x8x128xf32, #tpu.memory_space<vmem>> -> memref<1x4x8x128xf32, #tpu.memory_space<vmem>>
        %scatter3A_662 = tpu.memref_squeeze %scatter3A_661 : memref<1x4x8x128xf32, #tpu.memory_space<vmem>> -> memref<4x8x128xf32, #tpu.memory_space<vmem>>
        tpu.vector_store_idx %scatter3A_662[%shift_right_arithmetic3A_625, %and3A_628, %add3A_11], %gather3A_656 : memref<4x8x128xf32, #tpu.memory_space<vmem>>[vector<16xi32>, vector<16xi32>, vector<16xi32>], vector<16xf32>,
        %gather3A_663 = arith.constant 3 : i32
        %gather3A_664 = arith.constant 0 : i32
        %gather3A_665 = arith.constant 0 : i32
        %gather3A_666 = tpu.memref_slice %arg6[%gather3A_663, %gather3A_664, %gather3A_665] : memref<4x128x32xf32, #tpu.memory_space<vmem>> -> memref<1x128x32xf32, #tpu.memory_space<vmem>>
        %gather3A_667 = tpu.memref_squeeze %gather3A_666 : memref<1x128x32xf32, #tpu.memory_space<vmem>> -> memref<128x32xf32, #tpu.memory_space<vmem>>
        %gather3A_668 = tpu.vector_load_idx %gather3A_667[%add3A_14, %and3A_623] : memref<128x32xf32, #tpu.memory_space<vmem>>[vector<16xi32>, vector<16xi32>], vector<16xf32>,
        %scatter3A_669 = arith.constant 1 : i32
        %scatter3A_670 = arith.constant 0 : i32
        %scatter3A_671 = arith.constant 0 : i32
        %scatter3A_672 = arith.constant 0 : i32
        %scatter3A_673 = tpu.memref_slice %arg7[%scatter3A_669, %scatter3A_670, %scatter3A_671, %scatter3A_672] : memref<2x4x8x128xf32, #tpu.memory_space<vmem>> -> memref<1x4x8x128xf32, #tpu.memory_space<vmem>>
        %scatter3A_674 = tpu.memref_squeeze %scatter3A_673 : memref<1x4x8x128xf32, #tpu.memory_space<vmem>> -> memref<4x8x128xf32, #tpu.memory_space<vmem>>
        tpu.vector_store_idx %scatter3A_674[%shift_right_arithmetic3A_625, %and3A_628, %add3A_14], %gather3A_668 : memref<4x8x128xf32, #tpu.memory_space<vmem>>[vector<16xi32>, vector<16xi32>, vector<16xi32>], vector<16xf32>,
        %gather3A_675 = arith.constant 3 : i32
        %gather3A_676 = arith.constant 0 : i32
        %gather3A_677 = arith.constant 0 : i32
        %gather3A_678 = tpu.memref_slice %arg6[%gather3A_675, %gather3A_676, %gather3A_677] : memref<4x128x32xf32, #tpu.memory_space<vmem>> -> memref<1x128x32xf32, #tpu.memory_space<vmem>>
        %gather3A_679 = tpu.memref_squeeze %gather3A_678 : memref<1x128x32xf32, #tpu.memory_space<vmem>> -> memref<128x32xf32, #tpu.memory_space<vmem>>
        %gather3A_680 = tpu.vector_load_idx %gather3A_679[%add3A_17, %and3A_623] : memref<128x32xf32, #tpu.memory_space<vmem>>[vector<16xi32>, vector<16xi32>], vector<16xf32>,
        %scatter3A_681 = arith.constant 1 : i32
        %scatter3A_682 = arith.constant 0 : i32
        %scatter3A_683 = arith.constant 0 : i32
        %scatter3A_684 = arith.constant 0 : i32
        %scatter3A_685 = tpu.memref_slice %arg7[%scatter3A_681, %scatter3A_682, %scatter3A_683, %scatter3A_684] : memref<2x4x8x128xf32, #tpu.memory_space<vmem>> -> memref<1x4x8x128xf32, #tpu.memory_space<vmem>>
        %scatter3A_686 = tpu.memref_squeeze %scatter3A_685 : memref<1x4x8x128xf32, #tpu.memory_space<vmem>> -> memref<4x8x128xf32, #tpu.memory_space<vmem>>
        tpu.vector_store_idx %scatter3A_686[%shift_right_arithmetic3A_625, %and3A_628, %add3A_17], %gather3A_680 : memref<4x8x128xf32, #tpu.memory_space<vmem>>[vector<16xi32>, vector<16xi32>, vector<16xi32>], vector<16xf32>,
        %gather3A_687 = arith.constant 3 : i32
        %gather3A_688 = arith.constant 0 : i32
        %gather3A_689 = arith.constant 0 : i32
        %gather3A_690 = tpu.memref_slice %arg6[%gather3A_687, %gather3A_688, %gather3A_689] : memref<4x128x32xf32, #tpu.memory_space<vmem>> -> memref<1x128x32xf32, #tpu.memory_space<vmem>>
        %gather3A_691 = tpu.memref_squeeze %gather3A_690 : memref<1x128x32xf32, #tpu.memory_space<vmem>> -> memref<128x32xf32, #tpu.memory_space<vmem>>
        %gather3A_692 = tpu.vector_load_idx %gather3A_691[%add3A_20, %and3A_623] : memref<128x32xf32, #tpu.memory_space<vmem>>[vector<16xi32>, vector<16xi32>], vector<16xf32>,
        %scatter3A_693 = arith.constant 1 : i32
        %scatter3A_694 = arith.constant 0 : i32
        %scatter3A_695 = arith.constant 0 : i32
        %scatter3A_696 = arith.constant 0 : i32
        %scatter3A_697 = tpu.memref_slice %arg7[%scatter3A_693, %scatter3A_694, %scatter3A_695, %scatter3A_696] : memref<2x4x8x128xf32, #tpu.memory_space<vmem>> -> memref<1x4x8x128xf32, #tpu.memory_space<vmem>>
        %scatter3A_698 = tpu.memref_squeeze %scatter3A_697 : memref<1x4x8x128xf32, #tpu.memory_space<vmem>> -> memref<4x8x128xf32, #tpu.memory_space<vmem>>
        tpu.vector_store_idx %scatter3A_698[%shift_right_arithmetic3A_625, %and3A_628, %add3A_20], %gather3A_692 : memref<4x8x128xf32, #tpu.memory_space<vmem>>[vector<16xi32>, vector<16xi32>, vector<16xi32>], vector<16xf32>,
        %gather3A_699 = arith.constant 3 : i32
        %gather3A_700 = arith.constant 0 : i32
        %gather3A_701 = arith.constant 0 : i32
        %gather3A_702 = tpu.memref_slice %arg6[%gather3A_699, %gather3A_700, %gather3A_701] : memref<4x128x32xf32, #tpu.memory_space<vmem>> -> memref<1x128x32xf32, #tpu.memory_space<vmem>>
        %gather3A_703 = tpu.memref_squeeze %gather3A_702 : memref<1x128x32xf32, #tpu.memory_space<vmem>> -> memref<128x32xf32, #tpu.memory_space<vmem>>
        %gather3A_704 = tpu.vector_load_idx %gather3A_703[%add3A_23, %and3A_623] : memref<128x32xf32, #tpu.memory_space<vmem>>[vector<16xi32>, vector<16xi32>], vector<16xf32>,
        %scatter3A_705 = arith.constant 1 : i32
        %scatter3A_706 = arith.constant 0 : i32
        %scatter3A_707 = arith.constant 0 : i32
        %scatter3A_708 = arith.constant 0 : i32
        %scatter3A_709 = tpu.memref_slice %arg7[%scatter3A_705, %scatter3A_706, %scatter3A_707, %scatter3A_708] : memref<2x4x8x128xf32, #tpu.memory_space<vmem>> -> memref<1x4x8x128xf32, #tpu.memory_space<vmem>>
        %scatter3A_710 = tpu.memref_squeeze %scatter3A_709 : memref<1x4x8x128xf32, #tpu.memory_space<vmem>> -> memref<4x8x128xf32, #tpu.memory_space<vmem>>
        tpu.vector_store_idx %scatter3A_710[%shift_right_arithmetic3A_625, %and3A_628, %add3A_23], %gather3A_704 : memref<4x8x128xf32, #tpu.memory_space<vmem>>[vector<16xi32>, vector<16xi32>, vector<16xi32>], vector<16xf32>,
        %gather3A_711 = arith.constant 3 : i32
        %gather3A_712 = arith.constant 0 : i32
        %gather3A_713 = arith.constant 0 : i32
        %gather3A_714 = tpu.memref_slice %arg6[%gather3A_711, %gather3A_712, %gather3A_713] : memref<4x128x32xf32, #tpu.memory_space<vmem>> -> memref<1x128x32xf32, #tpu.memory_space<vmem>>
        %gather3A_715 = tpu.memref_squeeze %gather3A_714 : memref<1x128x32xf32, #tpu.memory_space<vmem>> -> memref<128x32xf32, #tpu.memory_space<vmem>>
        %gather3A_716 = tpu.vector_load_idx %gather3A_715[%add3A_26, %and3A_623] : memref<128x32xf32, #tpu.memory_space<vmem>>[vector<16xi32>, vector<16xi32>], vector<16xf32>,
        %scatter3A_717 = arith.constant 1 : i32
        %scatter3A_718 = arith.constant 0 : i32
        %scatter3A_719 = arith.constant 0 : i32
        %scatter3A_720 = arith.constant 0 : i32
        %scatter3A_721 = tpu.memref_slice %arg7[%scatter3A_717, %scatter3A_718, %scatter3A_719, %scatter3A_720] : memref<2x4x8x128xf32, #tpu.memory_space<vmem>> -> memref<1x4x8x128xf32, #tpu.memory_space<vmem>>
        %scatter3A_722 = tpu.memref_squeeze %scatter3A_721 : memref<1x4x8x128xf32, #tpu.memory_space<vmem>> -> memref<4x8x128xf32, #tpu.memory_space<vmem>>
        tpu.vector_store_idx %scatter3A_722[%shift_right_arithmetic3A_625, %and3A_628, %add3A_26], %gather3A_716 : memref<4x8x128xf32, #tpu.memory_space<vmem>>[vector<16xi32>, vector<16xi32>, vector<16xi32>], vector<16xf32>,
      }
      %scan3A_591 = arith.constant 32 : i32
      %dma_start3A_592 = arith.constant 1 : i32
      %dma_start3A_593 = arith.constant 0 : i32
      %dma_start3A_594 = arith.constant 0 : i32
      %dma_start3A_595 = arith.constant 0 : i32
      %dma_start3A_596 = tpu.memref_slice %arg7[%dma_start3A_592, %dma_start3A_593, %dma_start3A_594, %dma_start3A_595] : memref<2x4x8x128xf32, #tpu.memory_space<vmem>> -> memref<1x4x8x128xf32, #tpu.memory_space<vmem>>
      %dma_start3A_597 = tpu.memref_squeeze %dma_start3A_596 : memref<1x4x8x128xf32, #tpu.memory_space<vmem>> -> memref<4x8x128xf32, #tpu.memory_space<vmem>>
      %dma_start3A_598 = arith.constant 0 : i32
      %dma_start3A_599 = arith.constant 0 : i32
      %dma_start3A_600 = arith.constant 0 : i32
      %dma_start3A_601 = tpu.memref_slice %arg4[%select_n3A_533, %dma_start3A_598, %select_n3A_549, %dma_start3A_599, %dma_start3A_600] : memref<26x4x128x8x128xf32, #tpu.memory_space<hbm>> -> memref<1x4x1x8x128xf32, #tpu.memory_space<hbm>>
      %dma_start3A_602 = tpu.memref_squeeze %dma_start3A_601 : memref<1x4x1x8x128xf32, #tpu.memory_space<hbm>> -> memref<4x8x128xf32, #tpu.memory_space<hbm>>
      %dma_start3A_603 = arith.constant 0 : i32
      %dma_start3A_604 = arith.constant 0 : i32
      %dma_start3A_605 = arith.constant 0 : i32
      %dma_start3A_606 = tpu.memref_slice %arg4[%select_n3A_533, %dma_start3A_603, %select_n3A_549, %dma_start3A_604, %dma_start3A_605] : memref<26x4x128x8x128xf32, #tpu.memory_space<hbm>> -> memref<1x4x1x8x128xf32, #tpu.memory_space<hbm>>
      %dma_start3A_607 = tpu.memref_squeeze %dma_start3A_606 : memref<1x4x1x8x128xf32, #tpu.memory_space<hbm>> -> memref<4x8x128xf32, #tpu.memory_space<hbm>>
      %dma_start3A_608 = arith.constant 0 : i32
      %dma_start3A_609 = arith.constant 0 : i32
      %dma_start3A_610 = arith.constant 0 : i32
      %dma_start3A_611 = tpu.memref_slice %arg7[%dma_start3A_592, %dma_start3A_608, %dma_start3A_609, %dma_start3A_610] : memref<2x4x8x128xf32, #tpu.memory_space<vmem>> -> memref<1x4x8x128xf32, #tpu.memory_space<vmem>>
      %dma_start3A_612 = tpu.memref_squeeze %dma_start3A_611 : memref<1x4x8x128xf32, #tpu.memory_space<vmem>> -> memref<4x8x128xf32, #tpu.memory_space<vmem>>
      tpu.enqueue_dma source(%dma_start3A_612 : memref<4x8x128xf32, #tpu.memory_space<vmem>>) target(%dma_start3A_607 : memref<4x8x128xf32, #tpu.memory_space<hbm>>) target_semaphore(%arg13 : memref<!tpu.dma_semaphore, #tpu.memory_space<semaphore_mem>>)
      %lt3A_613 = arith.constant 25 : i32
      %lt3A_614 = arith.cmpi slt, %scan3A_200, %lt3A_613 : i32
      %convert_element_type3A_615 = arith.extui %lt3A_614 : i1 to i32
      %cond3A_616 = arith.constant 0 : i32
      %cond3A_617 = arith.cmpi ne, %convert_element_type3A_615, %cond3A_616 : i32
      scf.if %cond3A_617 {
        %mul3A_618 = arith.constant 4 : i32
        %mul3A_619 = arith.muli %scan3A_200, %mul3A_618 : i32
        %add3A_620 = arith.constant 4 : i32
        %add3A_621 = arith.addi %mul3A_619, %add3A_620 : i32
        %add3A_622 = arith.constant 3 : i32
        %add3A_623 = arith.addi %add3A_621, %add3A_622 : i32
        %dma_start3A_624 = arith.constant 3 : i32
        %dma_start3A_625 = arith.constant 0 : i32
        %dma_start3A_626 = arith.constant 0 : i32
        %dma_start3A_627 = tpu.memref_slice %arg6[%dma_start3A_624, %dma_start3A_625, %dma_start3A_626] : memref<4x128x32xf32, #tpu.memory_space<vmem>> -> memref<1x128x32xf32, #tpu.memory_space<vmem>>
        %dma_start3A_628 = tpu.memref_squeeze %dma_start3A_627 : memref<1x128x32xf32, #tpu.memory_space<vmem>> -> memref<128x32xf32, #tpu.memory_space<vmem>>
        %dma_start3A_629 = arith.constant 0 : i32
        %dma_start3A_630 = tpu.memref_slice %arg5[%add3A_623, %dma_start3A_629] : memref<104x128xi32, #tpu.memory_space<vmem>> -> memref<1x128xi32, #tpu.memory_space<vmem>>
        %dma_start3A_631 = tpu.memref_squeeze %dma_start3A_630 : memref<1x128xi32, #tpu.memory_space<vmem>> -> memref<128xi32, #tpu.memory_space<vmem>>
        %dma_start3A_632 = arith.constant 0 : i32
        %dma_start3A_633 = arith.constant 0 : i32
        %dma_start3A_634 = tpu.memref_slice %arg3[%dma_start3A_632, %dma_start3A_633] : memref<1000064x32xf32, #tpu.memory_space<hbm>> -> memref<1000064x32xf32, #tpu.memory_space<hbm>>
        tpu.enqueue_indirect_dma source(%dma_start3A_634 : memref<1000064x32xf32, #tpu.memory_space<hbm>>) target(%dma_start3A_628 : memref<128x32xf32, #tpu.memory_space<vmem>>) offsets(%dma_start3A_631 : memref<128xi32, #tpu.memory_space<vmem>>) semaphore(%arg11 : memref<!tpu.dma_semaphore, #tpu.memory_space<semaphore_mem>>)
      } else {
      }
    }
    %scan3A_78 = arith.constant 26 : i32
    %add3A_79 = arith.constant 104 : i32
    %add3A_80 = arith.addi %mul3A_2, %add3A_79 : i32
    %sub3A = arith.constant 2 : i32
    %sub3A_81 = arith.subi %add3A_80, %sub3A : i32
    %add3A_82 = arith.constant 0 : i32
    %add3A_83 = arith.addi %sub3A_81, %add3A_82 : i32
    %jit3A = arith.constant 128 : i32
    %div3A = arith.divsi %add3A_83, %jit3A : i32
    %sign3A = arith.constant 0 : i32
    %sign3A_84 = arith.cmpi sgt, %add3A_83, %sign3A : i32
    %sign3A_85 = arith.extui %sign3A_84 : i1 to i32
    %sign3A_86 = arith.constant 0 : i32
    %sign3A_87 = arith.cmpi slt, %add3A_83, %sign3A_86 : i32
    %sign3A_88 = arith.extui %sign3A_87 : i1 to i32
    %sign3A_89 = arith.subi %sign3A_85, %sign3A_88 : i32
    %sign3A_90 = arith.constant 0 : i32
    %sign3A_91 = arith.cmpi sgt, %jit3A, %sign3A_90 : i32
    %sign3A_92 = arith.extui %sign3A_91 : i1 to i32
    %sign3A_93 = arith.constant 0 : i32
    %sign3A_94 = arith.cmpi slt, %jit3A, %sign3A_93 : i32
    %sign3A_95 = arith.extui %sign3A_94 : i1 to i32
    %sign3A_96 = arith.subi %sign3A_92, %sign3A_95 : i32
    %ne3A = arith.cmpi ne, %sign3A_89, %sign3A_96 : i32
    %rem3A = arith.remsi %add3A_83, %jit3A : i32
    %ne3A_97 = arith.constant 0 : i32
    %ne3A_98 = arith.cmpi ne, %rem3A, %ne3A_97 : i32
    %and3A = arith.andi %ne3A, %ne3A_98 : i1
    %sub3A_99 = arith.constant 1 : i32
    %sub3A_100 = arith.subi %div3A, %sub3A_99 : i32
    %select_n3A = arith.select %and3A, %sub3A_100, %div3A : i32
    %jit3A_101 = arith.constant 128 : i32
    %eq3A = arith.constant 0 : i32
    %eq3A_102 = arith.cmpi eq, %jit3A_101, %eq3A : i32
    %jit3A_103 = arith.constant 1 : i32
    %select_n3A_104 = arith.select %eq3A_102, %jit3A_103, %jit3A_101 : i32
    %rem3A_105 = arith.remsi %add3A_83, %select_n3A_104 : i32
    %ne3A_106 = arith.constant 0 : i32
    %ne3A_107 = arith.cmpi ne, %rem3A_105, %ne3A_106 : i32
    %lt3A = arith.constant 0 : i32
    %lt3A_108 = arith.cmpi slt, %rem3A_105, %lt3A : i32
    %lt3A_109 = arith.constant 0 : i32
    %lt3A_110 = arith.cmpi slt, %select_n3A_104, %lt3A_109 : i32
    %ne3A_111 = arith.xori %lt3A_108, %lt3A_110 : i1
    %and3A_112 = arith.andi %ne3A_111, %ne3A_107 : i1
    %add3A_113 = arith.addi %rem3A_105, %select_n3A_104 : i32
    %select_n3A_114 = arith.select %and3A_112, %add3A_113, %rem3A_105 : i32
    %dma_wait3A = arith.constant 0 : i32
    %dma_wait3A_115 = arith.constant 0 : i32
    %dma_wait3A_116 = arith.constant 0 : i32
    %dma_wait3A_117 = arith.constant 0 : i32
    %dma_wait3A_118 = tpu.memref_slice %arg7[%dma_wait3A, %dma_wait3A_115, %dma_wait3A_116, %dma_wait3A_117] : memref<2x4x8x128xf32, #tpu.memory_space<vmem>> -> memref<1x4x8x128xf32, #tpu.memory_space<vmem>>
    %dma_wait3A_119 = tpu.memref_squeeze %dma_wait3A_118 : memref<1x4x8x128xf32, #tpu.memory_space<vmem>> -> memref<4x8x128xf32, #tpu.memory_space<vmem>>
    %dma_wait3A_120 = arith.constant 0 : i32
    %dma_wait3A_121 = arith.constant 0 : i32
    %dma_wait3A_122 = arith.constant 0 : i32
    %dma_wait3A_123 = tpu.memref_slice %arg4[%select_n3A, %dma_wait3A_120, %select_n3A_114, %dma_wait3A_121, %dma_wait3A_122] : memref<26x4x128x8x128xf32, #tpu.memory_space<hbm>> -> memref<1x4x1x8x128xf32, #tpu.memory_space<hbm>>
    %dma_wait3A_124 = tpu.memref_squeeze %dma_wait3A_123 : memref<1x4x1x8x128xf32, #tpu.memory_space<hbm>> -> memref<4x8x128xf32, #tpu.memory_space<hbm>>
    %dma_wait3A_125 = arith.constant 0 : i32
    %dma_wait3A_126 = arith.constant 0 : i32
    %dma_wait3A_127 = arith.constant 0 : i32
    %dma_wait3A_128 = tpu.memref_slice %arg4[%select_n3A, %dma_wait3A_125, %select_n3A_114, %dma_wait3A_126, %dma_wait3A_127] : memref<26x4x128x8x128xf32, #tpu.memory_space<hbm>> -> memref<1x4x1x8x128xf32, #tpu.memory_space<hbm>>
    %dma_wait3A_129 = tpu.memref_squeeze %dma_wait3A_128 : memref<1x4x1x8x128xf32, #tpu.memory_space<hbm>> -> memref<4x8x128xf32, #tpu.memory_space<hbm>>
    %dma_wait3A_130 = arith.constant 0 : i32
    %dma_wait3A_131 = arith.constant 0 : i32
    %dma_wait3A_132 = arith.constant 0 : i32
    %dma_wait3A_133 = tpu.memref_slice %arg7[%dma_wait3A, %dma_wait3A_130, %dma_wait3A_131, %dma_wait3A_132] : memref<2x4x8x128xf32, #tpu.memory_space<vmem>> -> memref<1x4x8x128xf32, #tpu.memory_space<vmem>>
    %dma_wait3A_134 = tpu.memref_squeeze %dma_wait3A_133 : memref<1x4x8x128xf32, #tpu.memory_space<vmem>> -> memref<4x8x128xf32, #tpu.memory_space<vmem>>
    tpu.wait_dma2 semaphore(%arg12 : memref<!tpu.dma_semaphore, #tpu.memory_space<semaphore_mem>>) src(%dma_wait3A_134 : memref<4x8x128xf32, #tpu.memory_space<vmem>>) dst(%dma_wait3A_129 : memref<4x8x128xf32, #tpu.memory_space<hbm>>)
    %sub3A_135 = arith.constant 2 : i32
    %sub3A_136 = arith.subi %add3A_80, %sub3A_135 : i32
    %add3A_137 = arith.constant 1 : i32
    %add3A_138 = arith.addi %sub3A_136, %add3A_137 : i32
    %jit3A_139 = arith.constant 128 : i32
    %div3A_140 = arith.divsi %add3A_138, %jit3A_139 : i32
    %sign3A_141 = arith.constant 0 : i32
    %sign3A_142 = arith.cmpi sgt, %add3A_138, %sign3A_141 : i32
    %sign3A_143 = arith.extui %sign3A_142 : i1 to i32
    %sign3A_144 = arith.constant 0 : i32
    %sign3A_145 = arith.cmpi slt, %add3A_138, %sign3A_144 : i32
    %sign3A_146 = arith.extui %sign3A_145 : i1 to i32
    %sign3A_147 = arith.subi %sign3A_143, %sign3A_146 : i32
    %sign3A_148 = arith.constant 0 : i32
    %sign3A_149 = arith.cmpi sgt, %jit3A_139, %sign3A_148 : i32
    %sign3A_150 = arith.extui %sign3A_149 : i1 to i32
    %sign3A_151 = arith.constant 0 : i32
    %sign3A_152 = arith.cmpi slt, %jit3A_139, %sign3A_151 : i32
    %sign3A_153 = arith.extui %sign3A_152 : i1 to i32
    %sign3A_154 = arith.subi %sign3A_150, %sign3A_153 : i32
    %ne3A_155 = arith.cmpi ne, %sign3A_147, %sign3A_154 : i32
    %rem3A_156 = arith.remsi %add3A_138, %jit3A_139 : i32
    %ne3A_157 = arith.constant 0 : i32
    %ne3A_158 = arith.cmpi ne, %rem3A_156, %ne3A_157 : i32
    %and3A_159 = arith.andi %ne3A_155, %ne3A_158 : i1
    %sub3A_160 = arith.constant 1 : i32
    %sub3A_161 = arith.subi %div3A_140, %sub3A_160 : i32
    %select_n3A_162 = arith.select %and3A_159, %sub3A_161, %div3A_140 : i32
    %jit3A_163 = arith.constant 128 : i32
    %eq3A_164 = arith.constant 0 : i32
    %eq3A_165 = arith.cmpi eq, %jit3A_163, %eq3A_164 : i32
    %jit3A_166 = arith.constant 1 : i32
    %select_n3A_167 = arith.select %eq3A_165, %jit3A_166, %jit3A_163 : i32
    %rem3A_168 = arith.remsi %add3A_138, %select_n3A_167 : i32
    %ne3A_169 = arith.constant 0 : i32
    %ne3A_170 = arith.cmpi ne, %rem3A_168, %ne3A_169 : i32
    %lt3A_171 = arith.constant 0 : i32
    %lt3A_172 = arith.cmpi slt, %rem3A_168, %lt3A_171 : i32
    %lt3A_173 = arith.constant 0 : i32
    %lt3A_174 = arith.cmpi slt, %select_n3A_167, %lt3A_173 : i32
    %ne3A_175 = arith.xori %lt3A_172, %lt3A_174 : i1
    %and3A_176 = arith.andi %ne3A_175, %ne3A_170 : i1
    %add3A_177 = arith.addi %rem3A_168, %select_n3A_167 : i32
    %select_n3A_178 = arith.select %and3A_176, %add3A_177, %rem3A_168 : i32
    %dma_wait3A_179 = arith.constant 1 : i32
    %dma_wait3A_180 = arith.constant 0 : i32
    %dma_wait3A_181 = arith.constant 0 : i32
    %dma_wait3A_182 = arith.constant 0 : i32
    %dma_wait3A_183 = tpu.memref_slice %arg7[%dma_wait3A_179, %dma_wait3A_180, %dma_wait3A_181, %dma_wait3A_182] : memref<2x4x8x128xf32, #tpu.memory_space<vmem>> -> memref<1x4x8x128xf32, #tpu.memory_space<vmem>>
    %dma_wait3A_184 = tpu.memref_squeeze %dma_wait3A_183 : memref<1x4x8x128xf32, #tpu.memory_space<vmem>> -> memref<4x8x128xf32, #tpu.memory_space<vmem>>
    %dma_wait3A_185 = arith.constant 0 : i32
    %dma_wait3A_186 = arith.constant 0 : i32
    %dma_wait3A_187 = arith.constant 0 : i32
    %dma_wait3A_188 = tpu.memref_slice %arg4[%select_n3A_162, %dma_wait3A_185, %select_n3A_178, %dma_wait3A_186, %dma_wait3A_187] : memref<26x4x128x8x128xf32, #tpu.memory_space<hbm>> -> memref<1x4x1x8x128xf32, #tpu.memory_space<hbm>>
    %dma_wait3A_189 = tpu.memref_squeeze %dma_wait3A_188 : memref<1x4x1x8x128xf32, #tpu.memory_space<hbm>> -> memref<4x8x128xf32, #tpu.memory_space<hbm>>
    %dma_wait3A_190 = arith.constant 0 : i32
    %dma_wait3A_191 = arith.constant 0 : i32
    %dma_wait3A_192 = arith.constant 0 : i32
    %dma_wait3A_193 = tpu.memref_slice %arg4[%select_n3A_162, %dma_wait3A_190, %select_n3A_178, %dma_wait3A_191, %dma_wait3A_192] : memref<26x4x128x8x128xf32, #tpu.memory_space<hbm>> -> memref<1x4x1x8x128xf32, #tpu.memory_space<hbm>>
    %dma_wait3A_194 = tpu.memref_squeeze %dma_wait3A_193 : memref<1x4x1x8x128xf32, #tpu.memory_space<hbm>> -> memref<4x8x128xf32, #tpu.memory_space<hbm>>
    %dma_wait3A_195 = arith.constant 0 : i32
    %dma_wait3A_196 = arith.constant 0 : i32
    %dma_wait3A_197 = arith.constant 0 : i32
    %dma_wait3A_198 = tpu.memref_slice %arg7[%dma_wait3A_179, %dma_wait3A_195, %dma_wait3A_196, %dma_wait3A_197] : memref<2x4x8x128xf32, #tpu.memory_space<vmem>> -> memref<1x4x8x128xf32, #tpu.memory_space<vmem>>
    %dma_wait3A_199 = tpu.memref_squeeze %dma_wait3A_198 : memref<1x4x8x128xf32, #tpu.memory_space<vmem>> -> memref<4x8x128xf32, #tpu.memory_space<vmem>>
    tpu.wait_dma2 semaphore(%arg13 : memref<!tpu.dma_semaphore, #tpu.memory_space<semaphore_mem>>) src(%dma_wait3A_199 : memref<4x8x128xf32, #tpu.memory_space<vmem>>) dst(%dma_wait3A_194 : memref<4x8x128xf32, #tpu.memory_space<hbm>>)
    return
  }
}

</mosaic_0001>

<sc_bundles>
// kernel: kernel.4.cloned.1.call-start
scs
__scs_entry_jumppad:
0x0: {  	(pc) =	sbr.rel $0x88, $3  }
0x1: {  	(tag) =	ssettag $0x0;
	lr =	simm.s32 $0x1  }
0x2: {  	[smem:$0x3F9F] =	sst lr;
	_ =	strace $0xD0000000  }
0x3: {  	_ = 	snop  }
0x4: {  	_ = 	snop  }
0x5: {  	_ = 	snop  }
0x6: {  	_ = 	snop  }
0x7: {  	_ = 	snop  }
__scs_overlays_trampoline_lowered:
0x8: {  	[smem:$0x3FAE] =	sst s0  }
0x9: {  	[smem:$0x3FAF] =	sst s1  }
0xa: {  	[smem:$0x3FB0] =	sst s2  }
0xb: {  	[smem:$0x3FB1] =	sst s3  }
0xc: {  	[smem:$0x3FB2] =	sst s4  }
0xd: {  	[smem:$0x3FB3] =	sst s5  }
0xe: {  	[smem:$0x3FB4] =	sst s6  }
0xf: {  	[smem:$0x3FB5] =	sst s7  }
0x10: {  	[smem:$0x3FB6] =	sst s8  }
0x11: {  	[smem:$0x3FB7] =	sst s9;
	s0 =	simm.s32 @!p0 $0x0  }
0x12: {  	s1 =	sld [smem:$0x3F9D];
	s0 =	simm.s32 @p0 $0x1  }
0x13: {  	[smem:$0x3FB8] =	sst s0;
	s0 =	simm.s32 @!p1 $0x0  }
0x14: {  	s2 =	sld [smem:$0x3F9C];
	s0 =	simm.s32 @p1 $0x1  }
0x15: {  	[smem:$0x3FB9] =	sst s0;
	s0 =	simm.s32 @!p2 $0x0  }
0x16: {  	s3 =	sld [smem:$0x3FDB];
	s0 =	simm.s32 @p2 $0x1  }
0x17: {  	s4 =	simm.s32 $0x1BF5;
	[smem:$0x3FBB] =	sst s0  }
0x18: {  	s0 =	sld [smem:$0x3F9E];
	_ =	swait.ge [sflag:s4], $0x0  }
0x19: {  	s7 =	sld [smem:$0x3F9F]  }
0x1a: {  	s8 =	sadd.s32 $0xFFFFE003, lr  }
0x1b: {  	s9 =	sadd.s32 $0xFFFFFEF7, lr;
	s5 =	simm.s32 $0xFFFFFFFF;
	p2 =	slt.u32 s8, $0xFFFFF086  }
0x1c: {  	p1 =	slt.u32 s9, $0xF7A;
	s5 =	simm.s32 @!p2 $0x0  }
0x1d: {  	s5 =	simm.s32 @p1 $0x1;
	p0 =	seq.s32 s7, s2  }
0x1e: {  	s7 =	smul.u32 @!p0 $0xF7A, s2;
	p2 =	seq.s32 @!p0 s5, $0x0  }
0x1f: {  	s9 =	smul.u32 $0xF7A, s1;
	s8 =	simm.s32 @!p0 $0x1BF5;
	p2 =	por !p2, p0  }
0x20: {  	[sflag:s8] =	ssyncset.s32 @!p0 $0xFFFFF086;
	s6 =	sadd.s32 @!p0 s3, s7;
	s7 =	simm.s32 @!p0 $0x108  }
0x21: {  	s3 =	sadd.s32 s3, s9;
	s6 =	sadd.s32 @!p0 $0x88, s6;
	s7 =	simm.s32 @p2 $0x1082  }
0x22: {  	[simem:s7], [sflag:s8] =	dma.local @!p0 [hbm:s6], $0xF7A  }
0x23: {  	s9 =	sor.u32 $0xD0000000, s2;
	s6 =	simm.s32 $0x108;
	_ =	swait.ge @!p0 [sflag:s8], $0x0  }
0x24: {  	s3 =	sadd.s32 $0x88, s3;
	s6 =	simm.s32 @!p1 $0x1082;
	[sflag:s4] =	ssyncset.s32 $0xFFFFF086  }
0x25: {  	[simem:s6], [sflag:s4] =	dma.local [hbm:s3], $0xF7A  }
0x26: {  	[smem:$0x3F9F] =	sst s1;
	(tag) =	ssettag s2;
	_ =	strace s9  }
0x27: {  	s1 =	sld [smem:$0x3FAF]  }
0x28: {  	s2 =	sld [smem:$0x3FB0]  }
0x29: {  	s4 =	sld [smem:$0x3FB2]  }
0x2a: {  	p0 =	seq.s32 s5, $0x0;
	s5 =	sld [smem:$0x3FB3]  }
0x2b: {  	s6 =	sld [smem:$0x3FB4]  }
0x2c: {  	s7 =	sld [smem:$0x3FB5]  }
0x2d: {  	s3 =	simm.s32 $0x108;
	s8 =	sld [smem:$0x3FB6]  }
0x2e: {  	s3 =	simm.s32 @!p0 $0x1082;
	s9 =	sld [smem:$0x3FB7]  }
0x2f: {  	lr =	sadd.s32 s0, s3;
	s0 =	sld [smem:$0x3FAE]  }
0x30: {  	s3 =	sld [smem:$0x3FB1]  }
0x31: {  	[smem:$0x3FBA] =	sst s10  }
0x32: {  	s10 =	sld [smem:$0x3FB8];
	_ =	sdelay $0x3  }
0x33: {  	p0 =	seq.s32 s10, $0x1;
	s10 =	sld [smem:$0x3FBA];
	_ =	sdelay $0x3  }
0x34: {  	[smem:$0x3FBA] =	sst s10  }
0x35: {  	s10 =	sld [smem:$0x3FB9];
	_ =	sdelay $0x3  }
0x36: {  	p1 =	seq.s32 s10, $0x1;
	s10 =	sld [smem:$0x3FBA];
	_ =	sdelay $0x3  }
0x37: {  	[smem:$0x3FBA] =	sst s10  }
0x38: {  	s10 =	sld [smem:$0x3FBB]  }
0x39: {  	_ = 	snop;
	(pc) =	sbr.ind lr, $3  }
0x3a: {  	_ = 	snop  }
0x3b: {  	_ = 	snop  }
0x3c: {  	p2 =	seq.s32 s10, $0x1;
	s10 =	sld [smem:$0x3FBA]  }
0x3d: {  	_ =	shalt  }
0x3e: {  	_ =	shalt  }
0x3f: {  	_ =	shalt  }
0x40: {  	_ =	shalt  }
0x41: {  	_ =	shalt  }
0x42: {  	_ =	shalt  }
0x43: {  	_ =	shalt  }
0x44: {  	_ =	shalt  }
0x45: {  	_ =	shalt  }
0x46: {  	_ =	shalt  }
0x47: {  	_ =	shalt  }
0x48: {  	_ =	shalt  }
0x49: {  	_ =	shalt  }
0x4a: {  	_ =	shalt  }
0x4b: {  	_ =	shalt  }
0x4c: {  	_ =	shalt  }
0x4d: {  	_ =	shalt  }
0x4e: {  	_ =	shalt  }
0x4f: {  	_ =	shalt  }
0x50: {  	_ =	shalt  }
0x51: {  	_ =	shalt  }
0x52: {  	_ =	shalt  }
0x53: {  	_ =	shalt  }
0x54: {  	_ =	shalt  }
0x55: {  	_ =	shalt  }
0x56: {  	_ =	shalt  }
0x57: {  	_ =	shalt  }
0x58: {  	_ =	shalt  }
0x59: {  	_ =	shalt  }
0x5a: {  	_ =	shalt  }
0x5b: {  	_ =	shalt  }
0x5c: {  	_ =	shalt  }
0x5d: {  	_ =	shalt  }
0x5e: {  	_ =	shalt  }
0x5f: {  	_ =	shalt  }
0x60: {  	_ =	shalt  }
0x61: {  	_ =	shalt  }
0x62: {  	_ =	shalt  }
0x63: {  	_ =	shalt  }
0x64: {  	_ =	shalt  }
0x65: {  	_ =	shalt  }
0x66: {  	_ =	shalt  }
0x67: {  	_ =	shalt  }
0x68: {  	_ =	shalt  }
0x69: {  	_ =	shalt  }
0x6a: {  	_ =	shalt  }
0x6b: {  	_ =	shalt  }
0x6c: {  	_ =	shalt  }
0x6d: {  	_ =	shalt  }
0x6e: {  	_ =	shalt  }
0x6f: {  	_ =	shalt  }
0x70: {  	_ =	shalt  }
0x71: {  	_ =	shalt  }
0x72: {  	_ =	shalt  }
0x73: {  	_ =	shalt  }
0x74: {  	_ =	shalt  }
0x75: {  	_ =	shalt  }
0x76: {  	_ =	shalt  }
0x77: {  	_ =	shalt  }
0x78: {  	_ =	shalt  }
0x79: {  	_ =	shalt  }
0x7a: {  	_ =	shalt  }
0x7b: {  	_ =	shalt  }
0x7c: {  	_ =	shalt  }
0x7d: {  	_ =	shalt  }
0x7e: {  	_ =	shalt  }
0x7f: {  	_ =	shalt  }
0x80: {  	_ =	shalt  }
0x81: {  	_ =	shalt  }
0x82: {  	_ =	shalt  }
0x83: {  	_ =	shalt  }
0x84: {  	_ =	shalt  }
0x85: {  	_ =	shalt  }
0x86: {  	_ =	shalt  }
0x87: {  	_ =	shalt  }
.Lfunc_end0:
.L_simem_size_0:
called_computation_lowered:
.L_overlay_start_0:
0x88: {  	s2 =	sld [smem:$0x3FD9]  }
0x89: {  	s3 =	sld [smem:$0x3FFE];
	_ =	sdelay $0x1  }
0x8a: {  	s1 =	srdreg.scid  }
0x8b: {  	s0 =	sand.u32 $0x1, s1  }
0x8c: {  	s17 =	sshll.u32 s0, $0xA;
	s2 =	sadd.s32 s3, s2  }
0x8d: {  	s2 =	sadd.s32 s2, s17  }
0x8e: {  	[smem:$0x3FC6] =	sst s2  }
0x8f: {  	_ = 	snop  }
0x90: {  	s2 =	sld [smem:$0x3FC8];
	(tm) =	ssettm $0x1  }
0x91: {  	s18 =	sld [smem:$0x3FFB];
	_ =	sdelay $0x3  }
0x92: {  	_ =	strace s18  }
0x93: {  	s3 =	sld [smem:$0x3FFC];
	_ =	sdelay $0x3  }
0x94: {  	_ =	strace s3  }
0x95: {  	s3 =	sld [smem:$0x3FFD];
	_ =	sdelay $0x3  }
0x96: {  	_ =	strace s3  }
0x97: {  	_ =	strace $0x8FFFFFFF  }
0x98: {  	s19 =	sld [smem:$0x3FDB];
	_ =	sdelay $0x1  }
0x99: {  	s4 =	simm.s32 $_scs_section_size  }
0x9a: {  	s5 =	simm.s32 $_size__tile_overlayer_lowered;
	s6 =	simm.s32 $_tile_overlayer_lowered  }
0x9b: {  	s22 =	simm.s32 $0x1BFF;
	s21 =	sshll.u32 s6, $0x1;
	s3 =	sadd.s32 s4, s19  }
0x9c: {  	s7 =	simm.s32 $0x0;
	s20 =	sshll.u32 s5, $0x1;
	s5 =	sadd.s32 s21, s3  }
0x9d: {  	[timem:s7], [sflag:s22] =	dma.local [hbm:s5], s20  }
0x9e: {  	_ =	swait.ge [sflag:s22], s20  }
0x9f: {  	s4 =	ssub.s32 $0x0, s20;
	[sflag:s22] =	ssyncset.done $0x0  }
0xa0: {  	[sflag:s22] =	ssyncadd.s32 s4;
	_ =	sdelay $0x1  }
0xa1: {  	s23 =	simm.s32 $0x1B8B  }
0xa2: {  	_ =	swait.ge [sflag:s23], $0x1  }
0xa3: {  	[sflag:s23] =	ssyncset.done $0x0  }
0xa4: {  	s25 =	simm.s32 $0x1B8E;
	s24 =	sld [smem:$0x3FFE];
	[sflag:s23] =	ssyncadd.s32 $0xFFFFFFFF  }
0xa5: {  	s26 =	simm.s32 $execute0_lowered;
	[smem:$0x3FD2] =	sst s25  }
0xa6: {  	s5 =	sshll.u32 s26, $0x1;
	_ =	strace $0x80000046;
	[dreg:$0x1] =	wrdreg $0xFFFFFFFF  }
0xa7: {  	s28 =	simm.s32 $_size_execute0_lowered;
	s3 =	sadd.s32 s3, s5;
	[dreg:$0x0] =	wrdreg $0x0  }
0xa8: {  	s5 =	sshll.u32 s28, $0x1;
	[dreg:$0x2] =	wrdreg s3  }
0xa9: {  	[dreg:$0x3] =	wrdreg s5  }
0xaa: {  	[dreg:$0x4] =	wrdreg $0xC0  }
0xab: {  	_ =	task [dreg:s7], $0x5FFFF  }
0xac: {  	[dreg:$0x1] =	wrdreg $0xFFFFFFFF  }
0xad: {  	[dreg:$0x0] =	wrdreg $0x60  }
0xae: {  	[dreg:$0x2] =	wrdreg s2  }
0xaf: {  	[dreg:$0x3] =	wrdreg s24  }
0xb0: {  	[dreg:$0x4] =	wrdreg $0x9  }
0xb1: {  	_ =	task.clear_ibuf [dreg:s7], $0x5FFFF;
	_ =	strace $0x90000046  }
0xb2: {  	s29 =	simm.s32 $0x9;
	_ =	strace $0x80000048  }
0xb3: {  	_ =	swait.ge [sflag:s29], $0x1  }
0xb4: {  	[sflag:s29] =	ssyncadd.s32 $0xFFFFFFFF  }
0xb5: {  	_ =	strace $0x90000048  }
0xb6: {  	_ =	sfence  }
0xb7: {  	s30 =	sld [smem:$0x0];
	_ =	sdelay $0x2  }
0xb8: {  	s31 =	sshll.u32 s1, $0xD;
	s1 =	sshrl.u32 s1, $0x2  }
0xb9: {  	s3 =	sand.u32 $0x4000, s31;
	s1 =	sadd.s32 s1, s30  }
0xba: {  	s0 =	sor.u32 s3, s0;
	s1 =	sshll.u32 s1, $0x11  }
0xbb: {  	s0 =	sor.u32 s1, s0  }
0xbc: {  	s0 =	sadd.s32 $0x8F2B, s0  }
0xbd: {  	[sflag:s0] =	ssyncadd.remote.s32 $0x1  }
0xbe: {  	_ =	sfence.sel $0xFFFF  }
0xbf: {  	[dreg:$0x0] =	wrdreg $0xFFFFFFFF;
	(pc) =	sbr.abs _section_cstart, $3  }
0xc0: {  	[dreg:$0x1] =	wrdreg $0xFFFFFFFF  }
0xc1: {  	_ =	task.clear_ibuf [dreg:s7], $0x2FFFF;
	_ =	strace $0x9FFFFFFF  }
0xc2: {  	(tm) =	ssettm $0x7FFFFFFF  }
0xc3: {  	_ =	shalt  }
tec
execute0_lowered:
.L_overlay_start_1:
0x0: {  	(tag) =	ssettag $0x1  }
0x1: {  	s1 =	srdreg.scid;
	s12 =	rddreg [dreg:$0x0]  }
0x2: {  	s0 =	stileid.u32;
	s5 =	rddreg [dreg:$0x1]  }
0x3: {  	s2 =	simm.s32 $0x0;
	s14 =	simm.s32 $0x400;
	s15 =	simm.s32 $0x7A1400  }
0x4: {  	s16 =	simm.s32 $0x1000;
	s17 =	simm.s32 $0x2000;
	s18 =	simm.s32 $0x3000  }
0x5: {  	s19 =	simm.s32 $0x1;
	s20 =	simm.s32 $0x4000;
	s21 =	simm.s32 $0x2  }
0x6: {  	s22 =	simm.s32 $0x5000;
	s23 =	simm.s32 $0x5;
	s24 =	simm.s32 $0x3  }
0x7: {  	s25 =	simm.s32 $0x6;
	s4 =	sand.u32 $0x1, s1;
	s30 =	sshll.u32 s0, $0x1  }
0x8: {  	s26 =	simm.s32 $0x4;
	s28 =	simm.s32 $0x0;
	s3 =	sor.u32 s4, s30  }
0x9: {  	v0 =	vlaneseq.u32;
	[smem:$0x7FF] =	sst s2;
	s5 =	sadd.s32 $0xA00, s5;
	s3 =	smul.u32 $0x7C00, s3  }
.Ltmp0:
0xa: {  	s9 =	sadd.s32 $0x200, s12;
	v1 =	vmul.u32 $0x20, v0;
	v2 =	vor.u32 $0x10, v0;
	v4 =	vor.u32 $0x20, v0;
	s6 =	ssub.s32 $0x2, s4;
	(pc) =	sbr.rel .LBB2_1-.Ltmp0, $4  }
0xb: {  	s10 =	sadd.s32 $0x280, s12;
	s11 =	sadd.s32 $0x300, s12;
	v6 =	vor.u32 $0x30, v0;
	v8 =	vor.u32 $0x40, v0;
	v10 =	vor.u32 $0x50, v0;
	s7 =	sshrl.u32 s6, $0x1  }
0xc: {  	v12 =	vor.u32 $0x60, v0;
	v14 =	vor.u32 $0x70, v0;
	_ =	strace $0x80000047;
	v3 =	vor.u32 $0x200, v1;
	s13 =	ssub.s32 s6, s7;
	s4 =	sadd.s32 s12, s3  }
0xd: {  	v5 =	vor.u32 $0x400, v1;
	v7 =	vor.u32 $0x600, v1;
	v9 =	vor.u32 $0x800, v1;
	s12 =	sadd.s32 $0x380, s12;
	s13 =	smax.u32 s13, $0x1;
	s31 =	sadd.s32 $0x80, s4  }
0xe: {  	v11 =	vor.u32 $0xA00, v1;
	v13 =	vor.u32 $0xC00, v1;
	v15 =	vor.u32 $0xE00, v1;
	s7 =	sadd.s32 $0x100, s4;
	s8 =	sadd.s32 $0x180, s4;
	[dreg:$0x3] =	wrdreg s31  }
.LBB2_12:
0xf: {  	s28 =	sadd.s32 $0x1, s28  }
0x10: {  	_ =	swait.ge [sflag:s23], $0x1000;
	p0 =	sne.s32 s28, s13  }
.Ltmp1:
0x11: {  	[sflag:s23] =	ssyncset.done $0x0;
	(pc) =	sbr.rel @!p0 .LBB2_13-.Ltmp1, $4  }
0x12: {  	[sflag:s23] =	ssyncadd.s32 $0xFFFFF000  }
0x13: {  	_ =	swait.ge [sflag:s25], $0x1000  }
0x14: {  	[sflag:s25] =	ssyncset.done $0x0  }
0x15: {  	[sflag:s25] =	ssyncadd.s32 $0xFFFFF000  }
.LBB2_1:
0x16: {  	[tilespmem:s2], [sflag:$0x1] =	stream.strided.gather [hbm4b:s4+s14], $0x1000, s15, s14, $0x38;
	[tilespmem:$0x6000] =	vst v63  }
0x17: {  	s0 =	rddreg [dreg:$0x3]  }
0x18: {  	[tilespmem:s16], [sflag:$0x2] =	stream.strided.gather [hbm4b:s0+s14], $0x1000, s15, s14, $0x38;
	[tilespmem:$0x6000] =	vst v63  }
0x19: {  	_ = 	snop  }
0x1a: {  	[tilespmem:s17], [sflag:$0x3] =	stream.strided.gather [hbm4b:s7+s14], $0x1000, s15, s14, $0x38;
	[tilespmem:$0x6000] =	vst v63  }
0x1b: {  	s29 =	simm.s32 $0x0  }
0x1c: {  	[tilespmem:s18], [sflag:$0x4] =	stream.strided.gather [hbm4b:s8+s14], $0x1000, s15, s14, $0x38;
	[tilespmem:$0x6000] =	vst v63  }
.LBB2_2:
0x1d: {  	s30 =	simm.s32 $0x0  }
0x1e: {  	p0 =	seq.s32 s29, $0x0;
	v16 =	vadd.s32 s30, v0  }
0x1f: {  	s30 =	simm.s32 @!p0 $0x5;
	v16 =	vand.u32 $0x1F, v16  }
0x20: {  	_ =	swait.ge @!p0 [sflag:s30], $0x1000;
	v17 =	vshll.u32 v16, $0x7  }
0x21: {  	[sflag:s30] =	ssyncset.done @!p0 $0x0;
	v18 =	vor.u32 v0, v17  }
0x22: {  	[sflag:s30] =	ssyncadd.s32 @!p0 $0xFFFFF000  }
0x23: {  	_ =	swait.ge [sflag:s19], $0x1000  }
0x24: {  	[sflag:s19] =	ssyncset.done $0x0  }
0x25: {  	[sflag:s19] =	ssyncadd.s32 $0xFFFFF000  }
0x26: {  	v19 =	vor.u32 v1, v16;
	v18 =	vld.idx.msk [tilespmem:v18+s2+$0x0], $0xffff  }
0x27: {  	v20 =	vor.u32 v2, v17;
	_ =	sdelay $0x3  }
0x28: {  	[tilespmem:v19+s20+$0x0] =	vst.idx.msk $0xffff, v18  }
0x29: {  	v19 =	vor.u32 v3, v16;
	v18 =	vld.idx.msk [tilespmem:v20+s2+$0x0], $0xffff  }
0x2a: {  	v20 =	vor.u32 v4, v17;
	_ =	sdelay $0x3  }
0x2b: {  	[tilespmem:v19+s20+$0x0] =	vst.idx.msk $0xffff, v18  }
0x2c: {  	v19 =	vor.u32 v5, v16;
	v18 =	vld.idx.msk [tilespmem:v20+s2+$0x0], $0xffff  }
0x2d: {  	v20 =	vor.u32 v6, v17;
	_ =	sdelay $0x3  }
0x2e: {  	[tilespmem:v19+s20+$0x0] =	vst.idx.msk $0xffff, v18  }
0x2f: {  	v19 =	vor.u32 v7, v16;
	v18 =	vld.idx.msk [tilespmem:v20+s2+$0x0], $0xffff  }
0x30: {  	v20 =	vor.u32 v8, v17;
	_ =	sdelay $0x3  }
0x31: {  	[tilespmem:v19+s20+$0x0] =	vst.idx.msk $0xffff, v18  }
0x32: {  	v19 =	vor.u32 v9, v16;
	v18 =	vld.idx.msk [tilespmem:v20+s2+$0x0], $0xffff  }
0x33: {  	v20 =	vor.u32 v10, v17;
	_ =	sdelay $0x3  }
0x34: {  	[tilespmem:v19+s20+$0x0] =	vst.idx.msk $0xffff, v18  }
0x35: {  	v19 =	vor.u32 v11, v16;
	v18 =	vld.idx.msk [tilespmem:v20+s2+$0x0], $0xffff  }
0x36: {  	v20 =	vor.u32 v12, v17;
	_ =	sdelay $0x3  }
0x37: {  	[tilespmem:v19+s20+$0x0] =	vst.idx.msk $0xffff, v18  }
0x38: {  	v19 =	vld.idx.msk [tilespmem:v20+s2+$0x0], $0xffff;
	v20 =	vor.u32 v13, v16  }
0x39: {  	v17 =	vor.u32 v14, v17;
	_ =	sdelay $0x2  }
0x3a: {  	s30 =	simm.s32 $0x1  }
0x3b: {  	v18 =	vadd.s32 s30, v0;
	s30 =	simm.s32 $0x2;
	[tilespmem:v20+s20+$0x0] =	vst.idx.msk $0xffff, v19  }
.LBB2_3:
0x3c: {  	p0 =	sne.s32 s30, $0x1F;
	v18 =	vand.u32 $0x1F, v18;
	v17 =	vld.idx.msk [tilespmem:v17+s2+$0x0], $0xffff  }
0x3d: {  	v20 =	vor.u32 v15, v16;
	v19 =	vshll.u32 v18, $0x7;
	v16 =	vmov v18  }
0x3e: {  	v18 =	vor.u32 v0, v19;
	_ =	sdelay $0x3  }
0x3f: {  	[tilespmem:v20+s20+$0x0] =	vst.idx.msk $0xffff, v17  }
0x40: {  	v17 =	vld.idx.msk [tilespmem:v18+s2+$0x0], $0xffff  }
0x41: {  	v18 =	vor.u32 v1, v16  }
0x42: {  	v20 =	vor.u32 v2, v19;
	_ =	sdelay $0x3  }
0x43: {  	[tilespmem:v18+s20+$0x0] =	vst.idx.msk $0xffff, v17  }
0x44: {  	v17 =	vld.idx.msk [tilespmem:v20+s2+$0x0], $0xffff  }
0x45: {  	v18 =	vor.u32 v3, v16  }
0x46: {  	v20 =	vor.u32 v4, v19;
	_ =	sdelay $0x3  }
0x47: {  	[tilespmem:v18+s20+$0x0] =	vst.idx.msk $0xffff, v17  }
0x48: {  	v17 =	vld.idx.msk [tilespmem:v20+s2+$0x0], $0xffff  }
0x49: {  	v18 =	vor.u32 v5, v16  }
0x4a: {  	v20 =	vor.u32 v6, v19;
	_ =	sdelay $0x3  }
0x4b: {  	[tilespmem:v18+s20+$0x0] =	vst.idx.msk $0xffff, v17  }
0x4c: {  	v17 =	vld.idx.msk [tilespmem:v20+s2+$0x0], $0xffff  }
0x4d: {  	v18 =	vor.u32 v7, v16  }
0x4e: {  	v20 =	vor.u32 v8, v19;
	_ =	sdelay $0x3  }
0x4f: {  	[tilespmem:v18+s20+$0x0] =	vst.idx.msk $0xffff, v17  }
0x50: {  	v17 =	vld.idx.msk [tilespmem:v20+s2+$0x0], $0xffff  }
0x51: {  	v18 =	vor.u32 v9, v16  }
0x52: {  	v20 =	vor.u32 v10, v19;
	_ =	sdelay $0x3  }
0x53: {  	[tilespmem:v18+s20+$0x0] =	vst.idx.msk $0xffff, v17  }
0x54: {  	v17 =	vld.idx.msk [tilespmem:v20+s2+$0x0], $0xffff  }
0x55: {  	v18 =	vor.u32 v11, v16  }
0x56: {  	v20 =	vor.u32 v12, v19;
	_ =	sdelay $0x3  }
0x57: {  	[tilespmem:v18+s20+$0x0] =	vst.idx.msk $0xffff, v17  }
0x58: {  	v20 =	vld.idx.msk [tilespmem:v20+s2+$0x0], $0xffff  }
0x59: {  	v21 =	vor.u32 v13, v16  }
.Ltmp2:
0x5a: {  	v17 =	vor.u32 v14, v19;
	(pc) =	sbr.rel @p0 .LBB2_3-.Ltmp2, $2  }
0x5b: {  	_ =	sdelay $0x2  }
0x5c: {  	v18 =	vadd.s32 s30, v0;
	s30 =	sadd.s32 $0x1, s30;
	[tilespmem:v21+s20+$0x0] =	vst.idx.msk $0xffff, v20  }
0x5d: {  	_ =	sdelay $0x2  }
0x5e: {  	v18 =	vand.u32 $0x1F, v18  }
0x5f: {  	v17 =	vld.idx.msk [tilespmem:v17+s2+$0x0], $0xffff;
	v16 =	vor.u32 v15, v16;
	v19 =	vshll.u32 v18, $0x7  }
0x60: {  	v20 =	vor.u32 v0, v19;
	_ =	sdelay $0x3  }
0x61: {  	[tilespmem:v16+s20+$0x0] =	vst.idx.msk $0xffff, v17  }
0x62: {  	v17 =	vor.u32 v1, v18;
	v16 =	vld.idx.msk [tilespmem:v20+s2+$0x0], $0xffff  }
0x63: {  	v20 =	vor.u32 v2, v19;
	_ =	sdelay $0x3  }
0x64: {  	[tilespmem:v17+s20+$0x0] =	vst.idx.msk $0xffff, v16  }
0x65: {  	v17 =	vor.u32 v3, v18;
	v16 =	vld.idx.msk [tilespmem:v20+s2+$0x0], $0xffff  }
0x66: {  	v20 =	vor.u32 v4, v19;
	_ =	sdelay $0x3  }
0x67: {  	[tilespmem:v17+s20+$0x0] =	vst.idx.msk $0xffff, v16  }
0x68: {  	v17 =	vor.u32 v5, v18;
	v16 =	vld.idx.msk [tilespmem:v20+s2+$0x0], $0xffff  }
0x69: {  	v20 =	vor.u32 v6, v19;
	_ =	sdelay $0x3  }
0x6a: {  	[tilespmem:v17+s20+$0x0] =	vst.idx.msk $0xffff, v16  }
0x6b: {  	v17 =	vor.u32 v7, v18;
	v16 =	vld.idx.msk [tilespmem:v20+s2+$0x0], $0xffff  }
0x6c: {  	v20 =	vor.u32 v8, v19;
	_ =	sdelay $0x3  }
0x6d: {  	[tilespmem:v17+s20+$0x0] =	vst.idx.msk $0xffff, v16  }
0x6e: {  	v17 =	vor.u32 v9, v18;
	v16 =	vld.idx.msk [tilespmem:v20+s2+$0x0], $0xffff  }
0x6f: {  	v20 =	vor.u32 v10, v19;
	_ =	sdelay $0x3  }
0x70: {  	[tilespmem:v17+s20+$0x0] =	vst.idx.msk $0xffff, v16  }
0x71: {  	v17 =	vor.u32 v11, v18;
	v16 =	vld.idx.msk [tilespmem:v20+s2+$0x0], $0xffff  }
0x72: {  	v20 =	vor.u32 v12, v19;
	_ =	sdelay $0x3  }
0x73: {  	[tilespmem:v17+s20+$0x0] =	vst.idx.msk $0xffff, v16  }
0x74: {  	v17 =	vor.u32 v13, v18;
	v16 =	vld.idx.msk [tilespmem:v20+s2+$0x0], $0xffff  }
0x75: {  	v19 =	vor.u32 v14, v19;
	_ =	sdelay $0x3  }
0x76: {  	[tilespmem:v17+s20+$0x0] =	vst.idx.msk $0xffff, v16  }
0x77: {  	v17 =	vor.u32 v15, v18;
	v16 =	vld.idx.msk [tilespmem:v19+s2+$0x0], $0xffff  }
0x78: {  	s30 =	sshll.u32 s29, $0x9  }
0x79: {  	s30 =	sadd.s32 s3, s30  }
0x7a: {  	s31 =	smin.u32 s30, $0xF4200  }
0x7b: {  	s31 =	sshll.u32 s31, $0x2  }
0x7c: {  	p0 =	seq.s32 s29, $0x3D;
	s31 =	sadd.s32 s5, s31;
	[tilespmem:v17+s20+$0x0] =	vst.idx.msk $0xffff, v16  }
0x7d: {  	[hbm4b:s31+s2] =	stream.linear.scatter [tilespmem:s20], [sflag:$0x5], $0x1000, $0x38;
	[tilespmem:$0x6000] =	vst v63  }
0x7e: {  	s1 =	simm.s32 @!p0 $0x400;
	s31 =	smin.u32 @!p0 s30, $0xF4000  }
0x7f: {  	s0 =	simm.s32 @!p0 $0x7A1400;
	s6 =	simm.s32 @!p0 $0x0;
	s31 =	sadd.s32 @!p0 s31, s9  }
0x80: {  	[tilespmem:s6], [sflag:$0x1] =	stream.strided.gather @!p0 [hbm4b:s31+s1], $0x1000, s0, s1, $0x38;
	[tilespmem:$0x6000] =	vst v63  }
0x81: {  	s1 =	simm.s32 $0x0  }
0x82: {  	p1 =	seq.s32 @!p0 s29, $0x0;
	v16 =	vadd.s32 s1, v0  }
0x83: {  	p1 =	por p0, !p1;
	v16 =	vand.u32 $0x1F, v16  }
0x84: {  	_ =	swait.ge @p1 [sflag:s25], $0x1000;
	v17 =	vshll.u32 v16, $0x7  }
0x85: {  	[sflag:s25] =	ssyncset.done @p1 $0x0;
	v18 =	vor.u32 v0, v17  }
0x86: {  	[sflag:s25] =	ssyncadd.s32 @p1 $0xFFFFF000  }
0x87: {  	_ =	swait.ge [sflag:s21], $0x1000  }
0x88: {  	[sflag:s21] =	ssyncset.done $0x0  }
0x89: {  	[sflag:s21] =	ssyncadd.s32 $0xFFFFF000  }
0x8a: {  	v19 =	vor.u32 v1, v16;
	v18 =	vld.idx.msk [tilespmem:v18+s16+$0x0], $0xffff  }
0x8b: {  	v20 =	vor.u32 v2, v17;
	_ =	sdelay $0x3  }
0x8c: {  	[tilespmem:v19+s22+$0x0] =	vst.idx.msk $0xffff, v18  }
0x8d: {  	v19 =	vor.u32 v3, v16;
	v18 =	vld.idx.msk [tilespmem:v20+s16+$0x0], $0xffff  }
0x8e: {  	v20 =	vor.u32 v4, v17;
	_ =	sdelay $0x3  }
0x8f: {  	[tilespmem:v19+s22+$0x0] =	vst.idx.msk $0xffff, v18  }
0x90: {  	v19 =	vor.u32 v5, v16;
	v18 =	vld.idx.msk [tilespmem:v20+s16+$0x0], $0xffff  }
0x91: {  	v20 =	vor.u32 v6, v17;
	_ =	sdelay $0x3  }
0x92: {  	[tilespmem:v19+s22+$0x0] =	vst.idx.msk $0xffff, v18  }
0x93: {  	v19 =	vor.u32 v7, v16;
	v18 =	vld.idx.msk [tilespmem:v20+s16+$0x0], $0xffff  }
0x94: {  	v20 =	vor.u32 v8, v17;
	_ =	sdelay $0x3  }
0x95: {  	[tilespmem:v19+s22+$0x0] =	vst.idx.msk $0xffff, v18  }
0x96: {  	v19 =	vor.u32 v9, v16;
	v18 =	vld.idx.msk [tilespmem:v20+s16+$0x0], $0xffff  }
0x97: {  	v20 =	vor.u32 v10, v17;
	_ =	sdelay $0x3  }
0x98: {  	[tilespmem:v19+s22+$0x0] =	vst.idx.msk $0xffff, v18  }
0x99: {  	v19 =	vor.u32 v11, v16;
	v18 =	vld.idx.msk [tilespmem:v20+s16+$0x0], $0xffff  }
0x9a: {  	v20 =	vor.u32 v12, v17;
	_ =	sdelay $0x3  }
0x9b: {  	[tilespmem:v19+s22+$0x0] =	vst.idx.msk $0xffff, v18  }
0x9c: {  	v19 =	vld.idx.msk [tilespmem:v20+s16+$0x0], $0xffff;
	v20 =	vor.u32 v13, v16  }
0x9d: {  	v17 =	vor.u32 v14, v17;
	_ =	sdelay $0x2  }
0x9e: {  	s6 =	simm.s32 $0x1  }
0x9f: {  	s31 =	simm.s32 $0x2;
	v18 =	vadd.s32 s6, v0;
	[tilespmem:v20+s22+$0x0] =	vst.idx.msk $0xffff, v19  }
.LBB2_5:
0xa0: {  	p1 =	sne.s32 s31, $0x1F;
	v18 =	vand.u32 $0x1F, v18;
	v17 =	vld.idx.msk [tilespmem:v17+s16+$0x0], $0xffff  }
0xa1: {  	v20 =	vor.u32 v15, v16;
	v19 =	vshll.u32 v18, $0x7;
	v16 =	vmov v18  }
0xa2: {  	v18 =	vor.u32 v0, v19;
	_ =	sdelay $0x3  }
0xa3: {  	[tilespmem:v20+s22+$0x0] =	vst.idx.msk $0xffff, v17  }
0xa4: {  	v17 =	vld.idx.msk [tilespmem:v18+s16+$0x0], $0xffff  }
0xa5: {  	v18 =	vor.u32 v1, v16  }
0xa6: {  	v20 =	vor.u32 v2, v19;
	_ =	sdelay $0x3  }
0xa7: {  	[tilespmem:v18+s22+$0x0] =	vst.idx.msk $0xffff, v17  }
0xa8: {  	v17 =	vld.idx.msk [tilespmem:v20+s16+$0x0], $0xffff  }
0xa9: {  	v18 =	vor.u32 v3, v16  }
0xaa: {  	v20 =	vor.u32 v4, v19;
	_ =	sdelay $0x3  }
0xab: {  	[tilespmem:v18+s22+$0x0] =	vst.idx.msk $0xffff, v17  }
0xac: {  	v17 =	vld.idx.msk [tilespmem:v20+s16+$0x0], $0xffff  }
0xad: {  	v18 =	vor.u32 v5, v16  }
0xae: {  	v20 =	vor.u32 v6, v19;
	_ =	sdelay $0x3  }
0xaf: {  	[tilespmem:v18+s22+$0x0] =	vst.idx.msk $0xffff, v17  }
0xb0: {  	v17 =	vld.idx.msk [tilespmem:v20+s16+$0x0], $0xffff  }
0xb1: {  	v18 =	vor.u32 v7, v16  }
0xb2: {  	v20 =	vor.u32 v8, v19;
	_ =	sdelay $0x3  }
0xb3: {  	[tilespmem:v18+s22+$0x0] =	vst.idx.msk $0xffff, v17  }
0xb4: {  	v17 =	vld.idx.msk [tilespmem:v20+s16+$0x0], $0xffff  }
0xb5: {  	v18 =	vor.u32 v9, v16  }
0xb6: {  	v20 =	vor.u32 v10, v19;
	_ =	sdelay $0x3  }
0xb7: {  	[tilespmem:v18+s22+$0x0] =	vst.idx.msk $0xffff, v17  }
0xb8: {  	v17 =	vld.idx.msk [tilespmem:v20+s16+$0x0], $0xffff  }
0xb9: {  	v18 =	vor.u32 v11, v16  }
0xba: {  	v20 =	vor.u32 v12, v19;
	_ =	sdelay $0x3  }
0xbb: {  	[tilespmem:v18+s22+$0x0] =	vst.idx.msk $0xffff, v17  }
0xbc: {  	v20 =	vld.idx.msk [tilespmem:v20+s16+$0x0], $0xffff  }
0xbd: {  	v21 =	vor.u32 v13, v16  }
.Ltmp3:
0xbe: {  	v17 =	vor.u32 v14, v19;
	(pc) =	sbr.rel @p1 .LBB2_5-.Ltmp3, $2  }
0xbf: {  	_ =	sdelay $0x2  }
0xc0: {  	v18 =	vadd.s32 s31, v0;
	s31 =	sadd.s32 $0x1, s31;
	[tilespmem:v21+s22+$0x0] =	vst.idx.msk $0xffff, v20  }
0xc1: {  	_ =	sdelay $0x2  }
0xc2: {  	v18 =	vand.u32 $0x1F, v18  }
0xc3: {  	v17 =	vld.idx.msk [tilespmem:v17+s16+$0x0], $0xffff;
	v16 =	vor.u32 v15, v16;
	v19 =	vshll.u32 v18, $0x7  }
0xc4: {  	v20 =	vor.u32 v0, v19;
	_ =	sdelay $0x3  }
0xc5: {  	[tilespmem:v16+s22+$0x0] =	vst.idx.msk $0xffff, v17  }
0xc6: {  	v17 =	vor.u32 v1, v18;
	v16 =	vld.idx.msk [tilespmem:v20+s16+$0x0], $0xffff  }
0xc7: {  	v20 =	vor.u32 v2, v19;
	_ =	sdelay $0x3  }
0xc8: {  	[tilespmem:v17+s22+$0x0] =	vst.idx.msk $0xffff, v16  }
0xc9: {  	v17 =	vor.u32 v3, v18;
	v16 =	vld.idx.msk [tilespmem:v20+s16+$0x0], $0xffff  }
0xca: {  	v20 =	vor.u32 v4, v19;
	_ =	sdelay $0x3  }
0xcb: {  	[tilespmem:v17+s22+$0x0] =	vst.idx.msk $0xffff, v16  }
0xcc: {  	v17 =	vor.u32 v5, v18;
	v16 =	vld.idx.msk [tilespmem:v20+s16+$0x0], $0xffff  }
0xcd: {  	v20 =	vor.u32 v6, v19;
	_ =	sdelay $0x3  }
0xce: {  	[tilespmem:v17+s22+$0x0] =	vst.idx.msk $0xffff, v16  }
0xcf: {  	v17 =	vor.u32 v7, v18;
	v16 =	vld.idx.msk [tilespmem:v20+s16+$0x0], $0xffff  }
0xd0: {  	v20 =	vor.u32 v8, v19;
	_ =	sdelay $0x3  }
0xd1: {  	[tilespmem:v17+s22+$0x0] =	vst.idx.msk $0xffff, v16  }
0xd2: {  	v17 =	vor.u32 v9, v18;
	v16 =	vld.idx.msk [tilespmem:v20+s16+$0x0], $0xffff  }
0xd3: {  	v20 =	vor.u32 v10, v19;
	_ =	sdelay $0x3  }
0xd4: {  	[tilespmem:v17+s22+$0x0] =	vst.idx.msk $0xffff, v16  }
0xd5: {  	v17 =	vor.u32 v11, v18;
	v16 =	vld.idx.msk [tilespmem:v20+s16+$0x0], $0xffff  }
0xd6: {  	v20 =	vor.u32 v12, v19;
	_ =	sdelay $0x3  }
0xd7: {  	[tilespmem:v17+s22+$0x0] =	vst.idx.msk $0xffff, v16  }
0xd8: {  	v17 =	vor.u32 v13, v18;
	v16 =	vld.idx.msk [tilespmem:v20+s16+$0x0], $0xffff  }
0xd9: {  	v19 =	vor.u32 v14, v19;
	_ =	sdelay $0x3  }
0xda: {  	[tilespmem:v17+s22+$0x0] =	vst.idx.msk $0xffff, v16  }
0xdb: {  	v17 =	vor.u32 v15, v18;
	v16 =	vld.idx.msk [tilespmem:v19+s16+$0x0], $0xffff;
	_ =	sdelay $0x1  }
0xdc: {  	s0 =	sor.u32 $0x80, s30  }
0xdd: {  	s0 =	smin.u32 s0, $0xF4200  }
0xde: {  	s0 =	sshll.u32 s0, $0x2  }
0xdf: {  	s0 =	sadd.s32 s5, s0;
	[tilespmem:v17+s22+$0x0] =	vst.idx.msk $0xffff, v16  }
0xe0: {  	[hbm4b:s0+s2] =	stream.linear.scatter [tilespmem:s22], [sflag:$0x6], $0x1000, $0x38;
	[tilespmem:$0x6000] =	vst v63  }
0xe1: {  	s1 =	simm.s32 $0x0;
	s6 =	simm.s32 @!p0 $0x400;
	s0 =	smin.u32 @!p0 s30, $0xF3F80  }
0xe2: {  	s31 =	simm.s32 @!p0 $0x7A1400;
	v16 =	vadd.s32 s1, v0;
	s1 =	simm.s32 @!p0 $0x1000;
	s0 =	sadd.s32 @!p0 s0, s10  }
0xe3: {  	v16 =	vand.u32 $0x1F, v16;
	[tilespmem:s1], [sflag:$0x2] =	stream.strided.gather @!p0 [hbm4b:s0+s6], $0x1000, s31, s6, $0x38;
	[tilespmem:$0x6000] =	vst v63  }
0xe4: {  	v17 =	vshll.u32 v16, $0x7;
	_ =	swait.ge [sflag:s23], $0x1000  }
0xe5: {  	v18 =	vor.u32 v0, v17;
	[sflag:s23] =	ssyncset.done $0x0  }
0xe6: {  	[sflag:s23] =	ssyncadd.s32 $0xFFFFF000  }
0xe7: {  	_ =	swait.ge [sflag:s24], $0x1000  }
0xe8: {  	[sflag:s24] =	ssyncset.done $0x0  }
0xe9: {  	[sflag:s24] =	ssyncadd.s32 $0xFFFFF000  }
0xea: {  	v19 =	vor.u32 v1, v16;
	v18 =	vld.idx.msk [tilespmem:v18+s17+$0x0], $0xffff  }
0xeb: {  	v20 =	vor.u32 v2, v17;
	_ =	sdelay $0x3  }
0xec: {  	[tilespmem:v19+s20+$0x0] =	vst.idx.msk $0xffff, v18  }
0xed: {  	v19 =	vor.u32 v3, v16;
	v18 =	vld.idx.msk [tilespmem:v20+s17+$0x0], $0xffff  }
0xee: {  	v20 =	vor.u32 v4, v17;
	_ =	sdelay $0x3  }
0xef: {  	[tilespmem:v19+s20+$0x0] =	vst.idx.msk $0xffff, v18  }
0xf0: {  	v19 =	vor.u32 v5, v16;
	v18 =	vld.idx.msk [tilespmem:v20+s17+$0x0], $0xffff  }
0xf1: {  	v20 =	vor.u32 v6, v17;
	_ =	sdelay $0x3  }
0xf2: {  	[tilespmem:v19+s20+$0x0] =	vst.idx.msk $0xffff, v18  }
0xf3: {  	v19 =	vor.u32 v7, v16;
	v18 =	vld.idx.msk [tilespmem:v20+s17+$0x0], $0xffff  }
0xf4: {  	v20 =	vor.u32 v8, v17;
	_ =	sdelay $0x3  }
0xf5: {  	[tilespmem:v19+s20+$0x0] =	vst.idx.msk $0xffff, v18  }
0xf6: {  	v19 =	vor.u32 v9, v16;
	v18 =	vld.idx.msk [tilespmem:v20+s17+$0x0], $0xffff  }
0xf7: {  	v20 =	vor.u32 v10, v17;
	_ =	sdelay $0x3  }
0xf8: {  	[tilespmem:v19+s20+$0x0] =	vst.idx.msk $0xffff, v18  }
0xf9: {  	v19 =	vor.u32 v11, v16;
	v18 =	vld.idx.msk [tilespmem:v20+s17+$0x0], $0xffff  }
0xfa: {  	v20 =	vor.u32 v12, v17;
	_ =	sdelay $0x3  }
0xfb: {  	[tilespmem:v19+s20+$0x0] =	vst.idx.msk $0xffff, v18  }
0xfc: {  	v19 =	vld.idx.msk [tilespmem:v20+s17+$0x0], $0xffff;
	v20 =	vor.u32 v13, v16  }
0xfd: {  	v17 =	vor.u32 v14, v17;
	_ =	sdelay $0x2  }
0xfe: {  	s6 =	simm.s32 $0x1  }
0xff: {  	s31 =	simm.s32 $0x2;
	v18 =	vadd.s32 s6, v0;
	[tilespmem:v20+s20+$0x0] =	vst.idx.msk $0xffff, v19  }
.LBB2_7:
0x100: {  	p1 =	sne.s32 s31, $0x1F;
	v18 =	vand.u32 $0x1F, v18;
	v17 =	vld.idx.msk [tilespmem:v17+s17+$0x0], $0xffff  }
0x101: {  	v20 =	vor.u32 v15, v16;
	v19 =	vshll.u32 v18, $0x7;
	v16 =	vmov v18  }
0x102: {  	v18 =	vor.u32 v0, v19;
	_ =	sdelay $0x3  }
0x103: {  	[tilespmem:v20+s20+$0x0] =	vst.idx.msk $0xffff, v17  }
0x104: {  	v17 =	vld.idx.msk [tilespmem:v18+s17+$0x0], $0xffff  }
0x105: {  	v18 =	vor.u32 v1, v16  }
0x106: {  	v20 =	vor.u32 v2, v19;
	_ =	sdelay $0x3  }
0x107: {  	[tilespmem:v18+s20+$0x0] =	vst.idx.msk $0xffff, v17  }
0x108: {  	v17 =	vld.idx.msk [tilespmem:v20+s17+$0x0], $0xffff  }
0x109: {  	v18 =	vor.u32 v3, v16  }
0x10a: {  	v20 =	vor.u32 v4, v19;
	_ =	sdelay $0x3  }
0x10b: {  	[tilespmem:v18+s20+$0x0] =	vst.idx.msk $0xffff, v17  }
0x10c: {  	v17 =	vld.idx.msk [tilespmem:v20+s17+$0x0], $0xffff  }
0x10d: {  	v18 =	vor.u32 v5, v16  }
0x10e: {  	v20 =	vor.u32 v6, v19;
	_ =	sdelay $0x3  }
0x10f: {  	[tilespmem:v18+s20+$0x0] =	vst.idx.msk $0xffff, v17  }
0x110: {  	v17 =	vld.idx.msk [tilespmem:v20+s17+$0x0], $0xffff  }
0x111: {  	v18 =	vor.u32 v7, v16  }
0x112: {  	v20 =	vor.u32 v8, v19;
	_ =	sdelay $0x3  }
0x113: {  	[tilespmem:v18+s20+$0x0] =	vst.idx.msk $0xffff, v17  }
0x114: {  	v17 =	vld.idx.msk [tilespmem:v20+s17+$0x0], $0xffff  }
0x115: {  	v18 =	vor.u32 v9, v16  }
0x116: {  	v20 =	vor.u32 v10, v19;
	_ =	sdelay $0x3  }
0x117: {  	[tilespmem:v18+s20+$0x0] =	vst.idx.msk $0xffff, v17  }
0x118: {  	v17 =	vld.idx.msk [tilespmem:v20+s17+$0x0], $0xffff  }
0x119: {  	v18 =	vor.u32 v11, v16  }
0x11a: {  	v20 =	vor.u32 v12, v19;
	_ =	sdelay $0x3  }
0x11b: {  	[tilespmem:v18+s20+$0x0] =	vst.idx.msk $0xffff, v17  }
0x11c: {  	v20 =	vld.idx.msk [tilespmem:v20+s17+$0x0], $0xffff  }
0x11d: {  	v21 =	vor.u32 v13, v16  }
.Ltmp4:
0x11e: {  	v17 =	vor.u32 v14, v19;
	(pc) =	sbr.rel @p1 .LBB2_7-.Ltmp4, $2  }
0x11f: {  	_ =	sdelay $0x2  }
0x120: {  	v18 =	vadd.s32 s31, v0;
	s31 =	sadd.s32 $0x1, s31;
	[tilespmem:v21+s20+$0x0] =	vst.idx.msk $0xffff, v20  }
0x121: {  	_ =	sdelay $0x2  }
0x122: {  	v18 =	vand.u32 $0x1F, v18  }
0x123: {  	v17 =	vld.idx.msk [tilespmem:v17+s17+$0x0], $0xffff;
	v16 =	vor.u32 v15, v16;
	v19 =	vshll.u32 v18, $0x7  }
0x124: {  	v20 =	vor.u32 v0, v19;
	_ =	sdelay $0x3  }
0x125: {  	[tilespmem:v16+s20+$0x0] =	vst.idx.msk $0xffff, v17  }
0x126: {  	v17 =	vor.u32 v1, v18;
	v16 =	vld.idx.msk [tilespmem:v20+s17+$0x0], $0xffff  }
0x127: {  	v20 =	vor.u32 v2, v19;
	_ =	sdelay $0x3  }
0x128: {  	[tilespmem:v17+s20+$0x0] =	vst.idx.msk $0xffff, v16  }
0x129: {  	v17 =	vor.u32 v3, v18;
	v16 =	vld.idx.msk [tilespmem:v20+s17+$0x0], $0xffff  }
0x12a: {  	v20 =	vor.u32 v4, v19;
	_ =	sdelay $0x3  }
0x12b: {  	[tilespmem:v17+s20+$0x0] =	vst.idx.msk $0xffff, v16  }
0x12c: {  	v17 =	vor.u32 v5, v18;
	v16 =	vld.idx.msk [tilespmem:v20+s17+$0x0], $0xffff  }
0x12d: {  	v20 =	vor.u32 v6, v19;
	_ =	sdelay $0x3  }
0x12e: {  	[tilespmem:v17+s20+$0x0] =	vst.idx.msk $0xffff, v16  }
0x12f: {  	v17 =	vor.u32 v7, v18;
	v16 =	vld.idx.msk [tilespmem:v20+s17+$0x0], $0xffff  }
0x130: {  	v20 =	vor.u32 v8, v19;
	_ =	sdelay $0x3  }
0x131: {  	[tilespmem:v17+s20+$0x0] =	vst.idx.msk $0xffff, v16  }
0x132: {  	v17 =	vor.u32 v9, v18;
	v16 =	vld.idx.msk [tilespmem:v20+s17+$0x0], $0xffff  }
0x133: {  	v20 =	vor.u32 v10, v19;
	_ =	sdelay $0x3  }
0x134: {  	[tilespmem:v17+s20+$0x0] =	vst.idx.msk $0xffff, v16  }
0x135: {  	v17 =	vor.u32 v11, v18;
	v16 =	vld.idx.msk [tilespmem:v20+s17+$0x0], $0xffff  }
0x136: {  	v20 =	vor.u32 v12, v19;
	_ =	sdelay $0x3  }
0x137: {  	[tilespmem:v17+s20+$0x0] =	vst.idx.msk $0xffff, v16  }
0x138: {  	v17 =	vor.u32 v13, v18;
	v16 =	vld.idx.msk [tilespmem:v20+s17+$0x0], $0xffff  }
0x139: {  	v19 =	vor.u32 v14, v19;
	_ =	sdelay $0x3  }
0x13a: {  	[tilespmem:v17+s20+$0x0] =	vst.idx.msk $0xffff, v16  }
0x13b: {  	v17 =	vor.u32 v15, v18;
	v16 =	vld.idx.msk [tilespmem:v19+s17+$0x0], $0xffff;
	_ =	sdelay $0x1  }
0x13c: {  	s0 =	sor.u32 $0x100, s30  }
0x13d: {  	s0 =	smin.u32 s0, $0xF4200  }
0x13e: {  	s0 =	sshll.u32 s0, $0x2  }
0x13f: {  	s0 =	sadd.s32 s5, s0;
	[tilespmem:v17+s20+$0x0] =	vst.idx.msk $0xffff, v16  }
0x140: {  	[hbm4b:s0+s2] =	stream.linear.scatter [tilespmem:s20], [sflag:$0x5], $0x1000, $0x38;
	[tilespmem:$0x6000] =	vst v63  }
0x141: {  	s1 =	simm.s32 $0x0;
	s6 =	simm.s32 @!p0 $0x400;
	s0 =	smin.u32 @!p0 s30, $0xF3F00  }
0x142: {  	s31 =	simm.s32 @!p0 $0x7A1400;
	v16 =	vadd.s32 s1, v0;
	s1 =	simm.s32 @!p0 $0x2000;
	s0 =	sadd.s32 @!p0 s0, s11  }
0x143: {  	v16 =	vand.u32 $0x1F, v16;
	[tilespmem:s1], [sflag:$0x3] =	stream.strided.gather @!p0 [hbm4b:s0+s6], $0x1000, s31, s6, $0x38;
	[tilespmem:$0x6000] =	vst v63  }
0x144: {  	v17 =	vshll.u32 v16, $0x7;
	_ =	swait.ge [sflag:s25], $0x1000  }
0x145: {  	v18 =	vor.u32 v0, v17;
	[sflag:s25] =	ssyncset.done $0x0  }
0x146: {  	[sflag:s25] =	ssyncadd.s32 $0xFFFFF000  }
0x147: {  	_ =	swait.ge [sflag:s26], $0x1000  }
0x148: {  	[sflag:s26] =	ssyncset.done $0x0  }
0x149: {  	[sflag:s26] =	ssyncadd.s32 $0xFFFFF000  }
0x14a: {  	v19 =	vor.u32 v1, v16;
	v18 =	vld.idx.msk [tilespmem:v18+s18+$0x0], $0xffff  }
0x14b: {  	v20 =	vor.u32 v2, v17;
	_ =	sdelay $0x3  }
0x14c: {  	[tilespmem:v19+s22+$0x0] =	vst.idx.msk $0xffff, v18  }
0x14d: {  	v19 =	vor.u32 v3, v16;
	v18 =	vld.idx.msk [tilespmem:v20+s18+$0x0], $0xffff  }
0x14e: {  	v20 =	vor.u32 v4, v17;
	_ =	sdelay $0x3  }
0x14f: {  	[tilespmem:v19+s22+$0x0] =	vst.idx.msk $0xffff, v18  }
0x150: {  	v19 =	vor.u32 v5, v16;
	v18 =	vld.idx.msk [tilespmem:v20+s18+$0x0], $0xffff  }
0x151: {  	v20 =	vor.u32 v6, v17;
	_ =	sdelay $0x3  }
0x152: {  	[tilespmem:v19+s22+$0x0] =	vst.idx.msk $0xffff, v18  }
0x153: {  	v19 =	vor.u32 v7, v16;
	v18 =	vld.idx.msk [tilespmem:v20+s18+$0x0], $0xffff  }
0x154: {  	v20 =	vor.u32 v8, v17;
	_ =	sdelay $0x3  }
0x155: {  	[tilespmem:v19+s22+$0x0] =	vst.idx.msk $0xffff, v18  }
0x156: {  	v19 =	vor.u32 v9, v16;
	v18 =	vld.idx.msk [tilespmem:v20+s18+$0x0], $0xffff  }
0x157: {  	v20 =	vor.u32 v10, v17;
	_ =	sdelay $0x3  }
0x158: {  	[tilespmem:v19+s22+$0x0] =	vst.idx.msk $0xffff, v18  }
0x159: {  	v19 =	vor.u32 v11, v16;
	v18 =	vld.idx.msk [tilespmem:v20+s18+$0x0], $0xffff  }
0x15a: {  	v20 =	vor.u32 v12, v17;
	_ =	sdelay $0x3  }
0x15b: {  	[tilespmem:v19+s22+$0x0] =	vst.idx.msk $0xffff, v18  }
0x15c: {  	v19 =	vld.idx.msk [tilespmem:v20+s18+$0x0], $0xffff;
	v20 =	vor.u32 v13, v16  }
0x15d: {  	v17 =	vor.u32 v14, v17;
	_ =	sdelay $0x2  }
0x15e: {  	s6 =	simm.s32 $0x1  }
0x15f: {  	s31 =	simm.s32 $0x2;
	v18 =	vadd.s32 s6, v0;
	[tilespmem:v20+s22+$0x0] =	vst.idx.msk $0xffff, v19  }
.LBB2_9:
0x160: {  	p1 =	sne.s32 s31, $0x1F;
	v18 =	vand.u32 $0x1F, v18;
	v17 =	vld.idx.msk [tilespmem:v17+s18+$0x0], $0xffff  }
0x161: {  	v20 =	vor.u32 v15, v16;
	v19 =	vshll.u32 v18, $0x7;
	v16 =	vmov v18  }
0x162: {  	v18 =	vor.u32 v0, v19;
	_ =	sdelay $0x3  }
0x163: {  	[tilespmem:v20+s22+$0x0] =	vst.idx.msk $0xffff, v17  }
0x164: {  	v17 =	vld.idx.msk [tilespmem:v18+s18+$0x0], $0xffff  }
0x165: {  	v18 =	vor.u32 v1, v16  }
0x166: {  	v20 =	vor.u32 v2, v19;
	_ =	sdelay $0x3  }
0x167: {  	[tilespmem:v18+s22+$0x0] =	vst.idx.msk $0xffff, v17  }
0x168: {  	v17 =	vld.idx.msk [tilespmem:v20+s18+$0x0], $0xffff  }
0x169: {  	v18 =	vor.u32 v3, v16  }
0x16a: {  	v20 =	vor.u32 v4, v19;
	_ =	sdelay $0x3  }
0x16b: {  	[tilespmem:v18+s22+$0x0] =	vst.idx.msk $0xffff, v17  }
0x16c: {  	v17 =	vld.idx.msk [tilespmem:v20+s18+$0x0], $0xffff  }
0x16d: {  	v18 =	vor.u32 v5, v16  }
0x16e: {  	v20 =	vor.u32 v6, v19;
	_ =	sdelay $0x3  }
0x16f: {  	[tilespmem:v18+s22+$0x0] =	vst.idx.msk $0xffff, v17  }
0x170: {  	v17 =	vld.idx.msk [tilespmem:v20+s18+$0x0], $0xffff  }
0x171: {  	v18 =	vor.u32 v7, v16  }
0x172: {  	v20 =	vor.u32 v8, v19;
	_ =	sdelay $0x3  }
0x173: {  	[tilespmem:v18+s22+$0x0] =	vst.idx.msk $0xffff, v17  }
0x174: {  	v17 =	vld.idx.msk [tilespmem:v20+s18+$0x0], $0xffff  }
0x175: {  	v18 =	vor.u32 v9, v16  }
0x176: {  	v20 =	vor.u32 v10, v19;
	_ =	sdelay $0x3  }
0x177: {  	[tilespmem:v18+s22+$0x0] =	vst.idx.msk $0xffff, v17  }
0x178: {  	v17 =	vld.idx.msk [tilespmem:v20+s18+$0x0], $0xffff  }
0x179: {  	v18 =	vor.u32 v11, v16  }
0x17a: {  	v20 =	vor.u32 v12, v19;
	_ =	sdelay $0x3  }
0x17b: {  	[tilespmem:v18+s22+$0x0] =	vst.idx.msk $0xffff, v17  }
0x17c: {  	v20 =	vld.idx.msk [tilespmem:v20+s18+$0x0], $0xffff  }
0x17d: {  	v21 =	vor.u32 v13, v16  }
.Ltmp5:
0x17e: {  	v17 =	vor.u32 v14, v19;
	(pc) =	sbr.rel @p1 .LBB2_9-.Ltmp5, $2  }
0x17f: {  	_ =	sdelay $0x2  }
0x180: {  	v18 =	vadd.s32 s31, v0;
	s31 =	sadd.s32 $0x1, s31;
	[tilespmem:v21+s22+$0x0] =	vst.idx.msk $0xffff, v20  }
0x181: {  	_ =	sdelay $0x2  }
0x182: {  	v18 =	vand.u32 $0x1F, v18  }
0x183: {  	v17 =	vld.idx.msk [tilespmem:v17+s18+$0x0], $0xffff;
	v16 =	vor.u32 v15, v16;
	v19 =	vshll.u32 v18, $0x7  }
0x184: {  	v20 =	vor.u32 v0, v19;
	_ =	sdelay $0x3  }
0x185: {  	[tilespmem:v16+s22+$0x0] =	vst.idx.msk $0xffff, v17  }
0x186: {  	v17 =	vor.u32 v1, v18;
	v16 =	vld.idx.msk [tilespmem:v20+s18+$0x0], $0xffff  }
0x187: {  	v58 =	vor.u32 v2, v19;
	_ =	sdelay $0x3  }
0x188: {  	[tilespmem:v17+s22+$0x0] =	vst.idx.msk $0xffff, v16  }
0x189: {  	v17 =	vor.u32 v3, v18;
	v16 =	vld.idx.msk [tilespmem:v58+s18+$0x0], $0xffff  }
0x18a: {  	v59 =	vor.u32 v4, v19;
	_ =	sdelay $0x3  }
0x18b: {  	[tilespmem:v17+s22+$0x0] =	vst.idx.msk $0xffff, v16  }
0x18c: {  	v17 =	vor.u32 v5, v18;
	v16 =	vld.idx.msk [tilespmem:v59+s18+$0x0], $0xffff  }
0x18d: {  	v60 =	vor.u32 v6, v19;
	_ =	sdelay $0x3  }
0x18e: {  	[tilespmem:v17+s22+$0x0] =	vst.idx.msk $0xffff, v16  }
0x18f: {  	v17 =	vor.u32 v7, v18;
	v16 =	vld.idx.msk [tilespmem:v60+s18+$0x0], $0xffff  }
0x190: {  	v61 =	vor.u32 v8, v19;
	_ =	sdelay $0x3  }
0x191: {  	[tilespmem:v17+s22+$0x0] =	vst.idx.msk $0xffff, v16  }
0x192: {  	v17 =	vor.u32 v9, v18;
	v16 =	vld.idx.msk [tilespmem:v61+s18+$0x0], $0xffff  }
0x193: {  	v62 =	vor.u32 v10, v19;
	_ =	sdelay $0x3  }
0x194: {  	[tilespmem:v17+s22+$0x0] =	vst.idx.msk $0xffff, v16  }
0x195: {  	v17 =	vor.u32 v11, v18;
	v16 =	vld.idx.msk [tilespmem:v62+s18+$0x0], $0xffff  }
0x196: {  	v63 =	vor.u32 v12, v19;
	_ =	sdelay $0x3  }
0x197: {  	[tilespmem:v17+s22+$0x0] =	vst.idx.msk $0xffff, v16  }
0x198: {  	v17 =	vor.u32 v13, v18;
	v16 =	vld.idx.msk [tilespmem:v63+s18+$0x0], $0xffff  }
0x199: {  	v19 =	vor.u32 v14, v19;
	_ =	sdelay $0x3  }
0x19a: {  	[tilespmem:v17+s22+$0x0] =	vst.idx.msk $0xffff, v16  }
0x19b: {  	v17 =	vor.u32 v15, v18;
	v16 =	vld.idx.msk [tilespmem:v19+s18+$0x0], $0xffff;
	_ =	sdelay $0x1  }
.Ltmp6:
0x19c: {  	s0 =	sor.u32 $0x180, s30;
	(pc) =	sbr.rel @p0 .LBB2_12-.Ltmp6, $4  }
0x19d: {  	s0 =	smin.u32 s0, $0xF4200  }
0x19e: {  	s0 =	sshll.u32 s0, $0x2  }
0x19f: {  	s0 =	sadd.s32 s5, s0;
	[tilespmem:v17+s22+$0x0] =	vst.idx.msk $0xffff, v16  }
0x1a0: {  	[hbm4b:s0+s2] =	stream.linear.scatter [tilespmem:s22], [sflag:$0x6], $0x1000, $0x38;
	[tilespmem:$0x6000] =	vst v63  }
.Ltmp7:
0x1a1: {  	(pc) =	sbr.rel .LBB2_2-.Ltmp7, $4  }
0x1a2: {  	_ = 	snop  }
0x1a3: {  	s0 =	smin.u32 s30, $0xF3E80  }
0x1a4: {  	s29 =	sadd.s32 $0x1, s29;
	s0 =	sadd.s32 s0, s12  }
0x1a5: {  	[tilespmem:s18], [sflag:$0x4] =	stream.strided.gather [hbm4b:s0+s14], $0x1000, s15, s14, $0x38;
	[tilespmem:$0x6000] =	vst v63  }
.LBB2_13:
0x1a6: {  	_ =	sfence.sel $0x180000  }
0x1a7: {  	[bflag:$0x0] =	sbarrier.arrive $0xFFFF  }
0x1a8: {  	_ =	strace $0x90000047  }
0x1a9: {  	s0 =	stileid.u32;
	[bflag:$0x2] =	sbarrier.arrive $0xFFFF  }
0x1aa: {  	p0 =	sne.s32 s0, $0x0;
	s0 =	rddreg [dreg:$0x2]  }
0x1ab: {  	s0 =	sadd.s32 @!p0 $0x100000, s0  }
0x1ac: {  	[sflag:s0] =	ssyncadd.tile.s32 @!p0 $0x1;
	_ =	shalt  }
.Lfunc_end2:
_tile_overlayer_lowered:
.L_overlay_start_2:
0x1ad: {  	(tag) =	ssettag $0x2  }
0x1ae: {  	s0 =	rddreg [dreg:$0x0];
	s2 =	stileid.u32  }
0x1af: {  	s1 =	rddreg [dreg:$0x1];
	p0 =	sne.s32 s2, $0x0  }
0x1b0: {  	s3 =	rddreg [dreg:$0x2];
	[bflag:$0x3] =	sbarrier.arrive $0xFFFF;
	s2 =	simm.s32 @!p0 $0x1C07  }
0x1b1: {  	[timem:s3], [sflag:s2] =	dma.local @!p0 [hbm:s0], s1  }
0x1b2: {  	s0 =	simm.s32 @!p0 $0x7  }
0x1b3: {  	_ =	swait.ge @!p0 [sflag:s0], s1  }
0x1b4: {  	s1 =	ssub.s32 @!p0 $0x0, s1;
	[sflag:s0] =	ssyncset.done @!p0 $0x0  }
0x1b5: {  	[sflag:s0] =	ssyncadd.s32 @!p0 s1  }
0x1b6: {  	[bflag:$0x3] =	sbarrier.arrive $0xFFFF  }
0x1b7: {  	_ =	shalt  }

// kernel: kernel.7.cloned.1.call-start
scs
__scs_entry_jumppad:
0x0: {  	(pc) =	sbr.rel $0x88, $3  }
0x1: {  	(tag) =	ssettag $0x0;
	lr =	simm.s32 $0x1  }
0x2: {  	[smem:$0x3F9F] =	sst lr;
	_ =	strace $0xD0000000  }
0x3: {  	_ = 	snop  }
0x4: {  	_ = 	snop  }
0x5: {  	_ = 	snop  }
0x6: {  	_ = 	snop  }
0x7: {  	_ = 	snop  }
__scs_overlays_trampoline_lowered:
0x8: {  	[smem:$0x3FAE] =	sst s0  }
0x9: {  	[smem:$0x3FAF] =	sst s1  }
0xa: {  	[smem:$0x3FB0] =	sst s2  }
0xb: {  	[smem:$0x3FB1] =	sst s3  }
0xc: {  	[smem:$0x3FB2] =	sst s4  }
0xd: {  	[smem:$0x3FB3] =	sst s5  }
0xe: {  	[smem:$0x3FB4] =	sst s6  }
0xf: {  	[smem:$0x3FB5] =	sst s7  }
0x10: {  	[smem:$0x3FB6] =	sst s8  }
0x11: {  	[smem:$0x3FB7] =	sst s9;
	s0 =	simm.s32 @!p0 $0x0  }
0x12: {  	s1 =	sld [smem:$0x3F9D];
	s0 =	simm.s32 @p0 $0x1  }
0x13: {  	[smem:$0x3FB8] =	sst s0;
	s0 =	simm.s32 @!p1 $0x0  }
0x14: {  	s2 =	sld [smem:$0x3F9C];
	s0 =	simm.s32 @p1 $0x1  }
0x15: {  	[smem:$0x3FB9] =	sst s0;
	s0 =	simm.s32 @!p2 $0x0  }
0x16: {  	s3 =	sld [smem:$0x3FDB];
	s0 =	simm.s32 @p2 $0x1  }
0x17: {  	s4 =	simm.s32 $0x1BF5;
	[smem:$0x3FBB] =	sst s0  }
0x18: {  	s0 =	sld [smem:$0x3F9E];
	_ =	swait.ge [sflag:s4], $0x0  }
0x19: {  	s7 =	sld [smem:$0x3F9F]  }
0x1a: {  	s8 =	sadd.s32 $0xFFFFE003, lr  }
0x1b: {  	s9 =	sadd.s32 $0xFFFFFEF7, lr;
	s5 =	simm.s32 $0xFFFFFFFF;
	p2 =	slt.u32 s8, $0xFFFFF086  }
0x1c: {  	p1 =	slt.u32 s9, $0xF7A;
	s5 =	simm.s32 @!p2 $0x0  }
0x1d: {  	s5 =	simm.s32 @p1 $0x1;
	p0 =	seq.s32 s7, s2  }
0x1e: {  	s7 =	smul.u32 @!p0 $0xF7A, s2;
	p2 =	seq.s32 @!p0 s5, $0x0  }
0x1f: {  	s9 =	smul.u32 $0xF7A, s1;
	s8 =	simm.s32 @!p0 $0x1BF5;
	p2 =	por !p2, p0  }
0x20: {  	[sflag:s8] =	ssyncset.s32 @!p0 $0xFFFFF086;
	s6 =	sadd.s32 @!p0 s3, s7;
	s7 =	simm.s32 @!p0 $0x108  }
0x21: {  	s3 =	sadd.s32 s3, s9;
	s6 =	sadd.s32 @!p0 $0x88, s6;
	s7 =	simm.s32 @p2 $0x1082  }
0x22: {  	[simem:s7], [sflag:s8] =	dma.local @!p0 [hbm:s6], $0xF7A  }
0x23: {  	s9 =	sor.u32 $0xD0000000, s2;
	s6 =	simm.s32 $0x108;
	_ =	swait.ge @!p0 [sflag:s8], $0x0  }
0x24: {  	s3 =	sadd.s32 $0x88, s3;
	s6 =	simm.s32 @!p1 $0x1082;
	[sflag:s4] =	ssyncset.s32 $0xFFFFF086  }
0x25: {  	[simem:s6], [sflag:s4] =	dma.local [hbm:s3], $0xF7A  }
0x26: {  	[smem:$0x3F9F] =	sst s1;
	(tag) =	ssettag s2;
	_ =	strace s9  }
0x27: {  	s1 =	sld [smem:$0x3FAF]  }
0x28: {  	s2 =	sld [smem:$0x3FB0]  }
0x29: {  	s4 =	sld [smem:$0x3FB2]  }
0x2a: {  	p0 =	seq.s32 s5, $0x0;
	s5 =	sld [smem:$0x3FB3]  }
0x2b: {  	s6 =	sld [smem:$0x3FB4]  }
0x2c: {  	s7 =	sld [smem:$0x3FB5]  }
0x2d: {  	s3 =	simm.s32 $0x108;
	s8 =	sld [smem:$0x3FB6]  }
0x2e: {  	s3 =	simm.s32 @!p0 $0x1082;
	s9 =	sld [smem:$0x3FB7]  }
0x2f: {  	lr =	sadd.s32 s0, s3;
	s0 =	sld [smem:$0x3FAE]  }
0x30: {  	s3 =	sld [smem:$0x3FB1]  }
0x31: {  	[smem:$0x3FBA] =	sst s10  }
0x32: {  	s10 =	sld [smem:$0x3FB8];
	_ =	sdelay $0x3  }
0x33: {  	p0 =	seq.s32 s10, $0x1;
	s10 =	sld [smem:$0x3FBA];
	_ =	sdelay $0x3  }
0x34: {  	[smem:$0x3FBA] =	sst s10  }
0x35: {  	s10 =	sld [smem:$0x3FB9];
	_ =	sdelay $0x3  }
0x36: {  	p1 =	seq.s32 s10, $0x1;
	s10 =	sld [smem:$0x3FBA];
	_ =	sdelay $0x3  }
0x37: {  	[smem:$0x3FBA] =	sst s10  }
0x38: {  	s10 =	sld [smem:$0x3FBB]  }
0x39: {  	_ = 	snop;
	(pc) =	sbr.ind lr, $3  }
0x3a: {  	_ = 	snop  }
0x3b: {  	_ = 	snop  }
0x3c: {  	p2 =	seq.s32 s10, $0x1;
	s10 =	sld [smem:$0x3FBA]  }
0x3d: {  	_ =	shalt  }
0x3e: {  	_ =	shalt  }
0x3f: {  	_ =	shalt  }
0x40: {  	_ =	shalt  }
0x41: {  	_ =	shalt  }
0x42: {  	_ =	shalt  }
0x43: {  	_ =	shalt  }
0x44: {  	_ =	shalt  }
0x45: {  	_ =	shalt  }
0x46: {  	_ =	shalt  }
0x47: {  	_ =	shalt  }
0x48: {  	_ =	shalt  }
0x49: {  	_ =	shalt  }
0x4a: {  	_ =	shalt  }
0x4b: {  	_ =	shalt  }
0x4c: {  	_ =	shalt  }
0x4d: {  	_ =	shalt  }
0x4e: {  	_ =	shalt  }
0x4f: {  	_ =	shalt  }
0x50: {  	_ =	shalt  }
0x51: {  	_ =	shalt  }
0x52: {  	_ =	shalt  }
0x53: {  	_ =	shalt  }
0x54: {  	_ =	shalt  }
0x55: {  	_ =	shalt  }
0x56: {  	_ =	shalt  }
0x57: {  	_ =	shalt  }
0x58: {  	_ =	shalt  }
0x59: {  	_ =	shalt  }
0x5a: {  	_ =	shalt  }
0x5b: {  	_ =	shalt  }
0x5c: {  	_ =	shalt  }
0x5d: {  	_ =	shalt  }
0x5e: {  	_ =	shalt  }
0x5f: {  	_ =	shalt  }
0x60: {  	_ =	shalt  }
0x61: {  	_ =	shalt  }
0x62: {  	_ =	shalt  }
0x63: {  	_ =	shalt  }
0x64: {  	_ =	shalt  }
0x65: {  	_ =	shalt  }
0x66: {  	_ =	shalt  }
0x67: {  	_ =	shalt  }
0x68: {  	_ =	shalt  }
0x69: {  	_ =	shalt  }
0x6a: {  	_ =	shalt  }
0x6b: {  	_ =	shalt  }
0x6c: {  	_ =	shalt  }
0x6d: {  	_ =	shalt  }
0x6e: {  	_ =	shalt  }
0x6f: {  	_ =	shalt  }
0x70: {  	_ =	shalt  }
0x71: {  	_ =	shalt  }
0x72: {  	_ =	shalt  }
0x73: {  	_ =	shalt  }
0x74: {  	_ =	shalt  }
0x75: {  	_ =	shalt  }
0x76: {  	_ =	shalt  }
0x77: {  	_ =	shalt  }
0x78: {  	_ =	shalt  }
0x79: {  	_ =	shalt  }
0x7a: {  	_ =	shalt  }
0x7b: {  	_ =	shalt  }
0x7c: {  	_ =	shalt  }
0x7d: {  	_ =	shalt  }
0x7e: {  	_ =	shalt  }
0x7f: {  	_ =	shalt  }
0x80: {  	_ =	shalt  }
0x81: {  	_ =	shalt  }
0x82: {  	_ =	shalt  }
0x83: {  	_ =	shalt  }
0x84: {  	_ =	shalt  }
0x85: {  	_ =	shalt  }
0x86: {  	_ =	shalt  }
0x87: {  	_ =	shalt  }
.Lfunc_end0:
.L_simem_size_0:
called_computation.1_lowered:
.L_overlay_start_0:
0x88: {  	s2 =	sld [smem:$0x3FD9]  }
0x89: {  	s3 =	sld [smem:$0x3FFE];
	_ =	sdelay $0x1  }
0x8a: {  	s1 =	srdreg.scid  }
0x8b: {  	s0 =	sand.u32 $0x1, s1  }
0x8c: {  	s17 =	sshll.u32 s0, $0xA;
	s2 =	sadd.s32 s3, s2  }
0x8d: {  	s2 =	sadd.s32 s2, s17  }
0x8e: {  	[smem:$0x3FC6] =	sst s2  }
0x8f: {  	_ = 	snop  }
0x90: {  	s2 =	sld [smem:$0x3FD0];
	(tm) =	ssettm $0x1  }
0x91: {  	s18 =	sld [smem:$0x3FFB];
	_ =	sdelay $0x3  }
0x92: {  	_ =	strace s18  }
0x93: {  	s3 =	sld [smem:$0x3FFC];
	_ =	sdelay $0x3  }
0x94: {  	_ =	strace s3  }
0x95: {  	s3 =	sld [smem:$0x3FFD];
	_ =	sdelay $0x3  }
0x96: {  	_ =	strace s3  }
0x97: {  	_ =	strace $0x8FFFFFFF  }
0x98: {  	s19 =	sld [smem:$0x3FDB];
	_ =	sdelay $0x1  }
0x99: {  	s4 =	simm.s32 $_scs_section_size  }
0x9a: {  	s5 =	simm.s32 $_size__tile_overlayer_lowered;
	s6 =	simm.s32 $_tile_overlayer_lowered  }
0x9b: {  	s22 =	simm.s32 $0x1BFF;
	s21 =	sshll.u32 s6, $0x1;
	s3 =	sadd.s32 s4, s19  }
0x9c: {  	s7 =	simm.s32 $0x0;
	s20 =	sshll.u32 s5, $0x1;
	s5 =	sadd.s32 s21, s3  }
0x9d: {  	[timem:s7], [sflag:s22] =	dma.local [hbm:s5], s20  }
0x9e: {  	_ =	swait.ge [sflag:s22], s20  }
0x9f: {  	s4 =	ssub.s32 $0x0, s20;
	[sflag:s22] =	ssyncset.done $0x0  }
0xa0: {  	[sflag:s22] =	ssyncadd.s32 s4;
	_ =	sdelay $0x1  }
0xa1: {  	s23 =	simm.s32 $0x1B8B  }
0xa2: {  	_ =	swait.ge [sflag:s23], $0x1  }
0xa3: {  	[sflag:s23] =	ssyncset.done $0x0  }
0xa4: {  	s25 =	simm.s32 $0x1B8E;
	s24 =	sld [smem:$0x3FFE];
	[sflag:s23] =	ssyncadd.s32 $0xFFFFFFFF  }
0xa5: {  	s26 =	simm.s32 $execute0_lowered;
	[smem:$0x3FD2] =	sst s25  }
0xa6: {  	s5 =	sshll.u32 s26, $0x1;
	_ =	strace $0x80000049;
	[dreg:$0x1] =	wrdreg $0xFFFFFFFF  }
0xa7: {  	s28 =	simm.s32 $_size_execute0_lowered;
	s3 =	sadd.s32 s3, s5;
	[dreg:$0x0] =	wrdreg $0x0  }
0xa8: {  	s5 =	sshll.u32 s28, $0x1;
	[dreg:$0x2] =	wrdreg s3  }
0xa9: {  	[dreg:$0x3] =	wrdreg s5  }
0xaa: {  	[dreg:$0x4] =	wrdreg $0xC0  }
0xab: {  	_ =	task [dreg:s7], $0x5FFFF  }
0xac: {  	[dreg:$0x1] =	wrdreg $0xFFFFFFFF  }
0xad: {  	[dreg:$0x0] =	wrdreg $0x60  }
0xae: {  	[dreg:$0x2] =	wrdreg s24  }
0xaf: {  	[dreg:$0x3] =	wrdreg s2  }
0xb0: {  	[dreg:$0x4] =	wrdreg $0x9  }
0xb1: {  	_ =	task.clear_ibuf [dreg:s7], $0x5FFFF;
	_ =	strace $0x90000049  }
0xb2: {  	s29 =	simm.s32 $0x9;
	_ =	strace $0x8000004B  }
0xb3: {  	_ =	swait.ge [sflag:s29], $0x1  }
0xb4: {  	[sflag:s29] =	ssyncadd.s32 $0xFFFFFFFF  }
0xb5: {  	_ =	strace $0x9000004B  }
0xb6: {  	_ =	sfence  }
0xb7: {  	s30 =	sld [smem:$0x0];
	_ =	sdelay $0x2  }
0xb8: {  	s31 =	sshll.u32 s1, $0xD;
	s1 =	sshrl.u32 s1, $0x2  }
0xb9: {  	s3 =	sand.u32 $0x4000, s31;
	s1 =	sadd.s32 s1, s30  }
0xba: {  	s0 =	sor.u32 s3, s0;
	s1 =	sshll.u32 s1, $0x11  }
0xbb: {  	s0 =	sor.u32 s1, s0  }
0xbc: {  	s0 =	sadd.s32 $0x8F2B, s0  }
0xbd: {  	[sflag:s0] =	ssyncadd.remote.s32 $0x1  }
0xbe: {  	_ =	sfence.sel $0xFFFF  }
0xbf: {  	[dreg:$0x0] =	wrdreg $0xFFFFFFFF;
	(pc) =	sbr.abs _section_cstart, $3  }
0xc0: {  	[dreg:$0x1] =	wrdreg $0xFFFFFFFF  }
0xc1: {  	_ =	task.clear_ibuf [dreg:s7], $0x2FFFF;
	_ =	strace $0x9FFFFFFF  }
0xc2: {  	(tm) =	ssettm $0x7FFFFFFF  }
0xc3: {  	_ =	shalt  }
tec
execute0_lowered:
.L_overlay_start_1:
0x0: {  	(tag) =	ssettag $0x1  }
0x1: {  	s1 =	srdreg.scid;
	s4 =	rddreg [dreg:$0x0]  }
0x2: {  	s0 =	stileid.u32;
	s2 =	rddreg [dreg:$0x1];
	s8 =	simm.s32 $0x7  }
0x3: {  	s9 =	simm.s32 $0x80;
	s10 =	simm.s32 $0x3400;
	s11 =	simm.s32 $0x4400  }
0x4: {  	s13 =	simm.s32 $0x5400;
	s14 =	simm.s32 $0x180;
	s15 =	simm.s32 $0x6400  }
0x5: {  	s16 =	simm.s32 $0x1;
	s17 =	simm.s32 $0x7400;
	s18 =	simm.s32 $0x400  }
0x6: {  	s19 =	simm.s32 $0x20000;
	s20 =	simm.s32 $0x2;
	s21 =	simm.s32 $0x8400  }
0x7: {  	s22 =	simm.s32 $0x5;
	s23 =	simm.s32 $0x3;
	s24 =	simm.s32 $0x6  }
0x8: {  	v0 =	vlaneseq.u32;
	s25 =	simm.s32 $0x4;
	s1 =	sand.u32 $0x1, s1;
	s3 =	sshll.u32 s0, $0x1  }
.Ltmp0:
0x9: {  	s26 =	simm.s32 $0x0;
	v1 =	vmul.u32 $0x20, v0;
	v3 =	vor.u32 $0x10, v0;
	v5 =	vor.u32 $0x20, v0;
	s5 =	sor.u32 s1, s3;
	(pc) =	sbr.rel .LBB2_1-.Ltmp0, $4  }
0xa: {  	v7 =	vor.u32 $0x30, v0;
	v9 =	vor.u32 $0x40, v0;
	v11 =	vor.u32 $0x50, v0;
	s3 =	simm.s32 $0x0;
	s1 =	ssub.s32 $0x2, s1;
	s6 =	smul.u32 $0x680, s5  }
0xb: {  	v13 =	vor.u32 $0x60, v0;
	v15 =	vor.u32 $0x70, v0;
	[smem:$0x7FF] =	sst s3;
	s7 =	sshrl.u32 s1, $0x1;
	s5 =	smul.u32 $0x68, s5;
	v2 =	vor.u32 $0x200, v1  }
0xc: {  	v4 =	vor.u32 $0x400, v1;
	v6 =	vor.u32 $0x600, v1;
	v8 =	vor.u32 $0x800, v1;
	_ =	strace $0x8000004A;
	s1 =	ssub.s32 s1, s7;
	s6 =	sadd.s32 s6, s4  }
0xd: {  	v10 =	vor.u32 $0xA00, v1;
	v12 =	vor.u32 $0xC00, v1;
	v14 =	vor.u32 $0xE00, v1;
	s4 =	sadd.s32 $0xA00, s4;
	s7 =	smax.u32 s1, $0x1;
	s6 =	sadd.s32 $0x3D1400, s6  }
.LBB2_12:
0xe: {  	s26 =	sadd.s32 $0x1, s26  }
0xf: {  	_ =	swait.ge [sflag:s22], $0x1000;
	p0 =	sne.s32 s26, s7  }
.Ltmp1:
0x10: {  	[sflag:s22] =	ssyncset.done $0x0;
	(pc) =	sbr.rel @!p0 .LBB2_13-.Ltmp1, $4  }
0x11: {  	[sflag:s22] =	ssyncadd.s32 $0xFFFFF000  }
0x12: {  	_ =	swait.ge [sflag:s24], $0x1000  }
0x13: {  	[sflag:s24] =	ssyncset.done $0x0  }
0x14: {  	[sflag:s24] =	ssyncadd.s32 $0xFFFFF000  }
.LBB2_1:
0x15: {  	[tilespmem:s3], [sflag:$0x7] =	stream.linear.gather [hbm4b:s6+s3], $0x3400, $0x38;
	[tilespmem:$0x9400] =	vst v63  }
0x16: {  	_ =	swait.ge [sflag:s8], $0x3400  }
0x17: {  	[sflag:s8] =	ssyncset.done $0x0  }
0x18: {  	[sflag:s8] =	ssyncadd.s32 $0xFFFFCC00  }
0x19: {  	[tilespmem:s10], [sflag:$0x1] =	stream.indirect.gather [hbm4b:s4+s9], $0x20, s3, s9, $0xb8;
	[tilespmem:$0x9400] =	vst v63  }
0x1a: {  	_ = 	snop  }
0x1b: {  	[tilespmem:s11], [sflag:$0x2] =	stream.indirect.gather [hbm4b:s4+s9], $0x20, s9, s9, $0xb8;
	[tilespmem:$0x9400] =	vst v63  }
0x1c: {  	s0 =	simm.s32 $0x100  }
0x1d: {  	[tilespmem:s13], [sflag:$0x3] =	stream.indirect.gather [hbm4b:s4+s9], $0x20, s0, s9, $0xb8;
	[tilespmem:$0x9400] =	vst v63  }
0x1e: {  	s28 =	simm.s32 $0x0  }
0x1f: {  	[tilespmem:s15], [sflag:$0x4] =	stream.indirect.gather [hbm4b:s4+s9], $0x20, s14, s9, $0xb8;
	[tilespmem:$0x9400] =	vst v63  }
.LBB2_2:
0x20: {  	p0 =	seq.s32 s28, $0x0;
	s1 =	simm.s32 $0x0  }
0x21: {  	s29 =	simm.s32 @!p0 $0x5;
	v16 =	vadd.s32 s1, v0  }
0x22: {  	_ =	swait.ge @!p0 [sflag:s29], $0x1000;
	v17 =	vand.u32 $0x1F, v16  }
0x23: {  	[sflag:s29] =	ssyncset.done @!p0 $0x0;
	v18 =	vor.u32 v1, v17  }
0x24: {  	[sflag:s29] =	ssyncadd.s32 @!p0 $0xFFFFF000  }
0x25: {  	_ =	swait.ge [sflag:s16], $0x1000  }
0x26: {  	v16 =	vshll.u32 v16, $0x7;
	[sflag:s16] =	ssyncset.done $0x0  }
0x27: {  	v16 =	vand.u32 $0xF80, v16;
	[sflag:s16] =	ssyncadd.s32 $0xFFFFF000  }
0x28: {  	v19 =	vor.u32 v0, v16;
	v18 =	vld.idx.msk [tilespmem:v18+s10+$0x0], $0xffff  }
0x29: {  	v20 =	vor.u32 v2, v17;
	_ =	sdelay $0x3  }
0x2a: {  	[tilespmem:v19+s17+$0x0] =	vst.idx.msk $0xffff, v18  }
0x2b: {  	v19 =	vor.u32 v3, v16;
	v18 =	vld.idx.msk [tilespmem:v20+s10+$0x0], $0xffff  }
0x2c: {  	v20 =	vor.u32 v4, v17;
	_ =	sdelay $0x3  }
0x2d: {  	[tilespmem:v19+s17+$0x0] =	vst.idx.msk $0xffff, v18  }
0x2e: {  	v19 =	vor.u32 v5, v16;
	v18 =	vld.idx.msk [tilespmem:v20+s10+$0x0], $0xffff  }
0x2f: {  	v20 =	vor.u32 v6, v17;
	_ =	sdelay $0x3  }
0x30: {  	[tilespmem:v19+s17+$0x0] =	vst.idx.msk $0xffff, v18  }
0x31: {  	v19 =	vor.u32 v7, v16;
	v18 =	vld.idx.msk [tilespmem:v20+s10+$0x0], $0xffff  }
0x32: {  	v20 =	vor.u32 v8, v17;
	_ =	sdelay $0x3  }
0x33: {  	[tilespmem:v19+s17+$0x0] =	vst.idx.msk $0xffff, v18  }
0x34: {  	v19 =	vor.u32 v9, v16;
	v18 =	vld.idx.msk [tilespmem:v20+s10+$0x0], $0xffff  }
0x35: {  	v20 =	vor.u32 v10, v17;
	_ =	sdelay $0x3  }
0x36: {  	[tilespmem:v19+s17+$0x0] =	vst.idx.msk $0xffff, v18  }
0x37: {  	v19 =	vor.u32 v11, v16;
	v18 =	vld.idx.msk [tilespmem:v20+s10+$0x0], $0xffff  }
0x38: {  	v20 =	vor.u32 v12, v17;
	_ =	sdelay $0x3  }
0x39: {  	[tilespmem:v19+s17+$0x0] =	vst.idx.msk $0xffff, v18  }
0x3a: {  	v19 =	vor.u32 v13, v16;
	v18 =	vld.idx.msk [tilespmem:v20+s10+$0x0], $0xffff  }
0x3b: {  	v20 =	vor.u32 v14, v17;
	_ =	sdelay $0x3  }
0x3c: {  	s31 =	sshll.u32 s28, $0x2;
	s30 =	simm.s32 $0x1;
	[tilespmem:v19+s17+$0x0] =	vst.idx.msk $0xffff, v18  }
0x3d: {  	s29 =	sadd.s32 s5, s31;
	v17 =	vadd.s32 s30, v0;
	s30 =	simm.s32 $0x2;
	v18 =	vld.idx.msk [tilespmem:v20+s10+$0x0], $0xffff  }
.LBB2_3:
0x3e: {  	p0 =	sne.s32 s30, $0x1F;
	v19 =	vand.u32 $0x1F, v17;
	v16 =	vor.u32 v15, v16  }
0x3f: {  	v20 =	vor.u32 v1, v19;
	_ =	sdelay $0x3  }
0x40: {  	v17 =	vshll.u32 v17, $0x7;
	[tilespmem:v16+s17+$0x0] =	vst.idx.msk $0xffff, v18  }
0x41: {  	v16 =	vand.u32 $0xF80, v17;
	v18 =	vld.idx.msk [tilespmem:v20+s10+$0x0], $0xffff  }
0x42: {  	v17 =	vor.u32 v0, v16  }
0x43: {  	v20 =	vor.u32 v2, v19;
	_ =	sdelay $0x3  }
0x44: {  	[tilespmem:v17+s17+$0x0] =	vst.idx.msk $0xffff, v18  }
0x45: {  	v17 =	vld.idx.msk [tilespmem:v20+s10+$0x0], $0xffff  }
0x46: {  	v18 =	vor.u32 v3, v16  }
0x47: {  	v20 =	vor.u32 v4, v19;
	_ =	sdelay $0x3  }
0x48: {  	[tilespmem:v18+s17+$0x0] =	vst.idx.msk $0xffff, v17  }
0x49: {  	v17 =	vld.idx.msk [tilespmem:v20+s10+$0x0], $0xffff  }
0x4a: {  	v18 =	vor.u32 v5, v16  }
0x4b: {  	v20 =	vor.u32 v6, v19;
	_ =	sdelay $0x3  }
0x4c: {  	[tilespmem:v18+s17+$0x0] =	vst.idx.msk $0xffff, v17  }
0x4d: {  	v17 =	vld.idx.msk [tilespmem:v20+s10+$0x0], $0xffff  }
0x4e: {  	v18 =	vor.u32 v7, v16  }
0x4f: {  	v20 =	vor.u32 v8, v19;
	_ =	sdelay $0x3  }
0x50: {  	[tilespmem:v18+s17+$0x0] =	vst.idx.msk $0xffff, v17  }
0x51: {  	v17 =	vld.idx.msk [tilespmem:v20+s10+$0x0], $0xffff  }
0x52: {  	v18 =	vor.u32 v9, v16  }
0x53: {  	v20 =	vor.u32 v10, v19;
	_ =	sdelay $0x3  }
0x54: {  	[tilespmem:v18+s17+$0x0] =	vst.idx.msk $0xffff, v17  }
0x55: {  	v17 =	vld.idx.msk [tilespmem:v20+s10+$0x0], $0xffff  }
0x56: {  	v18 =	vor.u32 v11, v16  }
0x57: {  	v20 =	vor.u32 v12, v19;
	_ =	sdelay $0x3  }
0x58: {  	[tilespmem:v18+s17+$0x0] =	vst.idx.msk $0xffff, v17  }
0x59: {  	v17 =	vld.idx.msk [tilespmem:v20+s10+$0x0], $0xffff  }
0x5a: {  	v18 =	vor.u32 v13, v16  }
0x5b: {  	v19 =	vor.u32 v14, v19  }
.Ltmp2:
0x5c: {  	(pc) =	sbr.rel @p0 .LBB2_3-.Ltmp2, $3  }
0x5d: {  	_ =	sdelay $0x1  }
0x5e: {  	[tilespmem:v18+s17+$0x0] =	vst.idx.msk $0xffff, v17  }
0x5f: {  	v17 =	vadd.s32 s30, v0;
	s30 =	sadd.s32 $0x1, s30;
	v18 =	vld.idx.msk [tilespmem:v19+s10+$0x0], $0xffff  }
0x60: {  	v19 =	vand.u32 $0x1F, v17;
	v16 =	vor.u32 v15, v16  }
0x61: {  	v20 =	vor.u32 v1, v19;
	_ =	sdelay $0x2  }
0x62: {  	v17 =	vshll.u32 v17, $0x7  }
0x63: {  	[tilespmem:v16+s17+$0x0] =	vst.idx.msk $0xffff, v18;
	v16 =	vand.u32 $0xF80, v17  }
0x64: {  	v17 =	vld.idx.msk [tilespmem:v20+s10+$0x0], $0xffff;
	v18 =	vor.u32 v0, v16  }
0x65: {  	v20 =	vor.u32 v2, v19;
	_ =	sdelay $0x3  }
0x66: {  	[tilespmem:v18+s17+$0x0] =	vst.idx.msk $0xffff, v17  }
0x67: {  	v18 =	vor.u32 v3, v16;
	v17 =	vld.idx.msk [tilespmem:v20+s10+$0x0], $0xffff  }
0x68: {  	v20 =	vor.u32 v4, v19;
	_ =	sdelay $0x3  }
0x69: {  	[tilespmem:v18+s17+$0x0] =	vst.idx.msk $0xffff, v17  }
0x6a: {  	v18 =	vor.u32 v5, v16;
	v17 =	vld.idx.msk [tilespmem:v20+s10+$0x0], $0xffff  }
0x6b: {  	v20 =	vor.u32 v6, v19;
	_ =	sdelay $0x3  }
0x6c: {  	[tilespmem:v18+s17+$0x0] =	vst.idx.msk $0xffff, v17  }
0x6d: {  	v18 =	vor.u32 v7, v16;
	v17 =	vld.idx.msk [tilespmem:v20+s10+$0x0], $0xffff  }
0x6e: {  	v20 =	vor.u32 v8, v19;
	_ =	sdelay $0x3  }
0x6f: {  	[tilespmem:v18+s17+$0x0] =	vst.idx.msk $0xffff, v17  }
0x70: {  	v18 =	vor.u32 v9, v16;
	v17 =	vld.idx.msk [tilespmem:v20+s10+$0x0], $0xffff  }
0x71: {  	v20 =	vor.u32 v10, v19;
	_ =	sdelay $0x3  }
0x72: {  	[tilespmem:v18+s17+$0x0] =	vst.idx.msk $0xffff, v17  }
0x73: {  	v18 =	vor.u32 v11, v16;
	v17 =	vld.idx.msk [tilespmem:v20+s10+$0x0], $0xffff  }
0x74: {  	v20 =	vor.u32 v12, v19;
	_ =	sdelay $0x3  }
0x75: {  	[tilespmem:v18+s17+$0x0] =	vst.idx.msk $0xffff, v17  }
0x76: {  	v18 =	vor.u32 v13, v16;
	v17 =	vld.idx.msk [tilespmem:v20+s10+$0x0], $0xffff  }
0x77: {  	v19 =	vor.u32 v14, v19;
	_ =	sdelay $0x3  }
0x78: {  	[tilespmem:v18+s17+$0x0] =	vst.idx.msk $0xffff, v17  }
0x79: {  	v16 =	vor.u32 v15, v16;
	v17 =	vld.idx.msk [tilespmem:v19+s10+$0x0], $0xffff;
	_ =	sdelay $0x1  }
0x7a: {  	s1 =	sshll.u32 s29, $0x7  }
0x7b: {  	s29 =	sshll.u32 s29, $0x9;
	s30 =	sand.u32 $0x3E00, s1  }
0x7c: {  	s31 =	sand.u32 $0xFFF0000, s29;
	s1 =	sadd.s32 s2, s30  }
0x7d: {  	p0 =	seq.s32 s28, $0x19;
	s1 =	sadd.s32 s31, s1;
	[tilespmem:v16+s17+$0x0] =	vst.idx.msk $0xffff, v17  }
0x7e: {  	[hbm4b:s1+s18] =	stream.strided.scatter [tilespmem:s17], [sflag:$0x5], $0x1000, s19, s18, $0x38;
	[tilespmem:$0x9400] =	vst v63  }
0x7f: {  	s1 =	sshll.u32 @!p0 s28, $0x9  }
0x80: {  	s29 =	sand.u32 @!p0 $0x3FFFFE00, s1  }
0x81: {  	s0 =	simm.s32 @!p0 $0x80;
	s12 =	simm.s32 @!p0 $0x3400;
	s1 =	sadd.s32 @!p0 $0x200, s29  }
0x82: {  	[tilespmem:s12], [sflag:$0x1] =	stream.indirect.gather @!p0 [hbm4b:s4+s0], $0x20, s1, s0, $0xb8;
	[tilespmem:$0x9400] =	vst v63  }
0x83: {  	p1 =	seq.s32 @!p0 s28, $0x0;
	s1 =	simm.s32 $0x0  }
0x84: {  	p1 =	por p0, !p1;
	v16 =	vadd.s32 s1, v0  }
0x85: {  	_ =	swait.ge @p1 [sflag:s24], $0x1000;
	v17 =	vand.u32 $0x1F, v16  }
0x86: {  	[sflag:s24] =	ssyncset.done @p1 $0x0;
	v18 =	vor.u32 v1, v17  }
0x87: {  	[sflag:s24] =	ssyncadd.s32 @p1 $0xFFFFF000  }
0x88: {  	_ =	swait.ge [sflag:s20], $0x1000  }
0x89: {  	v16 =	vshll.u32 v16, $0x7;
	[sflag:s20] =	ssyncset.done $0x0  }
0x8a: {  	v16 =	vand.u32 $0xF80, v16;
	[sflag:s20] =	ssyncadd.s32 $0xFFFFF000  }
0x8b: {  	v19 =	vor.u32 v0, v16;
	v18 =	vld.idx.msk [tilespmem:v18+s11+$0x0], $0xffff  }
0x8c: {  	v20 =	vor.u32 v2, v17;
	_ =	sdelay $0x3  }
0x8d: {  	[tilespmem:v19+s21+$0x0] =	vst.idx.msk $0xffff, v18  }
0x8e: {  	v19 =	vor.u32 v3, v16;
	v18 =	vld.idx.msk [tilespmem:v20+s11+$0x0], $0xffff  }
0x8f: {  	v20 =	vor.u32 v4, v17;
	_ =	sdelay $0x3  }
0x90: {  	[tilespmem:v19+s21+$0x0] =	vst.idx.msk $0xffff, v18  }
0x91: {  	v19 =	vor.u32 v5, v16;
	v18 =	vld.idx.msk [tilespmem:v20+s11+$0x0], $0xffff  }
0x92: {  	v20 =	vor.u32 v6, v17;
	_ =	sdelay $0x3  }
0x93: {  	[tilespmem:v19+s21+$0x0] =	vst.idx.msk $0xffff, v18  }
0x94: {  	v19 =	vor.u32 v7, v16;
	v18 =	vld.idx.msk [tilespmem:v20+s11+$0x0], $0xffff  }
0x95: {  	v20 =	vor.u32 v8, v17;
	_ =	sdelay $0x3  }
0x96: {  	[tilespmem:v19+s21+$0x0] =	vst.idx.msk $0xffff, v18  }
0x97: {  	v19 =	vor.u32 v9, v16;
	v18 =	vld.idx.msk [tilespmem:v20+s11+$0x0], $0xffff  }
0x98: {  	v20 =	vor.u32 v10, v17;
	_ =	sdelay $0x3  }
0x99: {  	[tilespmem:v19+s21+$0x0] =	vst.idx.msk $0xffff, v18  }
0x9a: {  	v19 =	vor.u32 v11, v16;
	v18 =	vld.idx.msk [tilespmem:v20+s11+$0x0], $0xffff  }
0x9b: {  	v20 =	vor.u32 v12, v17;
	_ =	sdelay $0x3  }
0x9c: {  	[tilespmem:v19+s21+$0x0] =	vst.idx.msk $0xffff, v18  }
0x9d: {  	v19 =	vor.u32 v13, v16;
	v18 =	vld.idx.msk [tilespmem:v20+s11+$0x0], $0xffff  }
0x9e: {  	v20 =	vor.u32 v14, v17;
	_ =	sdelay $0x3  }
0x9f: {  	s12 =	simm.s32 $0x1;
	[tilespmem:v19+s21+$0x0] =	vst.idx.msk $0xffff, v18  }
0xa0: {  	s1 =	simm.s32 $0x2;
	v17 =	vadd.s32 s12, v0;
	v18 =	vld.idx.msk [tilespmem:v20+s11+$0x0], $0xffff  }
.LBB2_5:
0xa1: {  	p1 =	sne.s32 s1, $0x1F;
	v19 =	vand.u32 $0x1F, v17;
	v16 =	vor.u32 v15, v16  }
0xa2: {  	v20 =	vor.u32 v1, v19;
	_ =	sdelay $0x3  }
0xa3: {  	v17 =	vshll.u32 v17, $0x7;
	[tilespmem:v16+s21+$0x0] =	vst.idx.msk $0xffff, v18  }
0xa4: {  	v16 =	vand.u32 $0xF80, v17;
	v18 =	vld.idx.msk [tilespmem:v20+s11+$0x0], $0xffff  }
0xa5: {  	v17 =	vor.u32 v0, v16  }
0xa6: {  	v20 =	vor.u32 v2, v19;
	_ =	sdelay $0x3  }
0xa7: {  	[tilespmem:v17+s21+$0x0] =	vst.idx.msk $0xffff, v18  }
0xa8: {  	v17 =	vld.idx.msk [tilespmem:v20+s11+$0x0], $0xffff  }
0xa9: {  	v18 =	vor.u32 v3, v16  }
0xaa: {  	v20 =	vor.u32 v4, v19;
	_ =	sdelay $0x3  }
0xab: {  	[tilespmem:v18+s21+$0x0] =	vst.idx.msk $0xffff, v17  }
0xac: {  	v17 =	vld.idx.msk [tilespmem:v20+s11+$0x0], $0xffff  }
0xad: {  	v18 =	vor.u32 v5, v16  }
0xae: {  	v20 =	vor.u32 v6, v19;
	_ =	sdelay $0x3  }
0xaf: {  	[tilespmem:v18+s21+$0x0] =	vst.idx.msk $0xffff, v17  }
0xb0: {  	v17 =	vld.idx.msk [tilespmem:v20+s11+$0x0], $0xffff  }
0xb1: {  	v18 =	vor.u32 v7, v16  }
0xb2: {  	v20 =	vor.u32 v8, v19;
	_ =	sdelay $0x3  }
0xb3: {  	[tilespmem:v18+s21+$0x0] =	vst.idx.msk $0xffff, v17  }
0xb4: {  	v17 =	vld.idx.msk [tilespmem:v20+s11+$0x0], $0xffff  }
0xb5: {  	v18 =	vor.u32 v9, v16  }
0xb6: {  	v20 =	vor.u32 v10, v19;
	_ =	sdelay $0x3  }
0xb7: {  	[tilespmem:v18+s21+$0x0] =	vst.idx.msk $0xffff, v17  }
0xb8: {  	v17 =	vld.idx.msk [tilespmem:v20+s11+$0x0], $0xffff  }
0xb9: {  	v18 =	vor.u32 v11, v16  }
0xba: {  	v20 =	vor.u32 v12, v19;
	_ =	sdelay $0x3  }
0xbb: {  	[tilespmem:v18+s21+$0x0] =	vst.idx.msk $0xffff, v17  }
0xbc: {  	v17 =	vld.idx.msk [tilespmem:v20+s11+$0x0], $0xffff  }
0xbd: {  	v18 =	vor.u32 v13, v16  }
0xbe: {  	v19 =	vor.u32 v14, v19  }
.Ltmp3:
0xbf: {  	(pc) =	sbr.rel @p1 .LBB2_5-.Ltmp3, $3  }
0xc0: {  	_ =	sdelay $0x1  }
0xc1: {  	[tilespmem:v18+s21+$0x0] =	vst.idx.msk $0xffff, v17  }
0xc2: {  	v17 =	vadd.s32 s1, v0;
	s1 =	sadd.s32 $0x1, s1;
	v18 =	vld.idx.msk [tilespmem:v19+s11+$0x0], $0xffff  }
0xc3: {  	v19 =	vand.u32 $0x1F, v17;
	v16 =	vor.u32 v15, v16  }
0xc4: {  	v20 =	vor.u32 v1, v19;
	_ =	sdelay $0x2  }
0xc5: {  	v17 =	vshll.u32 v17, $0x7  }
0xc6: {  	[tilespmem:v16+s21+$0x0] =	vst.idx.msk $0xffff, v18;
	v16 =	vand.u32 $0xF80, v17  }
0xc7: {  	v17 =	vld.idx.msk [tilespmem:v20+s11+$0x0], $0xffff;
	v18 =	vor.u32 v0, v16  }
0xc8: {  	v20 =	vor.u32 v2, v19;
	_ =	sdelay $0x3  }
0xc9: {  	[tilespmem:v18+s21+$0x0] =	vst.idx.msk $0xffff, v17  }
0xca: {  	v18 =	vor.u32 v3, v16;
	v17 =	vld.idx.msk [tilespmem:v20+s11+$0x0], $0xffff  }
0xcb: {  	v20 =	vor.u32 v4, v19;
	_ =	sdelay $0x3  }
0xcc: {  	[tilespmem:v18+s21+$0x0] =	vst.idx.msk $0xffff, v17  }
0xcd: {  	v18 =	vor.u32 v5, v16;
	v17 =	vld.idx.msk [tilespmem:v20+s11+$0x0], $0xffff  }
0xce: {  	v20 =	vor.u32 v6, v19;
	_ =	sdelay $0x3  }
0xcf: {  	[tilespmem:v18+s21+$0x0] =	vst.idx.msk $0xffff, v17  }
0xd0: {  	v18 =	vor.u32 v7, v16;
	v17 =	vld.idx.msk [tilespmem:v20+s11+$0x0], $0xffff  }
0xd1: {  	v20 =	vor.u32 v8, v19;
	_ =	sdelay $0x3  }
0xd2: {  	[tilespmem:v18+s21+$0x0] =	vst.idx.msk $0xffff, v17  }
0xd3: {  	v18 =	vor.u32 v9, v16;
	v17 =	vld.idx.msk [tilespmem:v20+s11+$0x0], $0xffff  }
0xd4: {  	v20 =	vor.u32 v10, v19;
	_ =	sdelay $0x3  }
0xd5: {  	[tilespmem:v18+s21+$0x0] =	vst.idx.msk $0xffff, v17  }
0xd6: {  	v18 =	vor.u32 v11, v16;
	v17 =	vld.idx.msk [tilespmem:v20+s11+$0x0], $0xffff  }
0xd7: {  	v20 =	vor.u32 v12, v19;
	_ =	sdelay $0x3  }
0xd8: {  	[tilespmem:v18+s21+$0x0] =	vst.idx.msk $0xffff, v17  }
0xd9: {  	v18 =	vor.u32 v13, v16;
	v17 =	vld.idx.msk [tilespmem:v20+s11+$0x0], $0xffff  }
0xda: {  	v19 =	vor.u32 v14, v19;
	_ =	sdelay $0x3  }
0xdb: {  	[tilespmem:v18+s21+$0x0] =	vst.idx.msk $0xffff, v17  }
0xdc: {  	v16 =	vor.u32 v15, v16;
	v17 =	vld.idx.msk [tilespmem:v19+s11+$0x0], $0xffff;
	_ =	sdelay $0x2  }
0xdd: {  	s0 =	sadd.s32 s2, s31  }
0xde: {  	s30 =	sadd.s32 s30, s0  }
0xdf: {  	s1 =	simm.s32 @!p0 $0x80;
	s0 =	sadd.s32 $0x80, s30;
	[tilespmem:v16+s21+$0x0] =	vst.idx.msk $0xffff, v17  }
0xe0: {  	[hbm4b:s0+s18] =	stream.strided.scatter [tilespmem:s21], [sflag:$0x6], $0x1000, s19, s18, $0x38;
	[tilespmem:$0x9400] =	vst v63  }
0xe1: {  	s12 =	simm.s32 @!p0 $0x4400;
	s31 =	simm.s32 $0x0;
	s0 =	sadd.s32 @!p0 $0x280, s29  }
0xe2: {  	v16 =	vadd.s32 s31, v0;
	[tilespmem:s12], [sflag:$0x2] =	stream.indirect.gather @!p0 [hbm4b:s4+s1], $0x20, s0, s1, $0xb8;
	[tilespmem:$0x9400] =	vst v63  }
0xe3: {  	v17 =	vand.u32 $0x1F, v16;
	_ =	swait.ge [sflag:s22], $0x1000  }
0xe4: {  	v18 =	vor.u32 v1, v17;
	[sflag:s22] =	ssyncset.done $0x0  }
0xe5: {  	[sflag:s22] =	ssyncadd.s32 $0xFFFFF000  }
0xe6: {  	_ =	swait.ge [sflag:s23], $0x1000  }
0xe7: {  	v16 =	vshll.u32 v16, $0x7;
	[sflag:s23] =	ssyncset.done $0x0  }
0xe8: {  	v16 =	vand.u32 $0xF80, v16;
	[sflag:s23] =	ssyncadd.s32 $0xFFFFF000  }
0xe9: {  	v19 =	vor.u32 v0, v16;
	v18 =	vld.idx.msk [tilespmem:v18+s13+$0x0], $0xffff  }
0xea: {  	v20 =	vor.u32 v2, v17;
	_ =	sdelay $0x3  }
0xeb: {  	[tilespmem:v19+s17+$0x0] =	vst.idx.msk $0xffff, v18  }
0xec: {  	v19 =	vor.u32 v3, v16;
	v18 =	vld.idx.msk [tilespmem:v20+s13+$0x0], $0xffff  }
0xed: {  	v20 =	vor.u32 v4, v17;
	_ =	sdelay $0x3  }
0xee: {  	[tilespmem:v19+s17+$0x0] =	vst.idx.msk $0xffff, v18  }
0xef: {  	v19 =	vor.u32 v5, v16;
	v18 =	vld.idx.msk [tilespmem:v20+s13+$0x0], $0xffff  }
0xf0: {  	v20 =	vor.u32 v6, v17;
	_ =	sdelay $0x3  }
0xf1: {  	[tilespmem:v19+s17+$0x0] =	vst.idx.msk $0xffff, v18  }
0xf2: {  	v19 =	vor.u32 v7, v16;
	v18 =	vld.idx.msk [tilespmem:v20+s13+$0x0], $0xffff  }
0xf3: {  	v20 =	vor.u32 v8, v17;
	_ =	sdelay $0x3  }
0xf4: {  	[tilespmem:v19+s17+$0x0] =	vst.idx.msk $0xffff, v18  }
0xf5: {  	v19 =	vor.u32 v9, v16;
	v18 =	vld.idx.msk [tilespmem:v20+s13+$0x0], $0xffff  }
0xf6: {  	v20 =	vor.u32 v10, v17;
	_ =	sdelay $0x3  }
0xf7: {  	[tilespmem:v19+s17+$0x0] =	vst.idx.msk $0xffff, v18  }
0xf8: {  	v19 =	vor.u32 v11, v16;
	v18 =	vld.idx.msk [tilespmem:v20+s13+$0x0], $0xffff  }
0xf9: {  	v20 =	vor.u32 v12, v17;
	_ =	sdelay $0x3  }
0xfa: {  	[tilespmem:v19+s17+$0x0] =	vst.idx.msk $0xffff, v18  }
0xfb: {  	v19 =	vor.u32 v13, v16;
	v18 =	vld.idx.msk [tilespmem:v20+s13+$0x0], $0xffff  }
0xfc: {  	v20 =	vor.u32 v14, v17;
	_ =	sdelay $0x3  }
0xfd: {  	s12 =	simm.s32 $0x1;
	[tilespmem:v19+s17+$0x0] =	vst.idx.msk $0xffff, v18  }
0xfe: {  	s31 =	sadd.s32 $0x100, s30;
	s1 =	simm.s32 $0x2;
	v17 =	vadd.s32 s12, v0;
	v18 =	vld.idx.msk [tilespmem:v20+s13+$0x0], $0xffff  }
.LBB2_7:
0xff: {  	p1 =	sne.s32 s1, $0x1F;
	v19 =	vand.u32 $0x1F, v17;
	v16 =	vor.u32 v15, v16  }
0x100: {  	v20 =	vor.u32 v1, v19;
	_ =	sdelay $0x3  }
0x101: {  	v17 =	vshll.u32 v17, $0x7;
	[tilespmem:v16+s17+$0x0] =	vst.idx.msk $0xffff, v18  }
0x102: {  	v16 =	vand.u32 $0xF80, v17;
	v18 =	vld.idx.msk [tilespmem:v20+s13+$0x0], $0xffff  }
0x103: {  	v17 =	vor.u32 v0, v16  }
0x104: {  	v20 =	vor.u32 v2, v19;
	_ =	sdelay $0x3  }
0x105: {  	[tilespmem:v17+s17+$0x0] =	vst.idx.msk $0xffff, v18  }
0x106: {  	v17 =	vld.idx.msk [tilespmem:v20+s13+$0x0], $0xffff  }
0x107: {  	v18 =	vor.u32 v3, v16  }
0x108: {  	v20 =	vor.u32 v4, v19;
	_ =	sdelay $0x3  }
0x109: {  	[tilespmem:v18+s17+$0x0] =	vst.idx.msk $0xffff, v17  }
0x10a: {  	v17 =	vld.idx.msk [tilespmem:v20+s13+$0x0], $0xffff  }
0x10b: {  	v18 =	vor.u32 v5, v16  }
0x10c: {  	v20 =	vor.u32 v6, v19;
	_ =	sdelay $0x3  }
0x10d: {  	[tilespmem:v18+s17+$0x0] =	vst.idx.msk $0xffff, v17  }
0x10e: {  	v17 =	vld.idx.msk [tilespmem:v20+s13+$0x0], $0xffff  }
0x10f: {  	v18 =	vor.u32 v7, v16  }
0x110: {  	v20 =	vor.u32 v8, v19;
	_ =	sdelay $0x3  }
0x111: {  	[tilespmem:v18+s17+$0x0] =	vst.idx.msk $0xffff, v17  }
0x112: {  	v17 =	vld.idx.msk [tilespmem:v20+s13+$0x0], $0xffff  }
0x113: {  	v18 =	vor.u32 v9, v16  }
0x114: {  	v20 =	vor.u32 v10, v19;
	_ =	sdelay $0x3  }
0x115: {  	[tilespmem:v18+s17+$0x0] =	vst.idx.msk $0xffff, v17  }
0x116: {  	v17 =	vld.idx.msk [tilespmem:v20+s13+$0x0], $0xffff  }
0x117: {  	v18 =	vor.u32 v11, v16  }
0x118: {  	v20 =	vor.u32 v12, v19;
	_ =	sdelay $0x3  }
0x119: {  	[tilespmem:v18+s17+$0x0] =	vst.idx.msk $0xffff, v17  }
0x11a: {  	v17 =	vld.idx.msk [tilespmem:v20+s13+$0x0], $0xffff  }
0x11b: {  	v18 =	vor.u32 v13, v16  }
0x11c: {  	v19 =	vor.u32 v14, v19  }
.Ltmp4:
0x11d: {  	(pc) =	sbr.rel @p1 .LBB2_7-.Ltmp4, $3  }
0x11e: {  	_ =	sdelay $0x1  }
0x11f: {  	[tilespmem:v18+s17+$0x0] =	vst.idx.msk $0xffff, v17  }
0x120: {  	v17 =	vadd.s32 s1, v0;
	s1 =	sadd.s32 $0x1, s1;
	v18 =	vld.idx.msk [tilespmem:v19+s13+$0x0], $0xffff  }
0x121: {  	v19 =	vand.u32 $0x1F, v17;
	v16 =	vor.u32 v15, v16  }
0x122: {  	v20 =	vor.u32 v1, v19;
	_ =	sdelay $0x2  }
0x123: {  	v17 =	vshll.u32 v17, $0x7  }
0x124: {  	[tilespmem:v16+s17+$0x0] =	vst.idx.msk $0xffff, v18;
	v16 =	vand.u32 $0xF80, v17  }
0x125: {  	v17 =	vld.idx.msk [tilespmem:v20+s13+$0x0], $0xffff;
	v18 =	vor.u32 v0, v16  }
0x126: {  	v20 =	vor.u32 v2, v19;
	_ =	sdelay $0x3  }
0x127: {  	[tilespmem:v18+s17+$0x0] =	vst.idx.msk $0xffff, v17  }
0x128: {  	v18 =	vor.u32 v3, v16;
	v17 =	vld.idx.msk [tilespmem:v20+s13+$0x0], $0xffff  }
0x129: {  	v20 =	vor.u32 v4, v19;
	_ =	sdelay $0x3  }
0x12a: {  	[tilespmem:v18+s17+$0x0] =	vst.idx.msk $0xffff, v17  }
0x12b: {  	v18 =	vor.u32 v5, v16;
	v17 =	vld.idx.msk [tilespmem:v20+s13+$0x0], $0xffff  }
0x12c: {  	v20 =	vor.u32 v6, v19;
	_ =	sdelay $0x3  }
0x12d: {  	[tilespmem:v18+s17+$0x0] =	vst.idx.msk $0xffff, v17  }
0x12e: {  	v18 =	vor.u32 v7, v16;
	v17 =	vld.idx.msk [tilespmem:v20+s13+$0x0], $0xffff  }
0x12f: {  	v20 =	vor.u32 v8, v19;
	_ =	sdelay $0x3  }
0x130: {  	[tilespmem:v18+s17+$0x0] =	vst.idx.msk $0xffff, v17  }
0x131: {  	v18 =	vor.u32 v9, v16;
	v17 =	vld.idx.msk [tilespmem:v20+s13+$0x0], $0xffff  }
0x132: {  	v20 =	vor.u32 v10, v19;
	_ =	sdelay $0x3  }
0x133: {  	[tilespmem:v18+s17+$0x0] =	vst.idx.msk $0xffff, v17  }
0x134: {  	v18 =	vor.u32 v11, v16;
	v17 =	vld.idx.msk [tilespmem:v20+s13+$0x0], $0xffff  }
0x135: {  	v20 =	vor.u32 v12, v19;
	_ =	sdelay $0x3  }
0x136: {  	[tilespmem:v18+s17+$0x0] =	vst.idx.msk $0xffff, v17  }
0x137: {  	v18 =	vor.u32 v13, v16;
	v17 =	vld.idx.msk [tilespmem:v20+s13+$0x0], $0xffff  }
0x138: {  	v19 =	vor.u32 v14, v19;
	_ =	sdelay $0x3  }
0x139: {  	[tilespmem:v18+s17+$0x0] =	vst.idx.msk $0xffff, v17  }
0x13a: {  	v16 =	vor.u32 v15, v16;
	v17 =	vld.idx.msk [tilespmem:v19+s13+$0x0], $0xffff;
	_ =	sdelay $0x4  }
0x13b: {  	s0 =	sadd.s32 @!p0 $0x300, s29;
	[tilespmem:v16+s17+$0x0] =	vst.idx.msk $0xffff, v17  }
0x13c: {  	[hbm4b:s31+s18] =	stream.strided.scatter [tilespmem:s17], [sflag:$0x5], $0x1000, s19, s18, $0x38;
	[tilespmem:$0x9400] =	vst v63  }
0x13d: {  	s1 =	simm.s32 @!p0 $0x80;
	s12 =	simm.s32 @!p0 $0x5400;
	s29 =	simm.s32 $0x0  }
0x13e: {  	v16 =	vadd.s32 s29, v0;
	[tilespmem:s12], [sflag:$0x3] =	stream.indirect.gather @!p0 [hbm4b:s4+s1], $0x20, s0, s1, $0xb8;
	[tilespmem:$0x9400] =	vst v63  }
0x13f: {  	v17 =	vand.u32 $0x1F, v16;
	_ =	swait.ge [sflag:s24], $0x1000  }
0x140: {  	v18 =	vor.u32 v1, v17;
	[sflag:s24] =	ssyncset.done $0x0  }
0x141: {  	[sflag:s24] =	ssyncadd.s32 $0xFFFFF000  }
0x142: {  	_ =	swait.ge [sflag:s25], $0x1000  }
0x143: {  	v16 =	vshll.u32 v16, $0x7;
	[sflag:s25] =	ssyncset.done $0x0  }
0x144: {  	v16 =	vand.u32 $0xF80, v16;
	[sflag:s25] =	ssyncadd.s32 $0xFFFFF000  }
0x145: {  	v19 =	vor.u32 v0, v16;
	v18 =	vld.idx.msk [tilespmem:v18+s15+$0x0], $0xffff  }
0x146: {  	v20 =	vor.u32 v2, v17;
	_ =	sdelay $0x3  }
0x147: {  	[tilespmem:v19+s21+$0x0] =	vst.idx.msk $0xffff, v18  }
0x148: {  	v19 =	vor.u32 v3, v16;
	v18 =	vld.idx.msk [tilespmem:v20+s15+$0x0], $0xffff  }
0x149: {  	v20 =	vor.u32 v4, v17;
	_ =	sdelay $0x3  }
0x14a: {  	[tilespmem:v19+s21+$0x0] =	vst.idx.msk $0xffff, v18  }
0x14b: {  	v19 =	vor.u32 v5, v16;
	v18 =	vld.idx.msk [tilespmem:v20+s15+$0x0], $0xffff  }
0x14c: {  	v20 =	vor.u32 v6, v17;
	_ =	sdelay $0x3  }
0x14d: {  	[tilespmem:v19+s21+$0x0] =	vst.idx.msk $0xffff, v18  }
0x14e: {  	v19 =	vor.u32 v7, v16;
	v18 =	vld.idx.msk [tilespmem:v20+s15+$0x0], $0xffff  }
0x14f: {  	v20 =	vor.u32 v8, v17;
	_ =	sdelay $0x3  }
0x150: {  	[tilespmem:v19+s21+$0x0] =	vst.idx.msk $0xffff, v18  }
0x151: {  	v19 =	vor.u32 v9, v16;
	v18 =	vld.idx.msk [tilespmem:v20+s15+$0x0], $0xffff  }
0x152: {  	v20 =	vor.u32 v10, v17;
	_ =	sdelay $0x3  }
0x153: {  	[tilespmem:v19+s21+$0x0] =	vst.idx.msk $0xffff, v18  }
0x154: {  	v19 =	vor.u32 v11, v16;
	v18 =	vld.idx.msk [tilespmem:v20+s15+$0x0], $0xffff  }
0x155: {  	v20 =	vor.u32 v12, v17;
	_ =	sdelay $0x3  }
0x156: {  	[tilespmem:v19+s21+$0x0] =	vst.idx.msk $0xffff, v18  }
0x157: {  	v19 =	vor.u32 v13, v16;
	v18 =	vld.idx.msk [tilespmem:v20+s15+$0x0], $0xffff  }
0x158: {  	v20 =	vor.u32 v14, v17;
	_ =	sdelay $0x3  }
0x159: {  	s31 =	simm.s32 $0x1;
	[tilespmem:v19+s21+$0x0] =	vst.idx.msk $0xffff, v18  }
0x15a: {  	s29 =	sadd.s32 $0x180, s30;
	s1 =	simm.s32 $0x2;
	v17 =	vadd.s32 s31, v0;
	v18 =	vld.idx.msk [tilespmem:v20+s15+$0x0], $0xffff  }
.LBB2_9:
0x15b: {  	p1 =	sne.s32 s1, $0x1F;
	v19 =	vand.u32 $0x1F, v17;
	v16 =	vor.u32 v15, v16  }
0x15c: {  	v20 =	vor.u32 v1, v19;
	_ =	sdelay $0x3  }
0x15d: {  	v17 =	vshll.u32 v17, $0x7;
	[tilespmem:v16+s21+$0x0] =	vst.idx.msk $0xffff, v18  }
0x15e: {  	v16 =	vand.u32 $0xF80, v17;
	v18 =	vld.idx.msk [tilespmem:v20+s15+$0x0], $0xffff  }
0x15f: {  	v17 =	vor.u32 v0, v16  }
0x160: {  	v20 =	vor.u32 v2, v19;
	_ =	sdelay $0x3  }
0x161: {  	[tilespmem:v17+s21+$0x0] =	vst.idx.msk $0xffff, v18  }
0x162: {  	v17 =	vld.idx.msk [tilespmem:v20+s15+$0x0], $0xffff  }
0x163: {  	v18 =	vor.u32 v3, v16  }
0x164: {  	v20 =	vor.u32 v4, v19;
	_ =	sdelay $0x3  }
0x165: {  	[tilespmem:v18+s21+$0x0] =	vst.idx.msk $0xffff, v17  }
0x166: {  	v17 =	vld.idx.msk [tilespmem:v20+s15+$0x0], $0xffff  }
0x167: {  	v18 =	vor.u32 v5, v16  }
0x168: {  	v20 =	vor.u32 v6, v19;
	_ =	sdelay $0x3  }
0x169: {  	[tilespmem:v18+s21+$0x0] =	vst.idx.msk $0xffff, v17  }
0x16a: {  	v17 =	vld.idx.msk [tilespmem:v20+s15+$0x0], $0xffff  }
0x16b: {  	v18 =	vor.u32 v7, v16  }
0x16c: {  	v20 =	vor.u32 v8, v19;
	_ =	sdelay $0x3  }
0x16d: {  	[tilespmem:v18+s21+$0x0] =	vst.idx.msk $0xffff, v17  }
0x16e: {  	v17 =	vld.idx.msk [tilespmem:v20+s15+$0x0], $0xffff  }
0x16f: {  	v18 =	vor.u32 v9, v16  }
0x170: {  	v20 =	vor.u32 v10, v19;
	_ =	sdelay $0x3  }
0x171: {  	[tilespmem:v18+s21+$0x0] =	vst.idx.msk $0xffff, v17  }
0x172: {  	v17 =	vld.idx.msk [tilespmem:v20+s15+$0x0], $0xffff  }
0x173: {  	v18 =	vor.u32 v11, v16  }
0x174: {  	v20 =	vor.u32 v12, v19;
	_ =	sdelay $0x3  }
0x175: {  	[tilespmem:v18+s21+$0x0] =	vst.idx.msk $0xffff, v17  }
0x176: {  	v17 =	vld.idx.msk [tilespmem:v20+s15+$0x0], $0xffff  }
0x177: {  	v18 =	vor.u32 v13, v16  }
0x178: {  	v19 =	vor.u32 v14, v19  }
.Ltmp5:
0x179: {  	(pc) =	sbr.rel @p1 .LBB2_9-.Ltmp5, $3  }
0x17a: {  	_ =	sdelay $0x1  }
0x17b: {  	[tilespmem:v18+s21+$0x0] =	vst.idx.msk $0xffff, v17  }
0x17c: {  	v17 =	vadd.s32 s1, v0;
	s1 =	sadd.s32 $0x1, s1;
	v18 =	vld.idx.msk [tilespmem:v19+s15+$0x0], $0xffff  }
0x17d: {  	v19 =	vand.u32 $0x1F, v17;
	v16 =	vor.u32 v15, v16  }
0x17e: {  	v20 =	vor.u32 v1, v19;
	_ =	sdelay $0x2  }
0x17f: {  	v17 =	vshll.u32 v17, $0x7  }
0x180: {  	[tilespmem:v16+s21+$0x0] =	vst.idx.msk $0xffff, v18;
	v16 =	vand.u32 $0xF80, v17  }
0x181: {  	v17 =	vld.idx.msk [tilespmem:v20+s15+$0x0], $0xffff;
	v51 =	vor.u32 v0, v16  }
0x182: {  	v52 =	vor.u32 v2, v19;
	_ =	sdelay $0x3  }
0x183: {  	[tilespmem:v51+s21+$0x0] =	vst.idx.msk $0xffff, v17  }
0x184: {  	v53 =	vor.u32 v3, v16;
	v17 =	vld.idx.msk [tilespmem:v52+s15+$0x0], $0xffff  }
0x185: {  	v54 =	vor.u32 v4, v19;
	_ =	sdelay $0x3  }
0x186: {  	[tilespmem:v53+s21+$0x0] =	vst.idx.msk $0xffff, v17  }
0x187: {  	v55 =	vor.u32 v5, v16;
	v17 =	vld.idx.msk [tilespmem:v54+s15+$0x0], $0xffff  }
0x188: {  	v56 =	vor.u32 v6, v19;
	_ =	sdelay $0x3  }
0x189: {  	[tilespmem:v55+s21+$0x0] =	vst.idx.msk $0xffff, v17  }
0x18a: {  	v57 =	vor.u32 v7, v16;
	v17 =	vld.idx.msk [tilespmem:v56+s15+$0x0], $0xffff  }
0x18b: {  	v58 =	vor.u32 v8, v19;
	_ =	sdelay $0x3  }
0x18c: {  	[tilespmem:v57+s21+$0x0] =	vst.idx.msk $0xffff, v17  }
0x18d: {  	v59 =	vor.u32 v9, v16;
	v17 =	vld.idx.msk [tilespmem:v58+s15+$0x0], $0xffff  }
0x18e: {  	v60 =	vor.u32 v10, v19;
	_ =	sdelay $0x3  }
0x18f: {  	[tilespmem:v59+s21+$0x0] =	vst.idx.msk $0xffff, v17  }
0x190: {  	v61 =	vor.u32 v11, v16;
	v17 =	vld.idx.msk [tilespmem:v60+s15+$0x0], $0xffff  }
0x191: {  	v62 =	vor.u32 v12, v19;
	_ =	sdelay $0x3  }
0x192: {  	[tilespmem:v61+s21+$0x0] =	vst.idx.msk $0xffff, v17  }
0x193: {  	v63 =	vor.u32 v13, v16;
	v17 =	vld.idx.msk [tilespmem:v62+s15+$0x0], $0xffff  }
0x194: {  	v19 =	vor.u32 v14, v19;
	_ =	sdelay $0x3  }
0x195: {  	[tilespmem:v63+s21+$0x0] =	vst.idx.msk $0xffff, v17  }
0x196: {  	v16 =	vor.u32 v15, v16;
	v17 =	vld.idx.msk [tilespmem:v19+s15+$0x0], $0xffff;
	_ =	sdelay $0x1  }
.Ltmp6:
0x197: {  	_ = 	snop;
	(pc) =	sbr.rel @p0 .LBB2_12-.Ltmp6, $3  }
0x198: {  	_ =	sdelay $0x1  }
0x199: {  	[tilespmem:v16+s21+$0x0] =	vst.idx.msk $0xffff, v17  }
0x19a: {  	[hbm4b:s29+s18] =	stream.strided.scatter [tilespmem:s21], [sflag:$0x6], $0x1000, s19, s18, $0x38;
	[tilespmem:$0x9400] =	vst v63  }
.Ltmp7:
0x19b: {  	(pc) =	sbr.rel .LBB2_2-.Ltmp7, $4  }
0x19c: {  	s0 =	sshll.u32 s28, $0x9  }
0x19d: {  	s0 =	sand.u32 $0x3FFFFE00, s0  }
0x19e: {  	s28 =	sadd.s32 $0x1, s28;
	s0 =	sadd.s32 $0x380, s0  }
0x19f: {  	[tilespmem:s15], [sflag:$0x4] =	stream.indirect.gather [hbm4b:s4+s9], $0x20, s0, s9, $0xb8;
	[tilespmem:$0x9400] =	vst v63  }
.LBB2_13:
0x1a0: {  	_ =	sfence.sel $0x180000  }
0x1a1: {  	[bflag:$0x0] =	sbarrier.arrive $0xFFFF  }
0x1a2: {  	_ =	strace $0x9000004A  }
0x1a3: {  	s0 =	stileid.u32;
	[bflag:$0x2] =	sbarrier.arrive $0xFFFF  }
0x1a4: {  	p0 =	sne.s32 s0, $0x0;
	s0 =	rddreg [dreg:$0x2]  }
0x1a5: {  	s0 =	sadd.s32 @!p0 $0x100000, s0  }
0x1a6: {  	[sflag:s0] =	ssyncadd.tile.s32 @!p0 $0x1;
	_ =	shalt  }
.Lfunc_end2:
_tile_overlayer_lowered:
.L_overlay_start_2:
0x1a7: {  	(tag) =	ssettag $0x2  }
0x1a8: {  	s0 =	rddreg [dreg:$0x0];
	s2 =	stileid.u32  }
0x1a9: {  	s1 =	rddreg [dreg:$0x1];
	p0 =	sne.s32 s2, $0x0  }
0x1aa: {  	s3 =	rddreg [dreg:$0x2];
	[bflag:$0x3] =	sbarrier.arrive $0xFFFF;
	s2 =	simm.s32 @!p0 $0x1C07  }
0x1ab: {  	[timem:s3], [sflag:s2] =	dma.local @!p0 [hbm:s0], s1  }
0x1ac: {  	s0 =	simm.s32 @!p0 $0x7  }
0x1ad: {  	_ =	swait.ge @!p0 [sflag:s0], s1  }
0x1ae: {  	s1 =	ssub.s32 @!p0 $0x0, s1;
	[sflag:s0] =	ssyncset.done @!p0 $0x0  }
0x1af: {  	[sflag:s0] =	ssyncadd.s32 @!p0 s1  }
0x1b0: {  	[bflag:$0x3] =	sbarrier.arrive $0xFFFF  }
0x1b1: {  	_ =	shalt  }

</sc_bundles>
